<compile_context>
chip_gen: v7x
topology: tpu7x:2x2x1
jax: 0.10.2.dev20260603
libtpu: 0.0.44.dev20260713+nightly
codegen_flags: <defaults>
</compile_context>

<pallas_src>
import jax
import jax.numpy as jnp
from jax import lax
from jax.experimental import pallas as pl
from jax.experimental.pallas import tpu as pltpu
from jax.experimental.pallas import tpu_sc as plsc

N_NODES = 10000
N_EDGES = 320000
D = 128
DH = 64
D_EDGE = 16

NC = 2
NS = 16
CH = 64
N_CHUNKS = N_EDGES // CH
NH = 5120
ACC_ROWS = 5248
ROWS_PER_TILE = ACC_ROWS // NS
N_PAD = 10240



def _node_mm_body(x_ref, w_ref, ab_ref):
    ab_ref[...] = jnp.dot(x_ref[...], w_ref[0],
                          preferred_element_type=jnp.float32)


def _node_mm(x, w1, w2):
    bn = 1000
    nblk = N_NODES // bn
    w12 = jnp.stack([w1, w2])
    return pl.pallas_call(
        _node_mm_body,
        grid=(2 * nblk,),
        in_specs=[
            pl.BlockSpec((bn, D), lambda i: (i % nblk, 0)),
            pl.BlockSpec((1, D, D), lambda i: (i // nblk, 0, 0)),
        ],
        out_specs=pl.BlockSpec((bn, D), lambda i: (i, 0)),
        out_shape=jax.ShapeDtypeStruct((2 * N_NODES, D), jnp.float32),
    )(x, w12)



def _edge_mm_body(e_ref, w3_ref, b_ref, c_ref):
    c_ref[...] = (
        jnp.dot(e_ref[...], w3_ref[...], preferred_element_type=jnp.float32)
        + b_ref[...]
    )


def _edge_mm(edge_attr, w3, b_msg):
    eb = 4000
    grid = N_EDGES // eb
    return pl.pallas_call(
        _edge_mm_body,
        grid=(grid,),
        in_specs=[
            pl.BlockSpec((eb, D_EDGE), lambda i: (i, 0)),
            pl.BlockSpec((D_EDGE, D), lambda i: (0, 0)),
            pl.BlockSpec((D,), lambda i: (0,)),
        ],
        out_specs=pl.BlockSpec((eb, D), lambda i: (i, 0)),
        out_shape=jax.ShapeDtypeStruct((N_EDGES, D), jnp.float32),
    )(edge_attr, w3, b_msg)



def _sc_edge_body(ab_hbm, c_hbm, src_hbm, dst_hbm, out_hbm, deg_hbm,
                  cidxf, didxgf, didxl2, rows_ab2, rows_c2, msg, deg_v, acc,
                  sem_g, sem_c, sem_i):
    cid = lax.axis_index("c")
    sid = lax.axis_index("s")

    zv = jnp.zeros((16,), jnp.float32)

    def zrow(i, _):
        for j in range(D // 16):
            msg[i, pl.ds(j * 16, 16)] = zv
        return 0
    lax.fori_loop(0, CH, zrow, 0)

    def zdeg(i, _):
        deg_v[pl.ds(i * 16, 16)] = zv
        return 0
    lax.fori_loop(0, N_PAD // 16, zdeg, 0)

    n_zblk = ACC_ROWS // CH
    for t in range(-(-n_zblk // NS)):
        zb = jnp.minimum(sid + t * NS, n_zblk - 1)
        pltpu.sync_copy(msg, acc.at[pl.ds(zb * CH, CH)])

    plsc.subcore_barrier()

    ones16 = jnp.ones((16,), jnp.float32)
    trash16 = jnp.full((16,), N_PAD - 1, jnp.int32)
    n_iters = -(-N_CHUNKS // NS)

    def e_of(ch):
        return jnp.where(ch < N_CHUNKS, ch, 0) * CH


    def fix(ch, ps):
        valid = ch < N_CHUNKS
        for k in range(CH // 16):
            dvg = didxgf[pl.ds(ps * CH + k * 16, 16)]
            cidxf[pl.ds(ps * 2 * CH + CH + k * 16, 16)] = dvg + N_NODES
            dvd = jnp.where(valid, dvg, trash16)
            plsc.addupdate_scatter(deg_v, [dvd], ones16)
            dl = dvg - cid * NH
            oob = (dl < 0) | (dl >= NH) | jnp.logical_not(valid)
            didxl2[ps, pl.ds(k * 16, 16)] = jnp.where(oob, NH, dl)

    def issue_idx(ch, ps):
        e0 = e_of(ch)
        pltpu.async_copy(src_hbm.at[pl.ds(e0, CH)],
                         cidxf.at[pl.ds(ps * 2 * CH, CH)], sem_i)
        pltpu.async_copy(dst_hbm.at[pl.ds(e0, CH)],
                         didxgf.at[pl.ds(ps * CH, CH)], sem_i)

    def drain_idx(ps):
        pltpu.make_async_copy(src_hbm.at[pl.ds(0, CH)],
                              cidxf.at[pl.ds(ps * 2 * CH, CH)], sem_i).wait()
        pltpu.make_async_copy(dst_hbm.at[pl.ds(0, CH)],
                              didxgf.at[pl.ds(ps * CH, CH)], sem_i).wait()

    def issue_gc(ch, ps):
        e0 = e_of(ch)
        pltpu.async_copy(ab_hbm.at[cidxf.at[pl.ds(ps * 2 * CH, 2 * CH)]],
                         rows_ab2.at[pl.ds(ps * 2 * CH, 2 * CH)], sem_g)
        pltpu.async_copy(c_hbm.at[pl.ds(e0, CH)],
                         rows_c2.at[pl.ds(ps * CH, CH)], sem_c)

    def drain_gc(ps):
        pltpu.make_async_copy(ab_hbm.at[pl.ds(0, 2 * CH)],
                              rows_ab2.at[pl.ds(ps * 2 * CH, 2 * CH)],
                              sem_g).wait()
        pltpu.make_async_copy(c_hbm.at[pl.ds(0, CH)],
                              rows_c2.at[pl.ds(ps * CH, CH)], sem_c).wait()

    ch0 = sid
    e0 = e_of(ch0)
    pltpu.sync_copy(src_hbm.at[pl.ds(e0, CH)], cidxf.at[pl.ds(0, CH)])
    pltpu.sync_copy(dst_hbm.at[pl.ds(e0, CH)], didxgf.at[pl.ds(0, CH)])
    fix(ch0, 0)
    issue_gc(ch0, 0)
    issue_idx(ch0 + NS, 1)

    def chunk_fn(ci, _):
        p = lax.rem(ci, 2)
        pn = 1 - p
        ch_cur = sid + ci * NS
        drain_idx(pn)
        fix(ch_cur + NS, pn)
        drain_gc(p)
        issue_gc(ch_cur + NS, pn)
        issue_idx(ch_cur + 2 * NS, p)

        poff = p * 2 * CH
        pcoff = p * CH

        RU = 8

        def row_fn(i, _):
            r0 = i * RU
            for r in range(RU):
                for j in range(D // 16):
                    sl = pl.ds(j * 16, 16)
                    msg[r0 + r, sl] = jnp.maximum(
                        rows_ab2[poff + r0 + r, sl]
                        + rows_ab2[poff + CH + r0 + r, sl]
                        + rows_c2[pcoff + r0 + r, sl], 0.0)
            return 0
        lax.fori_loop(0, CH // RU, row_fn, 0)

        pltpu.sync_copy(msg, acc.at[didxl2.at[p]], add=True)
        return 0

    lax.fori_loop(0, n_iters, chunk_fn, 0)

    drain_gc(n_iters % 2)
    drain_idx((n_iters - 1) % 2)

    plsc.subcore_barrier()

    tb = sid * ROWS_PER_TILE
    pltpu.sync_copy(acc.at[pl.ds(tb, ROWS_PER_TILE)],
                    out_hbm.at[cid, pl.ds(tb, ROWS_PER_TILE)])
    pltpu.sync_copy(deg_v, deg_hbm.at[cid * NS + sid])


def _sc_edge(ab, c, src, dst):
    mesh = plsc.VectorSubcoreMesh(core_axis_name="c", subcore_axis_name="s")
    fn = pl.kernel(
        _sc_edge_body,
        out_type=[
            jax.ShapeDtypeStruct((NC, ACC_ROWS, D), jnp.float32),
            jax.ShapeDtypeStruct((NC * NS, N_PAD), jnp.float32),
        ],
        mesh=mesh,
        scratch_types=[
            pltpu.VMEM((2 * 2 * CH,), jnp.int32),
            pltpu.VMEM((2 * CH,), jnp.int32),
            pltpu.VMEM((2, CH), jnp.int32),
            pltpu.VMEM((2 * 2 * CH, D), jnp.float32),
            pltpu.VMEM((2 * CH, D), jnp.float32),
            pltpu.VMEM((CH, D), jnp.float32),
            pltpu.VMEM((N_PAD,), jnp.float32),
            pltpu.VMEM_SHARED((ACC_ROWS, D), jnp.float32),
            pltpu.SemaphoreType.DMA,
            pltpu.SemaphoreType.DMA,
            pltpu.SemaphoreType.DMA,
        ],
        compiler_params=pltpu.CompilerParams(needs_layout_passes=False),
    )
    return fn(ab, c, src, dst)



def _update_body(x_ref, parts_ref, degs_ref, wu_ref, bu_ref, g_ref, bt_ref,
                 o_ref):
    agg_sum = parts_ref[0]
    deg = 0.5 * jnp.sum(degs_ref[...], axis=0)
    agg = agg_sum / jnp.maximum(deg, 1.0)[:, None]
    xb = x_ref[...]
    wu = wu_ref[...]
    u = (jnp.dot(xb, wu[:D], preferred_element_type=jnp.float32)
         + jnp.dot(agg, wu[D:], preferred_element_type=jnp.float32)
         + bu_ref[...])
    h = xb + jnp.maximum(u, 0.0)
    mu = jnp.mean(h, axis=-1, keepdims=True)
    var = jnp.mean((h - mu) ** 2, axis=-1, keepdims=True)
    o_ref[...] = g_ref[...] * (h - mu) * lax.rsqrt(var + 1e-5) + bt_ref[...]


def _update(x, parts, degs, w_upd, b_upd, g, bt):
    bn = 1024
    grid = N_PAD // bn
    return pl.pallas_call(
        _update_body,
        grid=(grid,),
        in_specs=[
            pl.BlockSpec((bn, D), lambda i: (i, 0)),
            pl.BlockSpec((1, bn, D), lambda i: (i // 5, i % 5, 0)),
            pl.BlockSpec((NC * NS, bn), lambda i: (0, i)),
            pl.BlockSpec((2 * D, D), lambda i: (0, 0)),
            pl.BlockSpec((D,), lambda i: (0,)),
            pl.BlockSpec((D,), lambda i: (0,)),
            pl.BlockSpec((D,), lambda i: (0,)),
        ],
        out_specs=pl.BlockSpec((bn, D), lambda i: (i, 0)),
        out_shape=jax.ShapeDtypeStruct((N_NODES, D), jnp.float32),
    )(x, parts, degs, w_upd, b_upd, g, bt)



def kernel(x, edge_index, edge_attr, W_msg, b_msg, W_upd, b_upd,
           ln_gamma, ln_beta):
    src = edge_index[0].astype(jnp.int32)
    dst = edge_index[1].astype(jnp.int32)
    w1 = W_msg[:D]
    w2 = W_msg[D:2 * D]
    w3 = W_msg[2 * D:]
    ab = _node_mm(x, w1, w2)
    c = _edge_mm(edge_attr, w3, b_msg)
    parts, degs = _sc_edge(ab, c, src, dst)
    return _update(x, parts, degs, W_upd, b_upd, ln_gamma, ln_beta)

# --- scband reference (transcript-rebuilt; emitter-appended) ---
"""Pipeline reference for scband-pscpall-chis-network-36215164240934 (READ-ONLY COPY).

The authoritative reference and input builder live on the scoring server;
editing this copy changes nothing except your own understanding.
"""

import jax, jax.numpy as jnp
import numpy as np

N_NODES = 10000
N_EDGES = 320000
D_FEAT = 128
D_EDGE = 16

def setup_inputs(seed: int = 0) -> dict:
    key = jax.random.key(seed)
    k1, k2, k3, k4, k5, k6, k7 = jax.random.split(key, 7)
    x = jax.random.normal(k1, (N_NODES, D_FEAT), dtype=jnp.float32)
    edge_index = jax.random.randint(k2, (2, N_EDGES), 0, N_NODES, dtype=jnp.int64)
    edge_attr = jax.random.normal(k3, (N_EDGES, D_EDGE), dtype=jnp.float32)
    # message MLP: concat(x_src, x_dst, edge_attr) -> D_FEAT
    W_msg = jax.random.normal(k4, (2 * D_FEAT + D_EDGE, D_FEAT), dtype=jnp.float32) * (1.0 / np.sqrt(2 * D_FEAT + D_EDGE))
    b_msg = jnp.zeros((D_FEAT,), dtype=jnp.float32)
    # update MLP: concat(x, agg) -> D_FEAT
    W_upd = jax.random.normal(k5, (2 * D_FEAT, D_FEAT), dtype=jnp.float32) * (1.0 / np.sqrt(2 * D_FEAT))
    b_upd = jnp.zeros((D_FEAT,), dtype=jnp.float32)
    ln_gamma = jnp.ones((D_FEAT,), dtype=jnp.float32)
    ln_beta = jnp.zeros((D_FEAT,), dtype=jnp.float32)
    return {"x": x, "edge_index": edge_index, "edge_attr": edge_attr,
            "W_msg": W_msg, "b_msg": b_msg, "W_upd": W_upd, "b_upd": b_upd,
            "ln_gamma": ln_gamma, "ln_beta": ln_beta}

def _layer_norm(h, gamma, beta, eps=1e-5):
    mu = jnp.mean(h, axis=-1, keepdims=True)
    var = jnp.var(h, axis=-1, keepdims=True)
    return gamma * (h - mu) / jnp.sqrt(var + eps) + beta

def reference(x, edge_index, edge_attr, W_msg, b_msg, W_upd, b_upd, ln_gamma, ln_beta):
    src = edge_index[0]
    dst = edge_index[1]
    # gather endpoint features (memory-bound sparse gather)
    x_src = jnp.take(x, src, axis=0)
    x_dst = jnp.take(x, dst, axis=0)
    m_in = jnp.concatenate([x_src, x_dst, edge_attr], axis=-1)
    msg = jax.nn.relu(m_in @ W_msg + b_msg)
    # scatter-add aggregation to destination nodes
    agg = jax.ops.segment_sum(msg, dst, num_segments=x.shape[0])
    deg = jax.ops.segment_sum(jnp.ones((dst.shape[0],), dtype=jnp.float32), dst, num_segments=x.shape[0])
    agg = agg / jnp.maximum(deg, 1.0)[:, None]
    u_in = jnp.concatenate([x, agg], axis=-1)
    h = x + jax.nn.relu(u_in @ W_upd + b_upd)
    out = _layer_norm(h, ln_gamma, ln_beta)
    return out

if __name__ == "__main__":
    import jax
    _d = setup_inputs()
    print(jax.jit(kernel)(*tuple(_d.values())))

</pallas_src>

<mosaic_0001>
#map = affine_map<(d0, d1) -> (0, 0)>
#map1 = affine_map<(d0, d1) -> (0)>
#map2 = affine_map<(d0, d1) -> (0, 0, 0)>
module attributes {stable_mosaic.version = 14 : i64} {
  func.func @_sc_edge_body(%arg0: i32, %arg1: i32, %arg2: memref<20000x128xf32, #tpu.memory_space<hbm>>, %arg3: memref<320000x128xf32, #tpu.memory_space<hbm>>, %arg4: memref<320000xi32, #tpu.memory_space<hbm>>, %arg5: memref<320000xi32, #tpu.memory_space<hbm>>, %arg6: memref<2x5248x128xf32, #tpu.memory_space<hbm>>, %arg7: memref<32x10240xf32, #tpu.memory_space<hbm>>, %arg8: memref<256xi32, #tpu.memory_space<vmem>>, %arg9: memref<128xi32, #tpu.memory_space<vmem>>, %arg10: memref<2x64xi32, #tpu.memory_space<vmem>>, %arg11: memref<256x128xf32, #tpu.memory_space<vmem>>, %arg12: memref<128x128xf32, #tpu.memory_space<vmem>>, %arg13: memref<64x128xf32, #tpu.memory_space<vmem>>, %arg14: memref<10240xf32, #tpu.memory_space<vmem>>, %arg15: memref<5248x128xf32, #tpu.memory_space<vmem_shared>>, %arg16: memref<!tpu.dma_semaphore, #tpu.memory_space<semaphore_mem>>, %arg17: memref<!tpu.dma_semaphore, #tpu.memory_space<semaphore_mem>>, %arg18: memref<!tpu.dma_semaphore, #tpu.memory_space<semaphore_mem>>) attributes {dimension_semantics = [#tpu.dimension_semantics<core_parallel>, #tpu.dimension_semantics<subcore_parallel>], iteration_bounds = array<i64: 2, 16>, scalar_prefetch = 0 : i64, scratch_operands = 11 : i64, tpu.core_type = #tpu.core_type<sc_vector_subcore>, window_params = [{transform_indices = #map}, {transform_indices = #map}, {transform_indices = #map1}, {transform_indices = #map1}, {transform_indices = #map2}, {transform_indices = #map}]} {
    %broadcast_in_dim3A = arith.constant 0.000000e+00 : f32
    %broadcast_in_dim3A_0 = vector.broadcast %broadcast_in_dim3A : f32 to vector<16xf32>
    %scan3A = arith.constant 0 : i32
    %scan3A_1 = arith.constant 0 : i32
    %scan3A_2 = arith.constant 64 : i32
    %scan3A_3 = arith.addi %scan3A_1, %scan3A_2 : i32
    %scan3A_4 = arith.constant 1 : i32
    %scan3A_5 = scf.for %scan3A_265 = %scan3A_1 to %scan3A_3 step %scan3A_4 iter_args(%scan3A_266 = %scan3A) -> (i32)  : i32 {
      %swap3A_267 = arith.index_cast %scan3A_265 : i32 to index
      %swap3A_268 = arith.constant 0 : index
      %swap3A_269 = tpu.vector_load %arg13[%swap3A_267, %swap3A_268] {strides = array<i32>} : memref<64x128xf32, #tpu.memory_space<vmem>>, vector<16xf32>,
      tpu.vector_store %arg13[%swap3A_267, %swap3A_268], %broadcast_in_dim3A_0 {strides = array<i32>} : memref<64x128xf32, #tpu.memory_space<vmem>>, vector<16xf32>,
      %swap3A_270 = arith.index_cast %scan3A_265 : i32 to index
      %swap3A_271 = arith.constant 16 : index
      %swap3A_272 = tpu.vector_load %arg13[%swap3A_270, %swap3A_271] {strides = array<i32>} : memref<64x128xf32, #tpu.memory_space<vmem>>, vector<16xf32>,
      tpu.vector_store %arg13[%swap3A_270, %swap3A_271], %broadcast_in_dim3A_0 {strides = array<i32>} : memref<64x128xf32, #tpu.memory_space<vmem>>, vector<16xf32>,
      %swap3A_273 = arith.index_cast %scan3A_265 : i32 to index
      %swap3A_274 = arith.constant 32 : index
      %swap3A_275 = tpu.vector_load %arg13[%swap3A_273, %swap3A_274] {strides = array<i32>} : memref<64x128xf32, #tpu.memory_space<vmem>>, vector<16xf32>,
      tpu.vector_store %arg13[%swap3A_273, %swap3A_274], %broadcast_in_dim3A_0 {strides = array<i32>} : memref<64x128xf32, #tpu.memory_space<vmem>>, vector<16xf32>,
      %swap3A_276 = arith.index_cast %scan3A_265 : i32 to index
      %swap3A_277 = arith.constant 48 : index
      %swap3A_278 = tpu.vector_load %arg13[%swap3A_276, %swap3A_277] {strides = array<i32>} : memref<64x128xf32, #tpu.memory_space<vmem>>, vector<16xf32>,
      tpu.vector_store %arg13[%swap3A_276, %swap3A_277], %broadcast_in_dim3A_0 {strides = array<i32>} : memref<64x128xf32, #tpu.memory_space<vmem>>, vector<16xf32>,
      %swap3A_279 = arith.index_cast %scan3A_265 : i32 to index
      %swap3A_280 = arith.constant 64 : index
      %swap3A_281 = tpu.vector_load %arg13[%swap3A_279, %swap3A_280] {strides = array<i32>} : memref<64x128xf32, #tpu.memory_space<vmem>>, vector<16xf32>,
      tpu.vector_store %arg13[%swap3A_279, %swap3A_280], %broadcast_in_dim3A_0 {strides = array<i32>} : memref<64x128xf32, #tpu.memory_space<vmem>>, vector<16xf32>,
      %swap3A_282 = arith.index_cast %scan3A_265 : i32 to index
      %swap3A_283 = arith.constant 80 : index
      %swap3A_284 = tpu.vector_load %arg13[%swap3A_282, %swap3A_283] {strides = array<i32>} : memref<64x128xf32, #tpu.memory_space<vmem>>, vector<16xf32>,
      tpu.vector_store %arg13[%swap3A_282, %swap3A_283], %broadcast_in_dim3A_0 {strides = array<i32>} : memref<64x128xf32, #tpu.memory_space<vmem>>, vector<16xf32>,
      %swap3A_285 = arith.index_cast %scan3A_265 : i32 to index
      %swap3A_286 = arith.constant 96 : index
      %swap3A_287 = tpu.vector_load %arg13[%swap3A_285, %swap3A_286] {strides = array<i32>} : memref<64x128xf32, #tpu.memory_space<vmem>>, vector<16xf32>,
      tpu.vector_store %arg13[%swap3A_285, %swap3A_286], %broadcast_in_dim3A_0 {strides = array<i32>} : memref<64x128xf32, #tpu.memory_space<vmem>>, vector<16xf32>,
      %swap3A_288 = arith.index_cast %scan3A_265 : i32 to index
      %swap3A_289 = arith.constant 112 : index
      %swap3A_290 = tpu.vector_load %arg13[%swap3A_288, %swap3A_289] {strides = array<i32>} : memref<64x128xf32, #tpu.memory_space<vmem>>, vector<16xf32>,
      tpu.vector_store %arg13[%swap3A_288, %swap3A_289], %broadcast_in_dim3A_0 {strides = array<i32>} : memref<64x128xf32, #tpu.memory_space<vmem>>, vector<16xf32>,
      %scan3A_291 = arith.constant 0 : i32
      scf.yield %scan3A_291 : i32
    }
    %scan3A_6 = arith.constant 64 : i32
    %scan3A_7 = arith.constant 0 : i32
    %scan3A_8 = arith.constant 0 : i32
    %scan3A_9 = arith.constant 640 : i32
    %scan3A_10 = arith.addi %scan3A_8, %scan3A_9 : i32
    %scan3A_11 = arith.constant 1 : i32
    %scan3A_12 = scf.for %scan3A_265 = %scan3A_8 to %scan3A_10 step %scan3A_11 iter_args(%scan3A_266 = %scan3A_7) -> (i32)  : i32 {
      %mul3A_267 = arith.constant 16 : i32
      %mul3A_268 = arith.muli %scan3A_265, %mul3A_267 : i32
      %swap3A_269 = arith.index_cast %mul3A_268 : i32 to index
      %swap3A_270 = tpu.vector_load %arg14[%swap3A_269] {strides = array<i32>} : memref<10240xf32, #tpu.memory_space<vmem>>, vector<16xf32>,
      tpu.vector_store %arg14[%swap3A_269], %broadcast_in_dim3A_0 {strides = array<i32>} : memref<10240xf32, #tpu.memory_space<vmem>>, vector<16xf32>,
      %scan3A_271 = arith.constant 0 : i32
      scf.yield %scan3A_271 : i32
    }
    %scan3A_13 = arith.constant 640 : i32
    %add3A = arith.constant 0 : i32
    %add3A_14 = arith.addi %arg1, %add3A : i32
    %min3A = arith.constant 81 : i32
    %min3A_15 = arith.minsi %add3A_14, %min3A : i32
    %mul3A = arith.constant 64 : i32
    %mul3A_16 = arith.muli %min3A_15, %mul3A : i32
    "tpu.region"() ({
      %run_scoped3A = tpu.sem_alloc : memref<!tpu.dma_semaphore, #tpu.memory_space<semaphore_mem>>
      %dma_start3A_265 = arith.constant 0 : i32
      %dma_start3A_266 = tpu.memref_slice %arg15[%mul3A_16, %dma_start3A_265] : memref<5248x128xf32, #tpu.memory_space<vmem_shared>> -> memref<64x128xf32, #tpu.memory_space<vmem_shared>>
      %dma_start3A_267 = arith.constant 0 : i32
      %dma_start3A_268 = tpu.memref_slice %arg15[%mul3A_16, %dma_start3A_267] : memref<5248x128xf32, #tpu.memory_space<vmem_shared>> -> memref<64x128xf32, #tpu.memory_space<vmem_shared>>
      tpu.enqueue_dma source(%arg13 : memref<64x128xf32, #tpu.memory_space<vmem>>) target(%dma_start3A_268 : memref<64x128xf32, #tpu.memory_space<vmem_shared>>) target_semaphore(%run_scoped3A : memref<!tpu.dma_semaphore, #tpu.memory_space<semaphore_mem>>)
      %dma_wait3A_269 = arith.constant 0 : i32
      %dma_wait3A_270 = tpu.memref_slice %arg15[%mul3A_16, %dma_wait3A_269] : memref<5248x128xf32, #tpu.memory_space<vmem_shared>> -> memref<64x128xf32, #tpu.memory_space<vmem_shared>>
      %dma_wait3A_271 = arith.constant 0 : i32
      %dma_wait3A_272 = tpu.memref_slice %arg15[%mul3A_16, %dma_wait3A_271] : memref<5248x128xf32, #tpu.memory_space<vmem_shared>> -> memref<64x128xf32, #tpu.memory_space<vmem_shared>>
      tpu.wait_dma2 semaphore(%run_scoped3A : memref<!tpu.dma_semaphore, #tpu.memory_space<semaphore_mem>>) src(%arg13 : memref<64x128xf32, #tpu.memory_space<vmem>>) dst(%dma_wait3A_272 : memref<64x128xf32, #tpu.memory_space<vmem_shared>>)
      tpu.yield
    }) : () -> ()
    %add3A_17 = arith.constant 16 : i32
    %add3A_18 = arith.addi %arg1, %add3A_17 : i32
    %min3A_19 = arith.constant 81 : i32
    %min3A_20 = arith.minsi %add3A_18, %min3A_19 : i32
    %mul3A_21 = arith.constant 64 : i32
    %mul3A_22 = arith.muli %min3A_20, %mul3A_21 : i32
    "tpu.region"() ({
      %run_scoped3A = tpu.sem_alloc : memref<!tpu.dma_semaphore, #tpu.memory_space<semaphore_mem>>
      %dma_start3A_265 = arith.constant 0 : i32
      %dma_start3A_266 = tpu.memref_slice %arg15[%mul3A_22, %dma_start3A_265] : memref<5248x128xf32, #tpu.memory_space<vmem_shared>> -> memref<64x128xf32, #tpu.memory_space<vmem_shared>>
      %dma_start3A_267 = arith.constant 0 : i32
      %dma_start3A_268 = tpu.memref_slice %arg15[%mul3A_22, %dma_start3A_267] : memref<5248x128xf32, #tpu.memory_space<vmem_shared>> -> memref<64x128xf32, #tpu.memory_space<vmem_shared>>
      tpu.enqueue_dma source(%arg13 : memref<64x128xf32, #tpu.memory_space<vmem>>) target(%dma_start3A_268 : memref<64x128xf32, #tpu.memory_space<vmem_shared>>) target_semaphore(%run_scoped3A : memref<!tpu.dma_semaphore, #tpu.memory_space<semaphore_mem>>)
      %dma_wait3A_269 = arith.constant 0 : i32
      %dma_wait3A_270 = tpu.memref_slice %arg15[%mul3A_22, %dma_wait3A_269] : memref<5248x128xf32, #tpu.memory_space<vmem_shared>> -> memref<64x128xf32, #tpu.memory_space<vmem_shared>>
      %dma_wait3A_271 = arith.constant 0 : i32
      %dma_wait3A_272 = tpu.memref_slice %arg15[%mul3A_22, %dma_wait3A_271] : memref<5248x128xf32, #tpu.memory_space<vmem_shared>> -> memref<64x128xf32, #tpu.memory_space<vmem_shared>>
      tpu.wait_dma2 semaphore(%run_scoped3A : memref<!tpu.dma_semaphore, #tpu.memory_space<semaphore_mem>>) src(%arg13 : memref<64x128xf32, #tpu.memory_space<vmem>>) dst(%dma_wait3A_272 : memref<64x128xf32, #tpu.memory_space<vmem_shared>>)
      tpu.yield
    }) : () -> ()
    %add3A_23 = arith.constant 32 : i32
    %add3A_24 = arith.addi %arg1, %add3A_23 : i32
    %min3A_25 = arith.constant 81 : i32
    %min3A_26 = arith.minsi %add3A_24, %min3A_25 : i32
    %mul3A_27 = arith.constant 64 : i32
    %mul3A_28 = arith.muli %min3A_26, %mul3A_27 : i32
    "tpu.region"() ({
      %run_scoped3A = tpu.sem_alloc : memref<!tpu.dma_semaphore, #tpu.memory_space<semaphore_mem>>
      %dma_start3A_265 = arith.constant 0 : i32
      %dma_start3A_266 = tpu.memref_slice %arg15[%mul3A_28, %dma_start3A_265] : memref<5248x128xf32, #tpu.memory_space<vmem_shared>> -> memref<64x128xf32, #tpu.memory_space<vmem_shared>>
      %dma_start3A_267 = arith.constant 0 : i32
      %dma_start3A_268 = tpu.memref_slice %arg15[%mul3A_28, %dma_start3A_267] : memref<5248x128xf32, #tpu.memory_space<vmem_shared>> -> memref<64x128xf32, #tpu.memory_space<vmem_shared>>
      tpu.enqueue_dma source(%arg13 : memref<64x128xf32, #tpu.memory_space<vmem>>) target(%dma_start3A_268 : memref<64x128xf32, #tpu.memory_space<vmem_shared>>) target_semaphore(%run_scoped3A : memref<!tpu.dma_semaphore, #tpu.memory_space<semaphore_mem>>)
      %dma_wait3A_269 = arith.constant 0 : i32
      %dma_wait3A_270 = tpu.memref_slice %arg15[%mul3A_28, %dma_wait3A_269] : memref<5248x128xf32, #tpu.memory_space<vmem_shared>> -> memref<64x128xf32, #tpu.memory_space<vmem_shared>>
      %dma_wait3A_271 = arith.constant 0 : i32
      %dma_wait3A_272 = tpu.memref_slice %arg15[%mul3A_28, %dma_wait3A_271] : memref<5248x128xf32, #tpu.memory_space<vmem_shared>> -> memref<64x128xf32, #tpu.memory_space<vmem_shared>>
      tpu.wait_dma2 semaphore(%run_scoped3A : memref<!tpu.dma_semaphore, #tpu.memory_space<semaphore_mem>>) src(%arg13 : memref<64x128xf32, #tpu.memory_space<vmem>>) dst(%dma_wait3A_272 : memref<64x128xf32, #tpu.memory_space<vmem_shared>>)
      tpu.yield
    }) : () -> ()
    %add3A_29 = arith.constant 48 : i32
    %add3A_30 = arith.addi %arg1, %add3A_29 : i32
    %min3A_31 = arith.constant 81 : i32
    %min3A_32 = arith.minsi %add3A_30, %min3A_31 : i32
    %mul3A_33 = arith.constant 64 : i32
    %mul3A_34 = arith.muli %min3A_32, %mul3A_33 : i32
    "tpu.region"() ({
      %run_scoped3A = tpu.sem_alloc : memref<!tpu.dma_semaphore, #tpu.memory_space<semaphore_mem>>
      %dma_start3A_265 = arith.constant 0 : i32
      %dma_start3A_266 = tpu.memref_slice %arg15[%mul3A_34, %dma_start3A_265] : memref<5248x128xf32, #tpu.memory_space<vmem_shared>> -> memref<64x128xf32, #tpu.memory_space<vmem_shared>>
      %dma_start3A_267 = arith.constant 0 : i32
      %dma_start3A_268 = tpu.memref_slice %arg15[%mul3A_34, %dma_start3A_267] : memref<5248x128xf32, #tpu.memory_space<vmem_shared>> -> memref<64x128xf32, #tpu.memory_space<vmem_shared>>
      tpu.enqueue_dma source(%arg13 : memref<64x128xf32, #tpu.memory_space<vmem>>) target(%dma_start3A_268 : memref<64x128xf32, #tpu.memory_space<vmem_shared>>) target_semaphore(%run_scoped3A : memref<!tpu.dma_semaphore, #tpu.memory_space<semaphore_mem>>)
      %dma_wait3A_269 = arith.constant 0 : i32
      %dma_wait3A_270 = tpu.memref_slice %arg15[%mul3A_34, %dma_wait3A_269] : memref<5248x128xf32, #tpu.memory_space<vmem_shared>> -> memref<64x128xf32, #tpu.memory_space<vmem_shared>>
      %dma_wait3A_271 = arith.constant 0 : i32
      %dma_wait3A_272 = tpu.memref_slice %arg15[%mul3A_34, %dma_wait3A_271] : memref<5248x128xf32, #tpu.memory_space<vmem_shared>> -> memref<64x128xf32, #tpu.memory_space<vmem_shared>>
      tpu.wait_dma2 semaphore(%run_scoped3A : memref<!tpu.dma_semaphore, #tpu.memory_space<semaphore_mem>>) src(%arg13 : memref<64x128xf32, #tpu.memory_space<vmem>>) dst(%dma_wait3A_272 : memref<64x128xf32, #tpu.memory_space<vmem_shared>>)
      tpu.yield
    }) : () -> ()
    %add3A_35 = arith.constant 64 : i32
    %add3A_36 = arith.addi %arg1, %add3A_35 : i32
    %min3A_37 = arith.constant 81 : i32
    %min3A_38 = arith.minsi %add3A_36, %min3A_37 : i32
    %mul3A_39 = arith.constant 64 : i32
    %mul3A_40 = arith.muli %min3A_38, %mul3A_39 : i32
    "tpu.region"() ({
      %run_scoped3A = tpu.sem_alloc : memref<!tpu.dma_semaphore, #tpu.memory_space<semaphore_mem>>
      %dma_start3A_265 = arith.constant 0 : i32
      %dma_start3A_266 = tpu.memref_slice %arg15[%mul3A_40, %dma_start3A_265] : memref<5248x128xf32, #tpu.memory_space<vmem_shared>> -> memref<64x128xf32, #tpu.memory_space<vmem_shared>>
      %dma_start3A_267 = arith.constant 0 : i32
      %dma_start3A_268 = tpu.memref_slice %arg15[%mul3A_40, %dma_start3A_267] : memref<5248x128xf32, #tpu.memory_space<vmem_shared>> -> memref<64x128xf32, #tpu.memory_space<vmem_shared>>
      tpu.enqueue_dma source(%arg13 : memref<64x128xf32, #tpu.memory_space<vmem>>) target(%dma_start3A_268 : memref<64x128xf32, #tpu.memory_space<vmem_shared>>) target_semaphore(%run_scoped3A : memref<!tpu.dma_semaphore, #tpu.memory_space<semaphore_mem>>)
      %dma_wait3A_269 = arith.constant 0 : i32
      %dma_wait3A_270 = tpu.memref_slice %arg15[%mul3A_40, %dma_wait3A_269] : memref<5248x128xf32, #tpu.memory_space<vmem_shared>> -> memref<64x128xf32, #tpu.memory_space<vmem_shared>>
      %dma_wait3A_271 = arith.constant 0 : i32
      %dma_wait3A_272 = tpu.memref_slice %arg15[%mul3A_40, %dma_wait3A_271] : memref<5248x128xf32, #tpu.memory_space<vmem_shared>> -> memref<64x128xf32, #tpu.memory_space<vmem_shared>>
      tpu.wait_dma2 semaphore(%run_scoped3A : memref<!tpu.dma_semaphore, #tpu.memory_space<semaphore_mem>>) src(%arg13 : memref<64x128xf32, #tpu.memory_space<vmem>>) dst(%dma_wait3A_272 : memref<64x128xf32, #tpu.memory_space<vmem_shared>>)
      tpu.yield
    }) : () -> ()
    %add3A_41 = arith.constant 80 : i32
    %add3A_42 = arith.addi %arg1, %add3A_41 : i32
    %min3A_43 = arith.constant 81 : i32
    %min3A_44 = arith.minsi %add3A_42, %min3A_43 : i32
    %mul3A_45 = arith.constant 64 : i32
    %mul3A_46 = arith.muli %min3A_44, %mul3A_45 : i32
    "tpu.region"() ({
      %run_scoped3A = tpu.sem_alloc : memref<!tpu.dma_semaphore, #tpu.memory_space<semaphore_mem>>
      %dma_start3A_265 = arith.constant 0 : i32
      %dma_start3A_266 = tpu.memref_slice %arg15[%mul3A_46, %dma_start3A_265] : memref<5248x128xf32, #tpu.memory_space<vmem_shared>> -> memref<64x128xf32, #tpu.memory_space<vmem_shared>>
      %dma_start3A_267 = arith.constant 0 : i32
      %dma_start3A_268 = tpu.memref_slice %arg15[%mul3A_46, %dma_start3A_267] : memref<5248x128xf32, #tpu.memory_space<vmem_shared>> -> memref<64x128xf32, #tpu.memory_space<vmem_shared>>
      tpu.enqueue_dma source(%arg13 : memref<64x128xf32, #tpu.memory_space<vmem>>) target(%dma_start3A_268 : memref<64x128xf32, #tpu.memory_space<vmem_shared>>) target_semaphore(%run_scoped3A : memref<!tpu.dma_semaphore, #tpu.memory_space<semaphore_mem>>)
      %dma_wait3A_269 = arith.constant 0 : i32
      %dma_wait3A_270 = tpu.memref_slice %arg15[%mul3A_46, %dma_wait3A_269] : memref<5248x128xf32, #tpu.memory_space<vmem_shared>> -> memref<64x128xf32, #tpu.memory_space<vmem_shared>>
      %dma_wait3A_271 = arith.constant 0 : i32
      %dma_wait3A_272 = tpu.memref_slice %arg15[%mul3A_46, %dma_wait3A_271] : memref<5248x128xf32, #tpu.memory_space<vmem_shared>> -> memref<64x128xf32, #tpu.memory_space<vmem_shared>>
      tpu.wait_dma2 semaphore(%run_scoped3A : memref<!tpu.dma_semaphore, #tpu.memory_space<semaphore_mem>>) src(%arg13 : memref<64x128xf32, #tpu.memory_space<vmem>>) dst(%dma_wait3A_272 : memref<64x128xf32, #tpu.memory_space<vmem_shared>>)
      tpu.yield
    }) : () -> ()
    %barrier3A = arith.constant 0 : index
    tpu.barrier barrier_id(%barrier3A)
    %broadcast_in_dim3A_47 = arith.constant 1.000000e+00 : f32
    %broadcast_in_dim3A_48 = vector.broadcast %broadcast_in_dim3A_47 : f32 to vector<16xf32>
    %broadcast_in_dim3A_49 = arith.constant 10239 : i32
    %broadcast_in_dim3A_50 = vector.broadcast %broadcast_in_dim3A_49 : i32 to vector<16xi32>
    %lt3A = arith.constant 5000 : i32
    %lt3A_51 = arith.cmpi slt, %arg1, %lt3A : i32
    %jit3A = arith.constant 0 : i32
    %select_n3A = arith.select %lt3A_51, %arg1, %jit3A : i32
    %mul3A_52 = arith.constant 64 : i32
    %mul3A_53 = arith.muli %select_n3A, %mul3A_52 : i32
    "tpu.region"() ({
      %run_scoped3A = tpu.sem_alloc : memref<!tpu.dma_semaphore, #tpu.memory_space<semaphore_mem>>
      %dma_start3A_265 = arith.constant 0 : i32
      %dma_start3A_266 = tpu.memref_slice %arg8[%dma_start3A_265] : memref<256xi32, #tpu.memory_space<vmem>> -> memref<64xi32, #tpu.memory_space<vmem>>
      %dma_start3A_267 = tpu.memref_slice %arg4[%mul3A_53] : memref<320000xi32, #tpu.memory_space<hbm>> -> memref<64xi32, #tpu.memory_space<hbm>>
      %dma_start3A_268 = arith.constant 0 : i32
      %dma_start3A_269 = tpu.memref_slice %arg8[%dma_start3A_268] : memref<256xi32, #tpu.memory_space<vmem>> -> memref<64xi32, #tpu.memory_space<vmem>>
      %dma_start3A_270 = tpu.memref_slice %arg4[%mul3A_53] : memref<320000xi32, #tpu.memory_space<hbm>> -> memref<64xi32, #tpu.memory_space<hbm>>
      tpu.enqueue_dma source(%dma_start3A_270 : memref<64xi32, #tpu.memory_space<hbm>>) target(%dma_start3A_269 : memref<64xi32, #tpu.memory_space<vmem>>) target_semaphore(%run_scoped3A : memref<!tpu.dma_semaphore, #tpu.memory_space<semaphore_mem>>)
      %dma_wait3A_271 = arith.constant 0 : i32
      %dma_wait3A_272 = tpu.memref_slice %arg8[%dma_wait3A_271] : memref<256xi32, #tpu.memory_space<vmem>> -> memref<64xi32, #tpu.memory_space<vmem>>
      %dma_wait3A_273 = tpu.memref_slice %arg4[%mul3A_53] : memref<320000xi32, #tpu.memory_space<hbm>> -> memref<64xi32, #tpu.memory_space<hbm>>
      %dma_wait3A_274 = arith.constant 0 : i32
      %dma_wait3A_275 = tpu.memref_slice %arg8[%dma_wait3A_274] : memref<256xi32, #tpu.memory_space<vmem>> -> memref<64xi32, #tpu.memory_space<vmem>>
      %dma_wait3A_276 = tpu.memref_slice %arg4[%mul3A_53] : memref<320000xi32, #tpu.memory_space<hbm>> -> memref<64xi32, #tpu.memory_space<hbm>>
      tpu.wait_dma2 semaphore(%run_scoped3A : memref<!tpu.dma_semaphore, #tpu.memory_space<semaphore_mem>>) src(%dma_wait3A_276 : memref<64xi32, #tpu.memory_space<hbm>>) dst(%dma_wait3A_275 : memref<64xi32, #tpu.memory_space<vmem>>)
      tpu.yield
    }) : () -> ()
    "tpu.region"() ({
      %run_scoped3A = tpu.sem_alloc : memref<!tpu.dma_semaphore, #tpu.memory_space<semaphore_mem>>
      %dma_start3A_265 = arith.constant 0 : i32
      %dma_start3A_266 = tpu.memref_slice %arg9[%dma_start3A_265] : memref<128xi32, #tpu.memory_space<vmem>> -> memref<64xi32, #tpu.memory_space<vmem>>
      %dma_start3A_267 = tpu.memref_slice %arg5[%mul3A_53] : memref<320000xi32, #tpu.memory_space<hbm>> -> memref<64xi32, #tpu.memory_space<hbm>>
      %dma_start3A_268 = arith.constant 0 : i32
      %dma_start3A_269 = tpu.memref_slice %arg9[%dma_start3A_268] : memref<128xi32, #tpu.memory_space<vmem>> -> memref<64xi32, #tpu.memory_space<vmem>>
      %dma_start3A_270 = tpu.memref_slice %arg5[%mul3A_53] : memref<320000xi32, #tpu.memory_space<hbm>> -> memref<64xi32, #tpu.memory_space<hbm>>
      tpu.enqueue_dma source(%dma_start3A_270 : memref<64xi32, #tpu.memory_space<hbm>>) target(%dma_start3A_269 : memref<64xi32, #tpu.memory_space<vmem>>) target_semaphore(%run_scoped3A : memref<!tpu.dma_semaphore, #tpu.memory_space<semaphore_mem>>)
      %dma_wait3A_271 = arith.constant 0 : i32
      %dma_wait3A_272 = tpu.memref_slice %arg9[%dma_wait3A_271] : memref<128xi32, #tpu.memory_space<vmem>> -> memref<64xi32, #tpu.memory_space<vmem>>
      %dma_wait3A_273 = tpu.memref_slice %arg5[%mul3A_53] : memref<320000xi32, #tpu.memory_space<hbm>> -> memref<64xi32, #tpu.memory_space<hbm>>
      %dma_wait3A_274 = arith.constant 0 : i32
      %dma_wait3A_275 = tpu.memref_slice %arg9[%dma_wait3A_274] : memref<128xi32, #tpu.memory_space<vmem>> -> memref<64xi32, #tpu.memory_space<vmem>>
      %dma_wait3A_276 = tpu.memref_slice %arg5[%mul3A_53] : memref<320000xi32, #tpu.memory_space<hbm>> -> memref<64xi32, #tpu.memory_space<hbm>>
      tpu.wait_dma2 semaphore(%run_scoped3A : memref<!tpu.dma_semaphore, #tpu.memory_space<semaphore_mem>>) src(%dma_wait3A_276 : memref<64xi32, #tpu.memory_space<hbm>>) dst(%dma_wait3A_275 : memref<64xi32, #tpu.memory_space<vmem>>)
      tpu.yield
    }) : () -> ()
    %lt3A_54 = arith.constant 5000 : i32
    %lt3A_55 = arith.cmpi slt, %arg1, %lt3A_54 : i32
    %get3A = arith.constant 0 : index
    %get3A_56 = tpu.vector_load %arg9[%get3A] {strides = array<i32>} : memref<128xi32, #tpu.memory_space<vmem>>, vector<16xi32>,
    %add3A_57 = arith.constant 10000 : i32
    %add3A_58 = vector.broadcast %add3A_57 : i32 to vector<16xi32>
    %add3A_59 = arith.addi %get3A_56, %add3A_58 : vector<16xi32>
    %swap3A = arith.constant 64 : index
    %swap3A_60 = tpu.vector_load %arg8[%swap3A] {strides = array<i32>} : memref<256xi32, #tpu.memory_space<vmem>>, vector<16xi32>,
    tpu.vector_store %arg8[%swap3A], %add3A_59 {strides = array<i32>} : memref<256xi32, #tpu.memory_space<vmem>>, vector<16xi32>,
    %select_n3A_61 = arith.select %lt3A_55, %get3A_56, %broadcast_in_dim3A_50 : vector<16xi32>
    tpu.vector_store_idx %arg14[%select_n3A_61], %broadcast_in_dim3A_48 {add = true} : memref<10240xf32, #tpu.memory_space<vmem>>[vector<16xi32>], vector<16xf32>,
    %mul3A_62 = arith.constant 5120 : i32
    %mul3A_63 = arith.muli %arg0, %mul3A_62 : i32
    %sub3A = vector.broadcast %mul3A_63 : i32 to vector<16xi32>
    %sub3A_64 = arith.subi %get3A_56, %sub3A : vector<16xi32>
    %lt3A_65 = arith.constant 0 : i32
    %lt3A_66 = vector.broadcast %lt3A_65 : i32 to vector<16xi32>
    %lt3A_67 = arith.cmpi slt, %sub3A_64, %lt3A_66 : vector<16xi32>
    %ge3A = arith.constant 5120 : i32
    %ge3A_68 = vector.broadcast %ge3A : i32 to vector<16xi32>
    %ge3A_69 = arith.cmpi sge, %sub3A_64, %ge3A_68 : vector<16xi32>
    %or3A = arith.ori %lt3A_67, %ge3A_69 : vector<16xi1>
    %not3A = arith.constant true
    %not3A_70 = arith.xori %lt3A_55, %not3A : i1
    %or3A_71 = vector.broadcast %not3A_70 : i1 to vector<16xi1>
    %or3A_72 = arith.ori %or3A, %or3A_71 : vector<16xi1>
    %jit3A_73 = arith.constant 5120 : i32
    %broadcast_in_dim3A_74 = vector.broadcast %jit3A_73 : i32 to vector<16xi32>
    %select_n3A_75 = arith.select %or3A_72, %broadcast_in_dim3A_74, %sub3A_64 : vector<16xi1>, vector<16xi32>
    %swap3A_76 = arith.constant 0 : i32
    %swap3A_77 = arith.index_cast %swap3A_76 : i32 to index
    %swap3A_78 = arith.constant 0 : index
    %swap3A_79 = tpu.vector_load %arg10[%swap3A_77, %swap3A_78] {strides = array<i32>} : memref<2x64xi32, #tpu.memory_space<vmem>>, vector<16xi32>,
    tpu.vector_store %arg10[%swap3A_77, %swap3A_78], %select_n3A_75 {strides = array<i32>} : memref<2x64xi32, #tpu.memory_space<vmem>>, vector<16xi32>,
    %get3A_80 = arith.constant 16 : index
    %get3A_81 = tpu.vector_load %arg9[%get3A_80] {strides = array<i32>} : memref<128xi32, #tpu.memory_space<vmem>>, vector<16xi32>,
    %add3A_82 = arith.constant 10000 : i32
    %add3A_83 = vector.broadcast %add3A_82 : i32 to vector<16xi32>
    %add3A_84 = arith.addi %get3A_81, %add3A_83 : vector<16xi32>
    %swap3A_85 = arith.constant 80 : index
    %swap3A_86 = tpu.vector_load %arg8[%swap3A_85] {strides = array<i32>} : memref<256xi32, #tpu.memory_space<vmem>>, vector<16xi32>,
    tpu.vector_store %arg8[%swap3A_85], %add3A_84 {strides = array<i32>} : memref<256xi32, #tpu.memory_space<vmem>>, vector<16xi32>,
    %select_n3A_87 = arith.select %lt3A_55, %get3A_81, %broadcast_in_dim3A_50 : vector<16xi32>
    tpu.vector_store_idx %arg14[%select_n3A_87], %broadcast_in_dim3A_48 {add = true} : memref<10240xf32, #tpu.memory_space<vmem>>[vector<16xi32>], vector<16xf32>,
    %mul3A_88 = arith.constant 5120 : i32
    %mul3A_89 = arith.muli %arg0, %mul3A_88 : i32
    %sub3A_90 = vector.broadcast %mul3A_89 : i32 to vector<16xi32>
    %sub3A_91 = arith.subi %get3A_81, %sub3A_90 : vector<16xi32>
    %lt3A_92 = arith.constant 0 : i32
    %lt3A_93 = vector.broadcast %lt3A_92 : i32 to vector<16xi32>
    %lt3A_94 = arith.cmpi slt, %sub3A_91, %lt3A_93 : vector<16xi32>
    %ge3A_95 = arith.constant 5120 : i32
    %ge3A_96 = vector.broadcast %ge3A_95 : i32 to vector<16xi32>
    %ge3A_97 = arith.cmpi sge, %sub3A_91, %ge3A_96 : vector<16xi32>
    %or3A_98 = arith.ori %lt3A_94, %ge3A_97 : vector<16xi1>
    %not3A_99 = arith.constant true
    %not3A_100 = arith.xori %lt3A_55, %not3A_99 : i1
    %or3A_101 = vector.broadcast %not3A_100 : i1 to vector<16xi1>
    %or3A_102 = arith.ori %or3A_98, %or3A_101 : vector<16xi1>
    %jit3A_103 = arith.constant 5120 : i32
    %broadcast_in_dim3A_104 = vector.broadcast %jit3A_103 : i32 to vector<16xi32>
    %select_n3A_105 = arith.select %or3A_102, %broadcast_in_dim3A_104, %sub3A_91 : vector<16xi1>, vector<16xi32>
    %swap3A_106 = arith.constant 0 : i32
    %swap3A_107 = arith.index_cast %swap3A_106 : i32 to index
    %swap3A_108 = arith.constant 16 : index
    %swap3A_109 = tpu.vector_load %arg10[%swap3A_107, %swap3A_108] {strides = array<i32>} : memref<2x64xi32, #tpu.memory_space<vmem>>, vector<16xi32>,
    tpu.vector_store %arg10[%swap3A_107, %swap3A_108], %select_n3A_105 {strides = array<i32>} : memref<2x64xi32, #tpu.memory_space<vmem>>, vector<16xi32>,
    %get3A_110 = arith.constant 32 : index
    %get3A_111 = tpu.vector_load %arg9[%get3A_110] {strides = array<i32>} : memref<128xi32, #tpu.memory_space<vmem>>, vector<16xi32>,
    %add3A_112 = arith.constant 10000 : i32
    %add3A_113 = vector.broadcast %add3A_112 : i32 to vector<16xi32>
    %add3A_114 = arith.addi %get3A_111, %add3A_113 : vector<16xi32>
    %swap3A_115 = arith.constant 96 : index
    %swap3A_116 = tpu.vector_load %arg8[%swap3A_115] {strides = array<i32>} : memref<256xi32, #tpu.memory_space<vmem>>, vector<16xi32>,
    tpu.vector_store %arg8[%swap3A_115], %add3A_114 {strides = array<i32>} : memref<256xi32, #tpu.memory_space<vmem>>, vector<16xi32>,
    %select_n3A_117 = arith.select %lt3A_55, %get3A_111, %broadcast_in_dim3A_50 : vector<16xi32>
    tpu.vector_store_idx %arg14[%select_n3A_117], %broadcast_in_dim3A_48 {add = true} : memref<10240xf32, #tpu.memory_space<vmem>>[vector<16xi32>], vector<16xf32>,
    %mul3A_118 = arith.constant 5120 : i32
    %mul3A_119 = arith.muli %arg0, %mul3A_118 : i32
    %sub3A_120 = vector.broadcast %mul3A_119 : i32 to vector<16xi32>
    %sub3A_121 = arith.subi %get3A_111, %sub3A_120 : vector<16xi32>
    %lt3A_122 = arith.constant 0 : i32
    %lt3A_123 = vector.broadcast %lt3A_122 : i32 to vector<16xi32>
    %lt3A_124 = arith.cmpi slt, %sub3A_121, %lt3A_123 : vector<16xi32>
    %ge3A_125 = arith.constant 5120 : i32
    %ge3A_126 = vector.broadcast %ge3A_125 : i32 to vector<16xi32>
    %ge3A_127 = arith.cmpi sge, %sub3A_121, %ge3A_126 : vector<16xi32>
    %or3A_128 = arith.ori %lt3A_124, %ge3A_127 : vector<16xi1>
    %not3A_129 = arith.constant true
    %not3A_130 = arith.xori %lt3A_55, %not3A_129 : i1
    %or3A_131 = vector.broadcast %not3A_130 : i1 to vector<16xi1>
    %or3A_132 = arith.ori %or3A_128, %or3A_131 : vector<16xi1>
    %jit3A_133 = arith.constant 5120 : i32
    %broadcast_in_dim3A_134 = vector.broadcast %jit3A_133 : i32 to vector<16xi32>
    %select_n3A_135 = arith.select %or3A_132, %broadcast_in_dim3A_134, %sub3A_121 : vector<16xi1>, vector<16xi32>
    %swap3A_136 = arith.constant 0 : i32
    %swap3A_137 = arith.index_cast %swap3A_136 : i32 to index
    %swap3A_138 = arith.constant 32 : index
    %swap3A_139 = tpu.vector_load %arg10[%swap3A_137, %swap3A_138] {strides = array<i32>} : memref<2x64xi32, #tpu.memory_space<vmem>>, vector<16xi32>,
    tpu.vector_store %arg10[%swap3A_137, %swap3A_138], %select_n3A_135 {strides = array<i32>} : memref<2x64xi32, #tpu.memory_space<vmem>>, vector<16xi32>,
    %get3A_140 = arith.constant 48 : index
    %get3A_141 = tpu.vector_load %arg9[%get3A_140] {strides = array<i32>} : memref<128xi32, #tpu.memory_space<vmem>>, vector<16xi32>,
    %add3A_142 = arith.constant 10000 : i32
    %add3A_143 = vector.broadcast %add3A_142 : i32 to vector<16xi32>
    %add3A_144 = arith.addi %get3A_141, %add3A_143 : vector<16xi32>
    %swap3A_145 = arith.constant 112 : index
    %swap3A_146 = tpu.vector_load %arg8[%swap3A_145] {strides = array<i32>} : memref<256xi32, #tpu.memory_space<vmem>>, vector<16xi32>,
    tpu.vector_store %arg8[%swap3A_145], %add3A_144 {strides = array<i32>} : memref<256xi32, #tpu.memory_space<vmem>>, vector<16xi32>,
    %select_n3A_147 = arith.select %lt3A_55, %get3A_141, %broadcast_in_dim3A_50 : vector<16xi32>
    tpu.vector_store_idx %arg14[%select_n3A_147], %broadcast_in_dim3A_48 {add = true} : memref<10240xf32, #tpu.memory_space<vmem>>[vector<16xi32>], vector<16xf32>,
    %mul3A_148 = arith.constant 5120 : i32
    %mul3A_149 = arith.muli %arg0, %mul3A_148 : i32
    %sub3A_150 = vector.broadcast %mul3A_149 : i32 to vector<16xi32>
    %sub3A_151 = arith.subi %get3A_141, %sub3A_150 : vector<16xi32>
    %lt3A_152 = arith.constant 0 : i32
    %lt3A_153 = vector.broadcast %lt3A_152 : i32 to vector<16xi32>
    %lt3A_154 = arith.cmpi slt, %sub3A_151, %lt3A_153 : vector<16xi32>
    %ge3A_155 = arith.constant 5120 : i32
    %ge3A_156 = vector.broadcast %ge3A_155 : i32 to vector<16xi32>
    %ge3A_157 = arith.cmpi sge, %sub3A_151, %ge3A_156 : vector<16xi32>
    %or3A_158 = arith.ori %lt3A_154, %ge3A_157 : vector<16xi1>
    %not3A_159 = arith.constant true
    %not3A_160 = arith.xori %lt3A_55, %not3A_159 : i1
    %or3A_161 = vector.broadcast %not3A_160 : i1 to vector<16xi1>
    %or3A_162 = arith.ori %or3A_158, %or3A_161 : vector<16xi1>
    %jit3A_163 = arith.constant 5120 : i32
    %broadcast_in_dim3A_164 = vector.broadcast %jit3A_163 : i32 to vector<16xi32>
    %select_n3A_165 = arith.select %or3A_162, %broadcast_in_dim3A_164, %sub3A_151 : vector<16xi1>, vector<16xi32>
    %swap3A_166 = arith.constant 0 : i32
    %swap3A_167 = arith.index_cast %swap3A_166 : i32 to index
    %swap3A_168 = arith.constant 48 : index
    %swap3A_169 = tpu.vector_load %arg10[%swap3A_167, %swap3A_168] {strides = array<i32>} : memref<2x64xi32, #tpu.memory_space<vmem>>, vector<16xi32>,
    tpu.vector_store %arg10[%swap3A_167, %swap3A_168], %select_n3A_165 {strides = array<i32>} : memref<2x64xi32, #tpu.memory_space<vmem>>, vector<16xi32>,
    %lt3A_170 = arith.constant 5000 : i32
    %lt3A_171 = arith.cmpi slt, %arg1, %lt3A_170 : i32
    %jit3A_172 = arith.constant 0 : i32
    %select_n3A_173 = arith.select %lt3A_171, %arg1, %jit3A_172 : i32
    %mul3A_174 = arith.constant 64 : i32
    %mul3A_175 = arith.muli %select_n3A_173, %mul3A_174 : i32
    %dma_start3A = arith.constant 0 : i32
    %dma_start3A_176 = arith.constant 0 : i32
    %dma_start3A_177 = tpu.memref_slice %arg11[%dma_start3A, %dma_start3A_176] : memref<256x128xf32, #tpu.memory_space<vmem>> -> memref<128x128xf32, #tpu.memory_space<vmem>>
    %dma_start3A_178 = arith.constant 0 : i32
    %dma_start3A_179 = tpu.memref_slice %arg8[%dma_start3A_178] : memref<256xi32, #tpu.memory_space<vmem>> -> memref<128xi32, #tpu.memory_space<vmem>>
    %dma_start3A_180 = arith.constant 0 : i32
    %dma_start3A_181 = arith.constant 0 : i32
    %dma_start3A_182 = tpu.memref_slice %arg2[%dma_start3A_180, %dma_start3A_181] : memref<20000x128xf32, #tpu.memory_space<hbm>> -> memref<20000x128xf32, #tpu.memory_space<hbm>>
    tpu.enqueue_indirect_dma source(%dma_start3A_182 : memref<20000x128xf32, #tpu.memory_space<hbm>>) target(%dma_start3A_177 : memref<128x128xf32, #tpu.memory_space<vmem>>) offsets(%dma_start3A_179 : memref<128xi32, #tpu.memory_space<vmem>>) semaphore(%arg16 : memref<!tpu.dma_semaphore, #tpu.memory_space<semaphore_mem>>)
    %dma_start3A_183 = arith.constant 0 : i32
    %dma_start3A_184 = arith.constant 0 : i32
    %dma_start3A_185 = tpu.memref_slice %arg12[%dma_start3A_183, %dma_start3A_184] : memref<128x128xf32, #tpu.memory_space<vmem>> -> memref<64x128xf32, #tpu.memory_space<vmem>>
    %dma_start3A_186 = arith.constant 0 : i32
    %dma_start3A_187 = tpu.memref_slice %arg3[%mul3A_175, %dma_start3A_186] : memref<320000x128xf32, #tpu.memory_space<hbm>> -> memref<64x128xf32, #tpu.memory_space<hbm>>
    %dma_start3A_188 = arith.constant 0 : i32
    %dma_start3A_189 = arith.constant 0 : i32
    %dma_start3A_190 = tpu.memref_slice %arg12[%dma_start3A_188, %dma_start3A_189] : memref<128x128xf32, #tpu.memory_space<vmem>> -> memref<64x128xf32, #tpu.memory_space<vmem>>
    %dma_start3A_191 = arith.constant 0 : i32
    %dma_start3A_192 = tpu.memref_slice %arg3[%mul3A_175, %dma_start3A_191] : memref<320000x128xf32, #tpu.memory_space<hbm>> -> memref<64x128xf32, #tpu.memory_space<hbm>>
    tpu.enqueue_dma source(%dma_start3A_192 : memref<64x128xf32, #tpu.memory_space<hbm>>) target(%dma_start3A_190 : memref<64x128xf32, #tpu.memory_space<vmem>>) target_semaphore(%arg17 : memref<!tpu.dma_semaphore, #tpu.memory_space<semaphore_mem>>)
    %add3A_193 = arith.constant 16 : i32
    %add3A_194 = arith.addi %arg1, %add3A_193 : i32
    %lt3A_195 = arith.constant 5000 : i32
    %lt3A_196 = arith.cmpi slt, %add3A_194, %lt3A_195 : i32
    %jit3A_197 = arith.constant 0 : i32
    %select_n3A_198 = arith.select %lt3A_196, %add3A_194, %jit3A_197 : i32
    %mul3A_199 = arith.constant 64 : i32
    %mul3A_200 = arith.muli %select_n3A_198, %mul3A_199 : i32
    %dma_start3A_201 = arith.constant 128 : i32
    %dma_start3A_202 = tpu.memref_slice %arg8[%dma_start3A_201] : memref<256xi32, #tpu.memory_space<vmem>> -> memref<64xi32, #tpu.memory_space<vmem>>
    %dma_start3A_203 = tpu.memref_slice %arg4[%mul3A_200] : memref<320000xi32, #tpu.memory_space<hbm>> -> memref<64xi32, #tpu.memory_space<hbm>>
    %dma_start3A_204 = arith.constant 128 : i32
    %dma_start3A_205 = tpu.memref_slice %arg8[%dma_start3A_204] : memref<256xi32, #tpu.memory_space<vmem>> -> memref<64xi32, #tpu.memory_space<vmem>>
    %dma_start3A_206 = tpu.memref_slice %arg4[%mul3A_200] : memref<320000xi32, #tpu.memory_space<hbm>> -> memref<64xi32, #tpu.memory_space<hbm>>
    tpu.enqueue_dma source(%dma_start3A_206 : memref<64xi32, #tpu.memory_space<hbm>>) target(%dma_start3A_205 : memref<64xi32, #tpu.memory_space<vmem>>) target_semaphore(%arg18 : memref<!tpu.dma_semaphore, #tpu.memory_space<semaphore_mem>>)
    %dma_start3A_207 = arith.constant 64 : i32
    %dma_start3A_208 = tpu.memref_slice %arg9[%dma_start3A_207] : memref<128xi32, #tpu.memory_space<vmem>> -> memref<64xi32, #tpu.memory_space<vmem>>
    %dma_start3A_209 = tpu.memref_slice %arg5[%mul3A_200] : memref<320000xi32, #tpu.memory_space<hbm>> -> memref<64xi32, #tpu.memory_space<hbm>>
    %dma_start3A_210 = arith.constant 64 : i32
    %dma_start3A_211 = tpu.memref_slice %arg9[%dma_start3A_210] : memref<128xi32, #tpu.memory_space<vmem>> -> memref<64xi32, #tpu.memory_space<vmem>>
    %dma_start3A_212 = tpu.memref_slice %arg5[%mul3A_200] : memref<320000xi32, #tpu.memory_space<hbm>> -> memref<64xi32, #tpu.memory_space<hbm>>
    tpu.enqueue_dma source(%dma_start3A_212 : memref<64xi32, #tpu.memory_space<hbm>>) target(%dma_start3A_211 : memref<64xi32, #tpu.memory_space<vmem>>) target_semaphore(%arg18 : memref<!tpu.dma_semaphore, #tpu.memory_space<semaphore_mem>>)
    %scan3A_213 = arith.constant 0 : i32
    %scan3A_214 = arith.constant 0 : i32
    %scan3A_215 = arith.constant 313 : i32
    %scan3A_216 = arith.addi %scan3A_214, %scan3A_215 : i32
    %scan3A_217 = arith.constant 1 : i32
    %scan3A_218 = scf.for %scan3A_265 = %scan3A_214 to %scan3A_216 step %scan3A_217 iter_args(%scan3A_266 = %scan3A_213) -> (i32)  : i32 {
      %rem3A = arith.constant 2 : i32
      %rem3A_267 = arith.remsi %scan3A_265, %rem3A : i32
      %sub3A_268 = arith.constant 1 : i32
      %sub3A_269 = arith.subi %sub3A_268, %rem3A_267 : i32
      %mul3A_270 = arith.constant 16 : i32
      %mul3A_271 = arith.muli %scan3A_265, %mul3A_270 : i32
      %add3A_272 = arith.addi %arg1, %mul3A_271 : i32
      %mul3A_273 = arith.constant 2 : i32
      %mul3A_274 = arith.muli %sub3A_269, %mul3A_273 : i32
      %mul3A_275 = arith.constant 64 : i32
      %mul3A_276 = arith.muli %mul3A_274, %mul3A_275 : i32
      %dma_wait3A_277 = tpu.memref_slice %arg8[%mul3A_276] : memref<256xi32, #tpu.memory_space<vmem>> -> memref<64xi32, #tpu.memory_space<vmem>>
      %dma_wait3A_278 = arith.constant 0 : i32
      %dma_wait3A_279 = tpu.memref_slice %arg4[%dma_wait3A_278] : memref<320000xi32, #tpu.memory_space<hbm>> -> memref<64xi32, #tpu.memory_space<hbm>>
      %dma_wait3A_280 = tpu.memref_slice %arg8[%mul3A_276] : memref<256xi32, #tpu.memory_space<vmem>> -> memref<64xi32, #tpu.memory_space<vmem>>
      %dma_wait3A_281 = arith.constant 0 : i32
      %dma_wait3A_282 = tpu.memref_slice %arg4[%dma_wait3A_281] : memref<320000xi32, #tpu.memory_space<hbm>> -> memref<64xi32, #tpu.memory_space<hbm>>
      tpu.wait_dma2 semaphore(%arg18 : memref<!tpu.dma_semaphore, #tpu.memory_space<semaphore_mem>>) src(%dma_wait3A_282 : memref<64xi32, #tpu.memory_space<hbm>>) dst(%dma_wait3A_280 : memref<64xi32, #tpu.memory_space<vmem>>)
      %mul3A_283 = arith.constant 64 : i32
      %mul3A_284 = arith.muli %sub3A_269, %mul3A_283 : i32
      %dma_wait3A_285 = tpu.memref_slice %arg9[%mul3A_284] : memref<128xi32, #tpu.memory_space<vmem>> -> memref<64xi32, #tpu.memory_space<vmem>>
      %dma_wait3A_286 = arith.constant 0 : i32
      %dma_wait3A_287 = tpu.memref_slice %arg5[%dma_wait3A_286] : memref<320000xi32, #tpu.memory_space<hbm>> -> memref<64xi32, #tpu.memory_space<hbm>>
      %dma_wait3A_288 = tpu.memref_slice %arg9[%mul3A_284] : memref<128xi32, #tpu.memory_space<vmem>> -> memref<64xi32, #tpu.memory_space<vmem>>
      %dma_wait3A_289 = arith.constant 0 : i32
      %dma_wait3A_290 = tpu.memref_slice %arg5[%dma_wait3A_289] : memref<320000xi32, #tpu.memory_space<hbm>> -> memref<64xi32, #tpu.memory_space<hbm>>
      tpu.wait_dma2 semaphore(%arg18 : memref<!tpu.dma_semaphore, #tpu.memory_space<semaphore_mem>>) src(%dma_wait3A_290 : memref<64xi32, #tpu.memory_space<hbm>>) dst(%dma_wait3A_288 : memref<64xi32, #tpu.memory_space<vmem>>)
      %add3A_291 = arith.constant 16 : i32
      %add3A_292 = arith.addi %add3A_272, %add3A_291 : i32
      %lt3A_293 = arith.constant 5000 : i32
      %lt3A_294 = arith.cmpi slt, %add3A_292, %lt3A_293 : i32
      %mul3A_295 = arith.constant 64 : i32
      %mul3A_296 = arith.muli %sub3A_269, %mul3A_295 : i32
      %add3A_297 = arith.constant 0 : i32
      %add3A_298 = arith.addi %mul3A_296, %add3A_297 : i32
      %get3A_299 = arith.index_cast %add3A_298 : i32 to index
      %get3A_300 = tpu.vector_load %arg9[%get3A_299] {strides = array<i32>} : memref<128xi32, #tpu.memory_space<vmem>>, vector<16xi32>,
      %add3A_301 = arith.constant 10000 : i32
      %add3A_302 = vector.broadcast %add3A_301 : i32 to vector<16xi32>
      %add3A_303 = arith.addi %get3A_300, %add3A_302 : vector<16xi32>
      %mul3A_304 = arith.constant 2 : i32
      %mul3A_305 = arith.muli %sub3A_269, %mul3A_304 : i32
      %mul3A_306 = arith.constant 64 : i32
      %mul3A_307 = arith.muli %mul3A_305, %mul3A_306 : i32
      %add3A_308 = arith.constant 64 : i32
      %add3A_309 = arith.addi %mul3A_307, %add3A_308 : i32
      %add3A_310 = arith.constant 0 : i32
      %add3A_311 = arith.addi %add3A_309, %add3A_310 : i32
      %swap3A_312 = arith.index_cast %add3A_311 : i32 to index
      %swap3A_313 = tpu.vector_load %arg8[%swap3A_312] {strides = array<i32>} : memref<256xi32, #tpu.memory_space<vmem>>, vector<16xi32>,
      tpu.vector_store %arg8[%swap3A_312], %add3A_303 {strides = array<i32>} : memref<256xi32, #tpu.memory_space<vmem>>, vector<16xi32>,
      %select_n3A_314 = arith.select %lt3A_294, %get3A_300, %broadcast_in_dim3A_50 : vector<16xi32>
      tpu.vector_store_idx %arg14[%select_n3A_314], %broadcast_in_dim3A_48 {add = true} : memref<10240xf32, #tpu.memory_space<vmem>>[vector<16xi32>], vector<16xf32>,
      %mul3A_315 = arith.constant 5120 : i32
      %mul3A_316 = arith.muli %arg0, %mul3A_315 : i32
      %sub3A_317 = vector.broadcast %mul3A_316 : i32 to vector<16xi32>
      %sub3A_318 = arith.subi %get3A_300, %sub3A_317 : vector<16xi32>
      %lt3A_319 = arith.constant 0 : i32
      %lt3A_320 = vector.broadcast %lt3A_319 : i32 to vector<16xi32>
      %lt3A_321 = arith.cmpi slt, %sub3A_318, %lt3A_320 : vector<16xi32>
      %ge3A_322 = arith.constant 5120 : i32
      %ge3A_323 = vector.broadcast %ge3A_322 : i32 to vector<16xi32>
      %ge3A_324 = arith.cmpi sge, %sub3A_318, %ge3A_323 : vector<16xi32>
      %or3A_325 = arith.ori %lt3A_321, %ge3A_324 : vector<16xi1>
      %not3A_326 = arith.constant true
      %not3A_327 = arith.xori %lt3A_294, %not3A_326 : i1
      %or3A_328 = vector.broadcast %not3A_327 : i1 to vector<16xi1>
      %or3A_329 = arith.ori %or3A_325, %or3A_328 : vector<16xi1>
      %jit3A_330 = arith.constant 5120 : i32
      %broadcast_in_dim3A_331 = vector.broadcast %jit3A_330 : i32 to vector<16xi32>
      %select_n3A_332 = arith.select %or3A_329, %broadcast_in_dim3A_331, %sub3A_318 : vector<16xi1>, vector<16xi32>
      %swap3A_333 = arith.index_cast %sub3A_269 : i32 to index
      %swap3A_334 = arith.constant 0 : index
      %swap3A_335 = tpu.vector_load %arg10[%swap3A_333, %swap3A_334] {strides = array<i32>} : memref<2x64xi32, #tpu.memory_space<vmem>>, vector<16xi32>,
      tpu.vector_store %arg10[%swap3A_333, %swap3A_334], %select_n3A_332 {strides = array<i32>} : memref<2x64xi32, #tpu.memory_space<vmem>>, vector<16xi32>,
      %mul3A_336 = arith.constant 64 : i32
      %mul3A_337 = arith.muli %sub3A_269, %mul3A_336 : i32
      %add3A_338 = arith.constant 16 : i32
      %add3A_339 = arith.addi %mul3A_337, %add3A_338 : i32
      %get3A_340 = arith.index_cast %add3A_339 : i32 to index
      %get3A_341 = tpu.vector_load %arg9[%get3A_340] {strides = array<i32>} : memref<128xi32, #tpu.memory_space<vmem>>, vector<16xi32>,
      %add3A_342 = arith.constant 10000 : i32
      %add3A_343 = vector.broadcast %add3A_342 : i32 to vector<16xi32>
      %add3A_344 = arith.addi %get3A_341, %add3A_343 : vector<16xi32>
      %mul3A_345 = arith.constant 2 : i32
      %mul3A_346 = arith.muli %sub3A_269, %mul3A_345 : i32
      %mul3A_347 = arith.constant 64 : i32
      %mul3A_348 = arith.muli %mul3A_346, %mul3A_347 : i32
      %add3A_349 = arith.constant 64 : i32
      %add3A_350 = arith.addi %mul3A_348, %add3A_349 : i32
      %add3A_351 = arith.constant 16 : i32
      %add3A_352 = arith.addi %add3A_350, %add3A_351 : i32
      %swap3A_353 = arith.index_cast %add3A_352 : i32 to index
      %swap3A_354 = tpu.vector_load %arg8[%swap3A_353] {strides = array<i32>} : memref<256xi32, #tpu.memory_space<vmem>>, vector<16xi32>,
      tpu.vector_store %arg8[%swap3A_353], %add3A_344 {strides = array<i32>} : memref<256xi32, #tpu.memory_space<vmem>>, vector<16xi32>,
      %select_n3A_355 = arith.select %lt3A_294, %get3A_341, %broadcast_in_dim3A_50 : vector<16xi32>
      tpu.vector_store_idx %arg14[%select_n3A_355], %broadcast_in_dim3A_48 {add = true} : memref<10240xf32, #tpu.memory_space<vmem>>[vector<16xi32>], vector<16xf32>,
      %mul3A_356 = arith.constant 5120 : i32
      %mul3A_357 = arith.muli %arg0, %mul3A_356 : i32
      %sub3A_358 = vector.broadcast %mul3A_357 : i32 to vector<16xi32>
      %sub3A_359 = arith.subi %get3A_341, %sub3A_358 : vector<16xi32>
      %lt3A_360 = arith.constant 0 : i32
      %lt3A_361 = vector.broadcast %lt3A_360 : i32 to vector<16xi32>
      %lt3A_362 = arith.cmpi slt, %sub3A_359, %lt3A_361 : vector<16xi32>
      %ge3A_363 = arith.constant 5120 : i32
      %ge3A_364 = vector.broadcast %ge3A_363 : i32 to vector<16xi32>
      %ge3A_365 = arith.cmpi sge, %sub3A_359, %ge3A_364 : vector<16xi32>
      %or3A_366 = arith.ori %lt3A_362, %ge3A_365 : vector<16xi1>
      %not3A_367 = arith.constant true
      %not3A_368 = arith.xori %lt3A_294, %not3A_367 : i1
      %or3A_369 = vector.broadcast %not3A_368 : i1 to vector<16xi1>
      %or3A_370 = arith.ori %or3A_366, %or3A_369 : vector<16xi1>
      %jit3A_371 = arith.constant 5120 : i32
      %broadcast_in_dim3A_372 = vector.broadcast %jit3A_371 : i32 to vector<16xi32>
      %select_n3A_373 = arith.select %or3A_370, %broadcast_in_dim3A_372, %sub3A_359 : vector<16xi1>, vector<16xi32>
      %swap3A_374 = arith.index_cast %sub3A_269 : i32 to index
      %swap3A_375 = arith.constant 16 : index
      %swap3A_376 = tpu.vector_load %arg10[%swap3A_374, %swap3A_375] {strides = array<i32>} : memref<2x64xi32, #tpu.memory_space<vmem>>, vector<16xi32>,
      tpu.vector_store %arg10[%swap3A_374, %swap3A_375], %select_n3A_373 {strides = array<i32>} : memref<2x64xi32, #tpu.memory_space<vmem>>, vector<16xi32>,
      %mul3A_377 = arith.constant 64 : i32
      %mul3A_378 = arith.muli %sub3A_269, %mul3A_377 : i32
      %add3A_379 = arith.constant 32 : i32
      %add3A_380 = arith.addi %mul3A_378, %add3A_379 : i32
      %get3A_381 = arith.index_cast %add3A_380 : i32 to index
      %get3A_382 = tpu.vector_load %arg9[%get3A_381] {strides = array<i32>} : memref<128xi32, #tpu.memory_space<vmem>>, vector<16xi32>,
      %add3A_383 = arith.constant 10000 : i32
      %add3A_384 = vector.broadcast %add3A_383 : i32 to vector<16xi32>
      %add3A_385 = arith.addi %get3A_382, %add3A_384 : vector<16xi32>
      %mul3A_386 = arith.constant 2 : i32
      %mul3A_387 = arith.muli %sub3A_269, %mul3A_386 : i32
      %mul3A_388 = arith.constant 64 : i32
      %mul3A_389 = arith.muli %mul3A_387, %mul3A_388 : i32
      %add3A_390 = arith.constant 64 : i32
      %add3A_391 = arith.addi %mul3A_389, %add3A_390 : i32
      %add3A_392 = arith.constant 32 : i32
      %add3A_393 = arith.addi %add3A_391, %add3A_392 : i32
      %swap3A_394 = arith.index_cast %add3A_393 : i32 to index
      %swap3A_395 = tpu.vector_load %arg8[%swap3A_394] {strides = array<i32>} : memref<256xi32, #tpu.memory_space<vmem>>, vector<16xi32>,
      tpu.vector_store %arg8[%swap3A_394], %add3A_385 {strides = array<i32>} : memref<256xi32, #tpu.memory_space<vmem>>, vector<16xi32>,
      %select_n3A_396 = arith.select %lt3A_294, %get3A_382, %broadcast_in_dim3A_50 : vector<16xi32>
      tpu.vector_store_idx %arg14[%select_n3A_396], %broadcast_in_dim3A_48 {add = true} : memref<10240xf32, #tpu.memory_space<vmem>>[vector<16xi32>], vector<16xf32>,
      %mul3A_397 = arith.constant 5120 : i32
      %mul3A_398 = arith.muli %arg0, %mul3A_397 : i32
      %sub3A_399 = vector.broadcast %mul3A_398 : i32 to vector<16xi32>
      %sub3A_400 = arith.subi %get3A_382, %sub3A_399 : vector<16xi32>
      %lt3A_401 = arith.constant 0 : i32
      %lt3A_402 = vector.broadcast %lt3A_401 : i32 to vector<16xi32>
      %lt3A_403 = arith.cmpi slt, %sub3A_400, %lt3A_402 : vector<16xi32>
      %ge3A_404 = arith.constant 5120 : i32
      %ge3A_405 = vector.broadcast %ge3A_404 : i32 to vector<16xi32>
      %ge3A_406 = arith.cmpi sge, %sub3A_400, %ge3A_405 : vector<16xi32>
      %or3A_407 = arith.ori %lt3A_403, %ge3A_406 : vector<16xi1>
      %not3A_408 = arith.constant true
      %not3A_409 = arith.xori %lt3A_294, %not3A_408 : i1
      %or3A_410 = vector.broadcast %not3A_409 : i1 to vector<16xi1>
      %or3A_411 = arith.ori %or3A_407, %or3A_410 : vector<16xi1>
      %jit3A_412 = arith.constant 5120 : i32
      %broadcast_in_dim3A_413 = vector.broadcast %jit3A_412 : i32 to vector<16xi32>
      %select_n3A_414 = arith.select %or3A_411, %broadcast_in_dim3A_413, %sub3A_400 : vector<16xi1>, vector<16xi32>
      %swap3A_415 = arith.index_cast %sub3A_269 : i32 to index
      %swap3A_416 = arith.constant 32 : index
      %swap3A_417 = tpu.vector_load %arg10[%swap3A_415, %swap3A_416] {strides = array<i32>} : memref<2x64xi32, #tpu.memory_space<vmem>>, vector<16xi32>,
      tpu.vector_store %arg10[%swap3A_415, %swap3A_416], %select_n3A_414 {strides = array<i32>} : memref<2x64xi32, #tpu.memory_space<vmem>>, vector<16xi32>,
      %mul3A_418 = arith.constant 64 : i32
      %mul3A_419 = arith.muli %sub3A_269, %mul3A_418 : i32
      %add3A_420 = arith.constant 48 : i32
      %add3A_421 = arith.addi %mul3A_419, %add3A_420 : i32
      %get3A_422 = arith.index_cast %add3A_421 : i32 to index
      %get3A_423 = tpu.vector_load %arg9[%get3A_422] {strides = array<i32>} : memref<128xi32, #tpu.memory_space<vmem>>, vector<16xi32>,
      %add3A_424 = arith.constant 10000 : i32
      %add3A_425 = vector.broadcast %add3A_424 : i32 to vector<16xi32>
      %add3A_426 = arith.addi %get3A_423, %add3A_425 : vector<16xi32>
      %mul3A_427 = arith.constant 2 : i32
      %mul3A_428 = arith.muli %sub3A_269, %mul3A_427 : i32
      %mul3A_429 = arith.constant 64 : i32
      %mul3A_430 = arith.muli %mul3A_428, %mul3A_429 : i32
      %add3A_431 = arith.constant 64 : i32
      %add3A_432 = arith.addi %mul3A_430, %add3A_431 : i32
      %add3A_433 = arith.constant 48 : i32
      %add3A_434 = arith.addi %add3A_432, %add3A_433 : i32
      %swap3A_435 = arith.index_cast %add3A_434 : i32 to index
      %swap3A_436 = tpu.vector_load %arg8[%swap3A_435] {strides = array<i32>} : memref<256xi32, #tpu.memory_space<vmem>>, vector<16xi32>,
      tpu.vector_store %arg8[%swap3A_435], %add3A_426 {strides = array<i32>} : memref<256xi32, #tpu.memory_space<vmem>>, vector<16xi32>,
      %select_n3A_437 = arith.select %lt3A_294, %get3A_423, %broadcast_in_dim3A_50 : vector<16xi32>
      tpu.vector_store_idx %arg14[%select_n3A_437], %broadcast_in_dim3A_48 {add = true} : memref<10240xf32, #tpu.memory_space<vmem>>[vector<16xi32>], vector<16xf32>,
      %mul3A_438 = arith.constant 5120 : i32
      %mul3A_439 = arith.muli %arg0, %mul3A_438 : i32
      %sub3A_440 = vector.broadcast %mul3A_439 : i32 to vector<16xi32>
      %sub3A_441 = arith.subi %get3A_423, %sub3A_440 : vector<16xi32>
      %lt3A_442 = arith.constant 0 : i32
      %lt3A_443 = vector.broadcast %lt3A_442 : i32 to vector<16xi32>
      %lt3A_444 = arith.cmpi slt, %sub3A_441, %lt3A_443 : vector<16xi32>
      %ge3A_445 = arith.constant 5120 : i32
      %ge3A_446 = vector.broadcast %ge3A_445 : i32 to vector<16xi32>
      %ge3A_447 = arith.cmpi sge, %sub3A_441, %ge3A_446 : vector<16xi32>
      %or3A_448 = arith.ori %lt3A_444, %ge3A_447 : vector<16xi1>
      %not3A_449 = arith.constant true
      %not3A_450 = arith.xori %lt3A_294, %not3A_449 : i1
      %or3A_451 = vector.broadcast %not3A_450 : i1 to vector<16xi1>
      %or3A_452 = arith.ori %or3A_448, %or3A_451 : vector<16xi1>
      %jit3A_453 = arith.constant 5120 : i32
      %broadcast_in_dim3A_454 = vector.broadcast %jit3A_453 : i32 to vector<16xi32>
      %select_n3A_455 = arith.select %or3A_452, %broadcast_in_dim3A_454, %sub3A_441 : vector<16xi1>, vector<16xi32>
      %swap3A_456 = arith.index_cast %sub3A_269 : i32 to index
      %swap3A_457 = arith.constant 48 : index
      %swap3A_458 = tpu.vector_load %arg10[%swap3A_456, %swap3A_457] {strides = array<i32>} : memref<2x64xi32, #tpu.memory_space<vmem>>, vector<16xi32>,
      tpu.vector_store %arg10[%swap3A_456, %swap3A_457], %select_n3A_455 {strides = array<i32>} : memref<2x64xi32, #tpu.memory_space<vmem>>, vector<16xi32>,
      %mul3A_459 = arith.constant 2 : i32
      %mul3A_460 = arith.muli %rem3A_267, %mul3A_459 : i32
      %mul3A_461 = arith.constant 64 : i32
      %mul3A_462 = arith.muli %mul3A_460, %mul3A_461 : i32
      %dma_wait3A_463 = arith.constant 0 : i32
      %dma_wait3A_464 = tpu.memref_slice %arg11[%mul3A_462, %dma_wait3A_463] : memref<256x128xf32, #tpu.memory_space<vmem>> -> memref<128x128xf32, #tpu.memory_space<vmem>>
      %dma_wait3A_465 = arith.constant 0 : i32
      %dma_wait3A_466 = arith.constant 0 : i32
      %dma_wait3A_467 = tpu.memref_slice %arg2[%dma_wait3A_465, %dma_wait3A_466] : memref<20000x128xf32, #tpu.memory_space<hbm>> -> memref<128x128xf32, #tpu.memory_space<hbm>>
      %dma_wait3A_468 = arith.constant 0 : i32
      %dma_wait3A_469 = tpu.memref_slice %arg11[%mul3A_462, %dma_wait3A_468] : memref<256x128xf32, #tpu.memory_space<vmem>> -> memref<128x128xf32, #tpu.memory_space<vmem>>
      %dma_wait3A_470 = arith.constant 0 : i32
      %dma_wait3A_471 = arith.constant 0 : i32
      %dma_wait3A_472 = tpu.memref_slice %arg2[%dma_wait3A_470, %dma_wait3A_471] : memref<20000x128xf32, #tpu.memory_space<hbm>> -> memref<128x128xf32, #tpu.memory_space<hbm>>
      tpu.wait_dma2 semaphore(%arg16 : memref<!tpu.dma_semaphore, #tpu.memory_space<semaphore_mem>>) src(%dma_wait3A_472 : memref<128x128xf32, #tpu.memory_space<hbm>>) dst(%dma_wait3A_469 : memref<128x128xf32, #tpu.memory_space<vmem>>)
      %mul3A_473 = arith.constant 64 : i32
      %mul3A_474 = arith.muli %rem3A_267, %mul3A_473 : i32
      %dma_wait3A_475 = arith.constant 0 : i32
      %dma_wait3A_476 = tpu.memref_slice %arg12[%mul3A_474, %dma_wait3A_475] : memref<128x128xf32, #tpu.memory_space<vmem>> -> memref<64x128xf32, #tpu.memory_space<vmem>>
      %dma_wait3A_477 = arith.constant 0 : i32
      %dma_wait3A_478 = arith.constant 0 : i32
      %dma_wait3A_479 = tpu.memref_slice %arg3[%dma_wait3A_477, %dma_wait3A_478] : memref<320000x128xf32, #tpu.memory_space<hbm>> -> memref<64x128xf32, #tpu.memory_space<hbm>>
      %dma_wait3A_480 = arith.constant 0 : i32
      %dma_wait3A_481 = tpu.memref_slice %arg12[%mul3A_474, %dma_wait3A_480] : memref<128x128xf32, #tpu.memory_space<vmem>> -> memref<64x128xf32, #tpu.memory_space<vmem>>
      %dma_wait3A_482 = arith.constant 0 : i32
      %dma_wait3A_483 = arith.constant 0 : i32
      %dma_wait3A_484 = tpu.memref_slice %arg3[%dma_wait3A_482, %dma_wait3A_483] : memref<320000x128xf32, #tpu.memory_space<hbm>> -> memref<64x128xf32, #tpu.memory_space<hbm>>
      tpu.wait_dma2 semaphore(%arg17 : memref<!tpu.dma_semaphore, #tpu.memory_space<semaphore_mem>>) src(%dma_wait3A_484 : memref<64x128xf32, #tpu.memory_space<hbm>>) dst(%dma_wait3A_481 : memref<64x128xf32, #tpu.memory_space<vmem>>)
      %add3A_485 = arith.constant 16 : i32
      %add3A_486 = arith.addi %add3A_272, %add3A_485 : i32
      %lt3A_487 = arith.constant 5000 : i32
      %lt3A_488 = arith.cmpi slt, %add3A_486, %lt3A_487 : i32
      %jit3A_489 = arith.constant 0 : i32
      %select_n3A_490 = arith.select %lt3A_488, %add3A_486, %jit3A_489 : i32
      %mul3A_491 = arith.constant 64 : i32
      %mul3A_492 = arith.muli %select_n3A_490, %mul3A_491 : i32
      %mul3A_493 = arith.constant 2 : i32
      %mul3A_494 = arith.muli %sub3A_269, %mul3A_493 : i32
      %mul3A_495 = arith.constant 64 : i32
      %mul3A_496 = arith.muli %mul3A_494, %mul3A_495 : i32
      %mul3A_497 = arith.constant 2 : i32
      %mul3A_498 = arith.muli %sub3A_269, %mul3A_497 : i32
      %mul3A_499 = arith.constant 64 : i32
      %mul3A_500 = arith.muli %mul3A_498, %mul3A_499 : i32
      %dma_start3A_501 = arith.constant 0 : i32
      %dma_start3A_502 = tpu.memref_slice %arg11[%mul3A_500, %dma_start3A_501] : memref<256x128xf32, #tpu.memory_space<vmem>> -> memref<128x128xf32, #tpu.memory_space<vmem>>
      %dma_start3A_503 = tpu.memref_slice %arg8[%mul3A_496] : memref<256xi32, #tpu.memory_space<vmem>> -> memref<128xi32, #tpu.memory_space<vmem>>
      %dma_start3A_504 = arith.constant 0 : i32
      %dma_start3A_505 = arith.constant 0 : i32
      %dma_start3A_506 = tpu.memref_slice %arg2[%dma_start3A_504, %dma_start3A_505] : memref<20000x128xf32, #tpu.memory_space<hbm>> -> memref<20000x128xf32, #tpu.memory_space<hbm>>
      tpu.enqueue_indirect_dma source(%dma_start3A_506 : memref<20000x128xf32, #tpu.memory_space<hbm>>) target(%dma_start3A_502 : memref<128x128xf32, #tpu.memory_space<vmem>>) offsets(%dma_start3A_503 : memref<128xi32, #tpu.memory_space<vmem>>) semaphore(%arg16 : memref<!tpu.dma_semaphore, #tpu.memory_space<semaphore_mem>>)
      %mul3A_507 = arith.constant 64 : i32
      %mul3A_508 = arith.muli %sub3A_269, %mul3A_507 : i32
      %dma_start3A_509 = arith.constant 0 : i32
      %dma_start3A_510 = tpu.memref_slice %arg12[%mul3A_508, %dma_start3A_509] : memref<128x128xf32, #tpu.memory_space<vmem>> -> memref<64x128xf32, #tpu.memory_space<vmem>>
      %dma_start3A_511 = arith.constant 0 : i32
      %dma_start3A_512 = tpu.memref_slice %arg3[%mul3A_492, %dma_start3A_511] : memref<320000x128xf32, #tpu.memory_space<hbm>> -> memref<64x128xf32, #tpu.memory_space<hbm>>
      %dma_start3A_513 = arith.constant 0 : i32
      %dma_start3A_514 = tpu.memref_slice %arg12[%mul3A_508, %dma_start3A_513] : memref<128x128xf32, #tpu.memory_space<vmem>> -> memref<64x128xf32, #tpu.memory_space<vmem>>
      %dma_start3A_515 = arith.constant 0 : i32
      %dma_start3A_516 = tpu.memref_slice %arg3[%mul3A_492, %dma_start3A_515] : memref<320000x128xf32, #tpu.memory_space<hbm>> -> memref<64x128xf32, #tpu.memory_space<hbm>>
      tpu.enqueue_dma source(%dma_start3A_516 : memref<64x128xf32, #tpu.memory_space<hbm>>) target(%dma_start3A_514 : memref<64x128xf32, #tpu.memory_space<vmem>>) target_semaphore(%arg17 : memref<!tpu.dma_semaphore, #tpu.memory_space<semaphore_mem>>)
      %add3A_517 = arith.constant 32 : i32
      %add3A_518 = arith.addi %add3A_272, %add3A_517 : i32
      %lt3A_519 = arith.constant 5000 : i32
      %lt3A_520 = arith.cmpi slt, %add3A_518, %lt3A_519 : i32
      %jit3A_521 = arith.constant 0 : i32
      %select_n3A_522 = arith.select %lt3A_520, %add3A_518, %jit3A_521 : i32
      %mul3A_523 = arith.constant 64 : i32
      %mul3A_524 = arith.muli %select_n3A_522, %mul3A_523 : i32
      %mul3A_525 = arith.constant 2 : i32
      %mul3A_526 = arith.muli %rem3A_267, %mul3A_525 : i32
      %mul3A_527 = arith.constant 64 : i32
      %mul3A_528 = arith.muli %mul3A_526, %mul3A_527 : i32
      %dma_start3A_529 = tpu.memref_slice %arg8[%mul3A_528] : memref<256xi32, #tpu.memory_space<vmem>> -> memref<64xi32, #tpu.memory_space<vmem>>
      %dma_start3A_530 = tpu.memref_slice %arg4[%mul3A_524] : memref<320000xi32, #tpu.memory_space<hbm>> -> memref<64xi32, #tpu.memory_space<hbm>>
      %dma_start3A_531 = tpu.memref_slice %arg8[%mul3A_528] : memref<256xi32, #tpu.memory_space<vmem>> -> memref<64xi32, #tpu.memory_space<vmem>>
      %dma_start3A_532 = tpu.memref_slice %arg4[%mul3A_524] : memref<320000xi32, #tpu.memory_space<hbm>> -> memref<64xi32, #tpu.memory_space<hbm>>
      tpu.enqueue_dma source(%dma_start3A_532 : memref<64xi32, #tpu.memory_space<hbm>>) target(%dma_start3A_531 : memref<64xi32, #tpu.memory_space<vmem>>) target_semaphore(%arg18 : memref<!tpu.dma_semaphore, #tpu.memory_space<semaphore_mem>>)
      %mul3A_533 = arith.constant 64 : i32
      %mul3A_534 = arith.muli %rem3A_267, %mul3A_533 : i32
      %dma_start3A_535 = tpu.memref_slice %arg9[%mul3A_534] : memref<128xi32, #tpu.memory_space<vmem>> -> memref<64xi32, #tpu.memory_space<vmem>>
      %dma_start3A_536 = tpu.memref_slice %arg5[%mul3A_524] : memref<320000xi32, #tpu.memory_space<hbm>> -> memref<64xi32, #tpu.memory_space<hbm>>
      %dma_start3A_537 = tpu.memref_slice %arg9[%mul3A_534] : memref<128xi32, #tpu.memory_space<vmem>> -> memref<64xi32, #tpu.memory_space<vmem>>
      %dma_start3A_538 = tpu.memref_slice %arg5[%mul3A_524] : memref<320000xi32, #tpu.memory_space<hbm>> -> memref<64xi32, #tpu.memory_space<hbm>>
      tpu.enqueue_dma source(%dma_start3A_538 : memref<64xi32, #tpu.memory_space<hbm>>) target(%dma_start3A_537 : memref<64xi32, #tpu.memory_space<vmem>>) target_semaphore(%arg18 : memref<!tpu.dma_semaphore, #tpu.memory_space<semaphore_mem>>)
      %mul3A_539 = arith.constant 2 : i32
      %mul3A_540 = arith.muli %rem3A_267, %mul3A_539 : i32
      %mul3A_541 = arith.constant 64 : i32
      %mul3A_542 = arith.muli %mul3A_540, %mul3A_541 : i32
      %mul3A_543 = arith.constant 64 : i32
      %mul3A_544 = arith.muli %rem3A_267, %mul3A_543 : i32
      %scan3A_545 = arith.constant 0 : i32
      %scan3A_546 = arith.constant 0 : i32
      %scan3A_547 = arith.constant 8 : i32
      %scan3A_548 = arith.addi %scan3A_546, %scan3A_547 : i32
      %scan3A_549 = arith.constant 1 : i32
      %scan3A_550 = scf.for %scan3A_553 = %scan3A_546 to %scan3A_548 step %scan3A_549 iter_args(%scan3A_554 = %scan3A_545) -> (i32)  : i32 {
        %mul3A_555 = arith.constant 8 : i32
        %mul3A_556 = arith.muli %scan3A_553, %mul3A_555 : i32
        %add3A_557 = arith.addi %mul3A_542, %mul3A_556 : i32
        %add3A_558 = arith.constant 0 : i32
        %add3A_559 = arith.addi %add3A_557, %add3A_558 : i32
        %get3A_560 = arith.index_cast %add3A_559 : i32 to index
        %get3A_561 = arith.constant 0 : index
        %get3A_562 = tpu.vector_load %arg11[%get3A_560, %get3A_561] {strides = array<i32>} : memref<256x128xf32, #tpu.memory_space<vmem>>, vector<16xf32>,
        %add3A_563 = arith.constant 64 : i32
        %add3A_564 = arith.addi %mul3A_542, %add3A_563 : i32
        %add3A_565 = arith.addi %add3A_564, %mul3A_556 : i32
        %add3A_566 = arith.constant 0 : i32
        %add3A_567 = arith.addi %add3A_565, %add3A_566 : i32
        %get3A_568 = arith.index_cast %add3A_567 : i32 to index
        %get3A_569 = arith.constant 0 : index
        %get3A_570 = tpu.vector_load %arg11[%get3A_568, %get3A_569] {strides = array<i32>} : memref<256x128xf32, #tpu.memory_space<vmem>>, vector<16xf32>,
        %add3A_571 = arith.addf %get3A_562, %get3A_570 : vector<16xf32>
        %add3A_572 = arith.addi %mul3A_544, %mul3A_556 : i32
        %add3A_573 = arith.constant 0 : i32
        %add3A_574 = arith.addi %add3A_572, %add3A_573 : i32
        %get3A_575 = arith.index_cast %add3A_574 : i32 to index
        %get3A_576 = arith.constant 0 : index
        %get3A_577 = tpu.vector_load %arg12[%get3A_575, %get3A_576] {strides = array<i32>} : memref<128x128xf32, #tpu.memory_space<vmem>>, vector<16xf32>,
        %add3A_578 = arith.addf %add3A_571, %get3A_577 : vector<16xf32>
        %max3A = arith.constant 0.000000e+00 : f32
        %max3A_579 = vector.broadcast %max3A : f32 to vector<16xf32>
        %max3A_580 = arith.maximumf %add3A_578, %max3A_579 : vector<16xf32>
        %add3A_581 = arith.constant 0 : i32
        %add3A_582 = arith.addi %mul3A_556, %add3A_581 : i32
        %swap3A_583 = arith.index_cast %add3A_582 : i32 to index
        %swap3A_584 = arith.constant 0 : index
        %swap3A_585 = tpu.vector_load %arg13[%swap3A_583, %swap3A_584] {strides = array<i32>} : memref<64x128xf32, #tpu.memory_space<vmem>>, vector<16xf32>,
        tpu.vector_store %arg13[%swap3A_583, %swap3A_584], %max3A_580 {strides = array<i32>} : memref<64x128xf32, #tpu.memory_space<vmem>>, vector<16xf32>,
        %add3A_586 = arith.addi %mul3A_542, %mul3A_556 : i32
        %add3A_587 = arith.constant 0 : i32
        %add3A_588 = arith.addi %add3A_586, %add3A_587 : i32
        %get3A_589 = arith.index_cast %add3A_588 : i32 to index
        %get3A_590 = arith.constant 16 : index
        %get3A_591 = tpu.vector_load %arg11[%get3A_589, %get3A_590] {strides = array<i32>} : memref<256x128xf32, #tpu.memory_space<vmem>>, vector<16xf32>,
        %add3A_592 = arith.constant 64 : i32
        %add3A_593 = arith.addi %mul3A_542, %add3A_592 : i32
        %add3A_594 = arith.addi %add3A_593, %mul3A_556 : i32
        %add3A_595 = arith.constant 0 : i32
        %add3A_596 = arith.addi %add3A_594, %add3A_595 : i32
        %get3A_597 = arith.index_cast %add3A_596 : i32 to index
        %get3A_598 = arith.constant 16 : index
        %get3A_599 = tpu.vector_load %arg11[%get3A_597, %get3A_598] {strides = array<i32>} : memref<256x128xf32, #tpu.memory_space<vmem>>, vector<16xf32>,
        %add3A_600 = arith.addf %get3A_591, %get3A_599 : vector<16xf32>
        %add3A_601 = arith.addi %mul3A_544, %mul3A_556 : i32
        %add3A_602 = arith.constant 0 : i32
        %add3A_603 = arith.addi %add3A_601, %add3A_602 : i32
        %get3A_604 = arith.index_cast %add3A_603 : i32 to index
        %get3A_605 = arith.constant 16 : index
        %get3A_606 = tpu.vector_load %arg12[%get3A_604, %get3A_605] {strides = array<i32>} : memref<128x128xf32, #tpu.memory_space<vmem>>, vector<16xf32>,
        %add3A_607 = arith.addf %add3A_600, %get3A_606 : vector<16xf32>
        %max3A_608 = arith.constant 0.000000e+00 : f32
        %max3A_609 = vector.broadcast %max3A_608 : f32 to vector<16xf32>
        %max3A_610 = arith.maximumf %add3A_607, %max3A_609 : vector<16xf32>
        %add3A_611 = arith.constant 0 : i32
        %add3A_612 = arith.addi %mul3A_556, %add3A_611 : i32
        %swap3A_613 = arith.index_cast %add3A_612 : i32 to index
        %swap3A_614 = arith.constant 16 : index
        %swap3A_615 = tpu.vector_load %arg13[%swap3A_613, %swap3A_614] {strides = array<i32>} : memref<64x128xf32, #tpu.memory_space<vmem>>, vector<16xf32>,
        tpu.vector_store %arg13[%swap3A_613, %swap3A_614], %max3A_610 {strides = array<i32>} : memref<64x128xf32, #tpu.memory_space<vmem>>, vector<16xf32>,
        %add3A_616 = arith.addi %mul3A_542, %mul3A_556 : i32
        %add3A_617 = arith.constant 0 : i32
        %add3A_618 = arith.addi %add3A_616, %add3A_617 : i32
        %get3A_619 = arith.index_cast %add3A_618 : i32 to index
        %get3A_620 = arith.constant 32 : index
        %get3A_621 = tpu.vector_load %arg11[%get3A_619, %get3A_620] {strides = array<i32>} : memref<256x128xf32, #tpu.memory_space<vmem>>, vector<16xf32>,
        %add3A_622 = arith.constant 64 : i32
        %add3A_623 = arith.addi %mul3A_542, %add3A_622 : i32
        %add3A_624 = arith.addi %add3A_623, %mul3A_556 : i32
        %add3A_625 = arith.constant 0 : i32
        %add3A_626 = arith.addi %add3A_624, %add3A_625 : i32
        %get3A_627 = arith.index_cast %add3A_626 : i32 to index
        %get3A_628 = arith.constant 32 : index
        %get3A_629 = tpu.vector_load %arg11[%get3A_627, %get3A_628] {strides = array<i32>} : memref<256x128xf32, #tpu.memory_space<vmem>>, vector<16xf32>,
        %add3A_630 = arith.addf %get3A_621, %get3A_629 : vector<16xf32>
        %add3A_631 = arith.addi %mul3A_544, %mul3A_556 : i32
        %add3A_632 = arith.constant 0 : i32
        %add3A_633 = arith.addi %add3A_631, %add3A_632 : i32
        %get3A_634 = arith.index_cast %add3A_633 : i32 to index
        %get3A_635 = arith.constant 32 : index
        %get3A_636 = tpu.vector_load %arg12[%get3A_634, %get3A_635] {strides = array<i32>} : memref<128x128xf32, #tpu.memory_space<vmem>>, vector<16xf32>,
        %add3A_637 = arith.addf %add3A_630, %get3A_636 : vector<16xf32>
        %max3A_638 = arith.constant 0.000000e+00 : f32
        %max3A_639 = vector.broadcast %max3A_638 : f32 to vector<16xf32>
        %max3A_640 = arith.maximumf %add3A_637, %max3A_639 : vector<16xf32>
        %add3A_641 = arith.constant 0 : i32
        %add3A_642 = arith.addi %mul3A_556, %add3A_641 : i32
        %swap3A_643 = arith.index_cast %add3A_642 : i32 to index
        %swap3A_644 = arith.constant 32 : index
        %swap3A_645 = tpu.vector_load %arg13[%swap3A_643, %swap3A_644] {strides = array<i32>} : memref<64x128xf32, #tpu.memory_space<vmem>>, vector<16xf32>,
        tpu.vector_store %arg13[%swap3A_643, %swap3A_644], %max3A_640 {strides = array<i32>} : memref<64x128xf32, #tpu.memory_space<vmem>>, vector<16xf32>,
        %add3A_646 = arith.addi %mul3A_542, %mul3A_556 : i32
        %add3A_647 = arith.constant 0 : i32
        %add3A_648 = arith.addi %add3A_646, %add3A_647 : i32
        %get3A_649 = arith.index_cast %add3A_648 : i32 to index
        %get3A_650 = arith.constant 48 : index
        %get3A_651 = tpu.vector_load %arg11[%get3A_649, %get3A_650] {strides = array<i32>} : memref<256x128xf32, #tpu.memory_space<vmem>>, vector<16xf32>,
        %add3A_652 = arith.constant 64 : i32
        %add3A_653 = arith.addi %mul3A_542, %add3A_652 : i32
        %add3A_654 = arith.addi %add3A_653, %mul3A_556 : i32
        %add3A_655 = arith.constant 0 : i32
        %add3A_656 = arith.addi %add3A_654, %add3A_655 : i32
        %get3A_657 = arith.index_cast %add3A_656 : i32 to index
        %get3A_658 = arith.constant 48 : index
        %get3A_659 = tpu.vector_load %arg11[%get3A_657, %get3A_658] {strides = array<i32>} : memref<256x128xf32, #tpu.memory_space<vmem>>, vector<16xf32>,
        %add3A_660 = arith.addf %get3A_651, %get3A_659 : vector<16xf32>
        %add3A_661 = arith.addi %mul3A_544, %mul3A_556 : i32
        %add3A_662 = arith.constant 0 : i32
        %add3A_663 = arith.addi %add3A_661, %add3A_662 : i32
        %get3A_664 = arith.index_cast %add3A_663 : i32 to index
        %get3A_665 = arith.constant 48 : index
        %get3A_666 = tpu.vector_load %arg12[%get3A_664, %get3A_665] {strides = array<i32>} : memref<128x128xf32, #tpu.memory_space<vmem>>, vector<16xf32>,
        %add3A_667 = arith.addf %add3A_660, %get3A_666 : vector<16xf32>
        %max3A_668 = arith.constant 0.000000e+00 : f32
        %max3A_669 = vector.broadcast %max3A_668 : f32 to vector<16xf32>
        %max3A_670 = arith.maximumf %add3A_667, %max3A_669 : vector<16xf32>
        %add3A_671 = arith.constant 0 : i32
        %add3A_672 = arith.addi %mul3A_556, %add3A_671 : i32
        %swap3A_673 = arith.index_cast %add3A_672 : i32 to index
        %swap3A_674 = arith.constant 48 : index
        %swap3A_675 = tpu.vector_load %arg13[%swap3A_673, %swap3A_674] {strides = array<i32>} : memref<64x128xf32, #tpu.memory_space<vmem>>, vector<16xf32>,
        tpu.vector_store %arg13[%swap3A_673, %swap3A_674], %max3A_670 {strides = array<i32>} : memref<64x128xf32, #tpu.memory_space<vmem>>, vector<16xf32>,
        %add3A_676 = arith.addi %mul3A_542, %mul3A_556 : i32
        %add3A_677 = arith.constant 0 : i32
        %add3A_678 = arith.addi %add3A_676, %add3A_677 : i32
        %get3A_679 = arith.index_cast %add3A_678 : i32 to index
        %get3A_680 = arith.constant 64 : index
        %get3A_681 = tpu.vector_load %arg11[%get3A_679, %get3A_680] {strides = array<i32>} : memref<256x128xf32, #tpu.memory_space<vmem>>, vector<16xf32>,
        %add3A_682 = arith.constant 64 : i32
        %add3A_683 = arith.addi %mul3A_542, %add3A_682 : i32
        %add3A_684 = arith.addi %add3A_683, %mul3A_556 : i32
        %add3A_685 = arith.constant 0 : i32
        %add3A_686 = arith.addi %add3A_684, %add3A_685 : i32
        %get3A_687 = arith.index_cast %add3A_686 : i32 to index
        %get3A_688 = arith.constant 64 : index
        %get3A_689 = tpu.vector_load %arg11[%get3A_687, %get3A_688] {strides = array<i32>} : memref<256x128xf32, #tpu.memory_space<vmem>>, vector<16xf32>,
        %add3A_690 = arith.addf %get3A_681, %get3A_689 : vector<16xf32>
        %add3A_691 = arith.addi %mul3A_544, %mul3A_556 : i32
        %add3A_692 = arith.constant 0 : i32
        %add3A_693 = arith.addi %add3A_691, %add3A_692 : i32
        %get3A_694 = arith.index_cast %add3A_693 : i32 to index
        %get3A_695 = arith.constant 64 : index
        %get3A_696 = tpu.vector_load %arg12[%get3A_694, %get3A_695] {strides = array<i32>} : memref<128x128xf32, #tpu.memory_space<vmem>>, vector<16xf32>,
        %add3A_697 = arith.addf %add3A_690, %get3A_696 : vector<16xf32>
        %max3A_698 = arith.constant 0.000000e+00 : f32
        %max3A_699 = vector.broadcast %max3A_698 : f32 to vector<16xf32>
        %max3A_700 = arith.maximumf %add3A_697, %max3A_699 : vector<16xf32>
        %add3A_701 = arith.constant 0 : i32
        %add3A_702 = arith.addi %mul3A_556, %add3A_701 : i32
        %swap3A_703 = arith.index_cast %add3A_702 : i32 to index
        %swap3A_704 = arith.constant 64 : index
        %swap3A_705 = tpu.vector_load %arg13[%swap3A_703, %swap3A_704] {strides = array<i32>} : memref<64x128xf32, #tpu.memory_space<vmem>>, vector<16xf32>,
        tpu.vector_store %arg13[%swap3A_703, %swap3A_704], %max3A_700 {strides = array<i32>} : memref<64x128xf32, #tpu.memory_space<vmem>>, vector<16xf32>,
        %add3A_706 = arith.addi %mul3A_542, %mul3A_556 : i32
        %add3A_707 = arith.constant 0 : i32
        %add3A_708 = arith.addi %add3A_706, %add3A_707 : i32
        %get3A_709 = arith.index_cast %add3A_708 : i32 to index
        %get3A_710 = arith.constant 80 : index
        %get3A_711 = tpu.vector_load %arg11[%get3A_709, %get3A_710] {strides = array<i32>} : memref<256x128xf32, #tpu.memory_space<vmem>>, vector<16xf32>,
        %add3A_712 = arith.constant 64 : i32
        %add3A_713 = arith.addi %mul3A_542, %add3A_712 : i32
        %add3A_714 = arith.addi %add3A_713, %mul3A_556 : i32
        %add3A_715 = arith.constant 0 : i32
        %add3A_716 = arith.addi %add3A_714, %add3A_715 : i32
        %get3A_717 = arith.index_cast %add3A_716 : i32 to index
        %get3A_718 = arith.constant 80 : index
        %get3A_719 = tpu.vector_load %arg11[%get3A_717, %get3A_718] {strides = array<i32>} : memref<256x128xf32, #tpu.memory_space<vmem>>, vector<16xf32>,
        %add3A_720 = arith.addf %get3A_711, %get3A_719 : vector<16xf32>
        %add3A_721 = arith.addi %mul3A_544, %mul3A_556 : i32
        %add3A_722 = arith.constant 0 : i32
        %add3A_723 = arith.addi %add3A_721, %add3A_722 : i32
        %get3A_724 = arith.index_cast %add3A_723 : i32 to index
        %get3A_725 = arith.constant 80 : index
        %get3A_726 = tpu.vector_load %arg12[%get3A_724, %get3A_725] {strides = array<i32>} : memref<128x128xf32, #tpu.memory_space<vmem>>, vector<16xf32>,
        %add3A_727 = arith.addf %add3A_720, %get3A_726 : vector<16xf32>
        %max3A_728 = arith.constant 0.000000e+00 : f32
        %max3A_729 = vector.broadcast %max3A_728 : f32 to vector<16xf32>
        %max3A_730 = arith.maximumf %add3A_727, %max3A_729 : vector<16xf32>
        %add3A_731 = arith.constant 0 : i32
        %add3A_732 = arith.addi %mul3A_556, %add3A_731 : i32
        %swap3A_733 = arith.index_cast %add3A_732 : i32 to index
        %swap3A_734 = arith.constant 80 : index
        %swap3A_735 = tpu.vector_load %arg13[%swap3A_733, %swap3A_734] {strides = array<i32>} : memref<64x128xf32, #tpu.memory_space<vmem>>, vector<16xf32>,
        tpu.vector_store %arg13[%swap3A_733, %swap3A_734], %max3A_730 {strides = array<i32>} : memref<64x128xf32, #tpu.memory_space<vmem>>, vector<16xf32>,
        %add3A_736 = arith.addi %mul3A_542, %mul3A_556 : i32
        %add3A_737 = arith.constant 0 : i32
        %add3A_738 = arith.addi %add3A_736, %add3A_737 : i32
        %get3A_739 = arith.index_cast %add3A_738 : i32 to index
        %get3A_740 = arith.constant 96 : index
        %get3A_741 = tpu.vector_load %arg11[%get3A_739, %get3A_740] {strides = array<i32>} : memref<256x128xf32, #tpu.memory_space<vmem>>, vector<16xf32>,
        %add3A_742 = arith.constant 64 : i32
        %add3A_743 = arith.addi %mul3A_542, %add3A_742 : i32
        %add3A_744 = arith.addi %add3A_743, %mul3A_556 : i32
        %add3A_745 = arith.constant 0 : i32
        %add3A_746 = arith.addi %add3A_744, %add3A_745 : i32
        %get3A_747 = arith.index_cast %add3A_746 : i32 to index
        %get3A_748 = arith.constant 96 : index
        %get3A_749 = tpu.vector_load %arg11[%get3A_747, %get3A_748] {strides = array<i32>} : memref<256x128xf32, #tpu.memory_space<vmem>>, vector<16xf32>,
        %add3A_750 = arith.addf %get3A_741, %get3A_749 : vector<16xf32>
        %add3A_751 = arith.addi %mul3A_544, %mul3A_556 : i32
        %add3A_752 = arith.constant 0 : i32
        %add3A_753 = arith.addi %add3A_751, %add3A_752 : i32
        %get3A_754 = arith.index_cast %add3A_753 : i32 to index
        %get3A_755 = arith.constant 96 : index
        %get3A_756 = tpu.vector_load %arg12[%get3A_754, %get3A_755] {strides = array<i32>} : memref<128x128xf32, #tpu.memory_space<vmem>>, vector<16xf32>,
        %add3A_757 = arith.addf %add3A_750, %get3A_756 : vector<16xf32>
        %max3A_758 = arith.constant 0.000000e+00 : f32
        %max3A_759 = vector.broadcast %max3A_758 : f32 to vector<16xf32>
        %max3A_760 = arith.maximumf %add3A_757, %max3A_759 : vector<16xf32>
        %add3A_761 = arith.constant 0 : i32
        %add3A_762 = arith.addi %mul3A_556, %add3A_761 : i32
        %swap3A_763 = arith.index_cast %add3A_762 : i32 to index
        %swap3A_764 = arith.constant 96 : index
        %swap3A_765 = tpu.vector_load %arg13[%swap3A_763, %swap3A_764] {strides = array<i32>} : memref<64x128xf32, #tpu.memory_space<vmem>>, vector<16xf32>,
        tpu.vector_store %arg13[%swap3A_763, %swap3A_764], %max3A_760 {strides = array<i32>} : memref<64x128xf32, #tpu.memory_space<vmem>>, vector<16xf32>,
        %add3A_766 = arith.addi %mul3A_542, %mul3A_556 : i32
        %add3A_767 = arith.constant 0 : i32
        %add3A_768 = arith.addi %add3A_766, %add3A_767 : i32
        %get3A_769 = arith.index_cast %add3A_768 : i32 to index
        %get3A_770 = arith.constant 112 : index
        %get3A_771 = tpu.vector_load %arg11[%get3A_769, %get3A_770] {strides = array<i32>} : memref<256x128xf32, #tpu.memory_space<vmem>>, vector<16xf32>,
        %add3A_772 = arith.constant 64 : i32
        %add3A_773 = arith.addi %mul3A_542, %add3A_772 : i32
        %add3A_774 = arith.addi %add3A_773, %mul3A_556 : i32
        %add3A_775 = arith.constant 0 : i32
        %add3A_776 = arith.addi %add3A_774, %add3A_775 : i32
        %get3A_777 = arith.index_cast %add3A_776 : i32 to index
        %get3A_778 = arith.constant 112 : index
        %get3A_779 = tpu.vector_load %arg11[%get3A_777, %get3A_778] {strides = array<i32>} : memref<256x128xf32, #tpu.memory_space<vmem>>, vector<16xf32>,
        %add3A_780 = arith.addf %get3A_771, %get3A_779 : vector<16xf32>
        %add3A_781 = arith.addi %mul3A_544, %mul3A_556 : i32
        %add3A_782 = arith.constant 0 : i32
        %add3A_783 = arith.addi %add3A_781, %add3A_782 : i32
        %get3A_784 = arith.index_cast %add3A_783 : i32 to index
        %get3A_785 = arith.constant 112 : index
        %get3A_786 = tpu.vector_load %arg12[%get3A_784, %get3A_785] {strides = array<i32>} : memref<128x128xf32, #tpu.memory_space<vmem>>, vector<16xf32>,
        %add3A_787 = arith.addf %add3A_780, %get3A_786 : vector<16xf32>
        %max3A_788 = arith.constant 0.000000e+00 : f32
        %max3A_789 = vector.broadcast %max3A_788 : f32 to vector<16xf32>
        %max3A_790 = arith.maximumf %add3A_787, %max3A_789 : vector<16xf32>
        %add3A_791 = arith.constant 0 : i32
        %add3A_792 = arith.addi %mul3A_556, %add3A_791 : i32
        %swap3A_793 = arith.index_cast %add3A_792 : i32 to index
        %swap3A_794 = arith.constant 112 : index
        %swap3A_795 = tpu.vector_load %arg13[%swap3A_793, %swap3A_794] {strides = array<i32>} : memref<64x128xf32, #tpu.memory_space<vmem>>, vector<16xf32>,
        tpu.vector_store %arg13[%swap3A_793, %swap3A_794], %max3A_790 {strides = array<i32>} : memref<64x128xf32, #tpu.memory_space<vmem>>, vector<16xf32>,
        %add3A_796 = arith.addi %mul3A_542, %mul3A_556 : i32
        %add3A_797 = arith.constant 1 : i32
        %add3A_798 = arith.addi %add3A_796, %add3A_797 : i32
        %get3A_799 = arith.index_cast %add3A_798 : i32 to index
        %get3A_800 = arith.constant 0 : index
        %get3A_801 = tpu.vector_load %arg11[%get3A_799, %get3A_800] {strides = array<i32>} : memref<256x128xf32, #tpu.memory_space<vmem>>, vector<16xf32>,
        %add3A_802 = arith.constant 64 : i32
        %add3A_803 = arith.addi %mul3A_542, %add3A_802 : i32
        %add3A_804 = arith.addi %add3A_803, %mul3A_556 : i32
        %add3A_805 = arith.constant 1 : i32
        %add3A_806 = arith.addi %add3A_804, %add3A_805 : i32
        %get3A_807 = arith.index_cast %add3A_806 : i32 to index
        %get3A_808 = arith.constant 0 : index
        %get3A_809 = tpu.vector_load %arg11[%get3A_807, %get3A_808] {strides = array<i32>} : memref<256x128xf32, #tpu.memory_space<vmem>>, vector<16xf32>,
        %add3A_810 = arith.addf %get3A_801, %get3A_809 : vector<16xf32>
        %add3A_811 = arith.addi %mul3A_544, %mul3A_556 : i32
        %add3A_812 = arith.constant 1 : i32
        %add3A_813 = arith.addi %add3A_811, %add3A_812 : i32
        %get3A_814 = arith.index_cast %add3A_813 : i32 to index
        %get3A_815 = arith.constant 0 : index
        %get3A_816 = tpu.vector_load %arg12[%get3A_814, %get3A_815] {strides = array<i32>} : memref<128x128xf32, #tpu.memory_space<vmem>>, vector<16xf32>,
        %add3A_817 = arith.addf %add3A_810, %get3A_816 : vector<16xf32>
        %max3A_818 = arith.constant 0.000000e+00 : f32
        %max3A_819 = vector.broadcast %max3A_818 : f32 to vector<16xf32>
        %max3A_820 = arith.maximumf %add3A_817, %max3A_819 : vector<16xf32>
        %add3A_821 = arith.constant 1 : i32
        %add3A_822 = arith.addi %mul3A_556, %add3A_821 : i32
        %swap3A_823 = arith.index_cast %add3A_822 : i32 to index
        %swap3A_824 = arith.constant 0 : index
        %swap3A_825 = tpu.vector_load %arg13[%swap3A_823, %swap3A_824] {strides = array<i32>} : memref<64x128xf32, #tpu.memory_space<vmem>>, vector<16xf32>,
        tpu.vector_store %arg13[%swap3A_823, %swap3A_824], %max3A_820 {strides = array<i32>} : memref<64x128xf32, #tpu.memory_space<vmem>>, vector<16xf32>,
        %add3A_826 = arith.addi %mul3A_542, %mul3A_556 : i32
        %add3A_827 = arith.constant 1 : i32
        %add3A_828 = arith.addi %add3A_826, %add3A_827 : i32
        %get3A_829 = arith.index_cast %add3A_828 : i32 to index
        %get3A_830 = arith.constant 16 : index
        %get3A_831 = tpu.vector_load %arg11[%get3A_829, %get3A_830] {strides = array<i32>} : memref<256x128xf32, #tpu.memory_space<vmem>>, vector<16xf32>,
        %add3A_832 = arith.constant 64 : i32
        %add3A_833 = arith.addi %mul3A_542, %add3A_832 : i32
        %add3A_834 = arith.addi %add3A_833, %mul3A_556 : i32
        %add3A_835 = arith.constant 1 : i32
        %add3A_836 = arith.addi %add3A_834, %add3A_835 : i32
        %get3A_837 = arith.index_cast %add3A_836 : i32 to index
        %get3A_838 = arith.constant 16 : index
        %get3A_839 = tpu.vector_load %arg11[%get3A_837, %get3A_838] {strides = array<i32>} : memref<256x128xf32, #tpu.memory_space<vmem>>, vector<16xf32>,
        %add3A_840 = arith.addf %get3A_831, %get3A_839 : vector<16xf32>
        %add3A_841 = arith.addi %mul3A_544, %mul3A_556 : i32
        %add3A_842 = arith.constant 1 : i32
        %add3A_843 = arith.addi %add3A_841, %add3A_842 : i32
        %get3A_844 = arith.index_cast %add3A_843 : i32 to index
        %get3A_845 = arith.constant 16 : index
        %get3A_846 = tpu.vector_load %arg12[%get3A_844, %get3A_845] {strides = array<i32>} : memref<128x128xf32, #tpu.memory_space<vmem>>, vector<16xf32>,
        %add3A_847 = arith.addf %add3A_840, %get3A_846 : vector<16xf32>
        %max3A_848 = arith.constant 0.000000e+00 : f32
        %max3A_849 = vector.broadcast %max3A_848 : f32 to vector<16xf32>
        %max3A_850 = arith.maximumf %add3A_847, %max3A_849 : vector<16xf32>
        %add3A_851 = arith.constant 1 : i32
        %add3A_852 = arith.addi %mul3A_556, %add3A_851 : i32
        %swap3A_853 = arith.index_cast %add3A_852 : i32 to index
        %swap3A_854 = arith.constant 16 : index
        %swap3A_855 = tpu.vector_load %arg13[%swap3A_853, %swap3A_854] {strides = array<i32>} : memref<64x128xf32, #tpu.memory_space<vmem>>, vector<16xf32>,
        tpu.vector_store %arg13[%swap3A_853, %swap3A_854], %max3A_850 {strides = array<i32>} : memref<64x128xf32, #tpu.memory_space<vmem>>, vector<16xf32>,
        %add3A_856 = arith.addi %mul3A_542, %mul3A_556 : i32
        %add3A_857 = arith.constant 1 : i32
        %add3A_858 = arith.addi %add3A_856, %add3A_857 : i32
        %get3A_859 = arith.index_cast %add3A_858 : i32 to index
        %get3A_860 = arith.constant 32 : index
        %get3A_861 = tpu.vector_load %arg11[%get3A_859, %get3A_860] {strides = array<i32>} : memref<256x128xf32, #tpu.memory_space<vmem>>, vector<16xf32>,
        %add3A_862 = arith.constant 64 : i32
        %add3A_863 = arith.addi %mul3A_542, %add3A_862 : i32
        %add3A_864 = arith.addi %add3A_863, %mul3A_556 : i32
        %add3A_865 = arith.constant 1 : i32
        %add3A_866 = arith.addi %add3A_864, %add3A_865 : i32
        %get3A_867 = arith.index_cast %add3A_866 : i32 to index
        %get3A_868 = arith.constant 32 : index
        %get3A_869 = tpu.vector_load %arg11[%get3A_867, %get3A_868] {strides = array<i32>} : memref<256x128xf32, #tpu.memory_space<vmem>>, vector<16xf32>,
        %add3A_870 = arith.addf %get3A_861, %get3A_869 : vector<16xf32>
        %add3A_871 = arith.addi %mul3A_544, %mul3A_556 : i32
        %add3A_872 = arith.constant 1 : i32
        %add3A_873 = arith.addi %add3A_871, %add3A_872 : i32
        %get3A_874 = arith.index_cast %add3A_873 : i32 to index
        %get3A_875 = arith.constant 32 : index
        %get3A_876 = tpu.vector_load %arg12[%get3A_874, %get3A_875] {strides = array<i32>} : memref<128x128xf32, #tpu.memory_space<vmem>>, vector<16xf32>,
        %add3A_877 = arith.addf %add3A_870, %get3A_876 : vector<16xf32>
        %max3A_878 = arith.constant 0.000000e+00 : f32
        %max3A_879 = vector.broadcast %max3A_878 : f32 to vector<16xf32>
        %max3A_880 = arith.maximumf %add3A_877, %max3A_879 : vector<16xf32>
        %add3A_881 = arith.constant 1 : i32
        %add3A_882 = arith.addi %mul3A_556, %add3A_881 : i32
        %swap3A_883 = arith.index_cast %add3A_882 : i32 to index
        %swap3A_884 = arith.constant 32 : index
        %swap3A_885 = tpu.vector_load %arg13[%swap3A_883, %swap3A_884] {strides = array<i32>} : memref<64x128xf32, #tpu.memory_space<vmem>>, vector<16xf32>,
        tpu.vector_store %arg13[%swap3A_883, %swap3A_884], %max3A_880 {strides = array<i32>} : memref<64x128xf32, #tpu.memory_space<vmem>>, vector<16xf32>,
        %add3A_886 = arith.addi %mul3A_542, %mul3A_556 : i32
        %add3A_887 = arith.constant 1 : i32
        %add3A_888 = arith.addi %add3A_886, %add3A_887 : i32
        %get3A_889 = arith.index_cast %add3A_888 : i32 to index
        %get3A_890 = arith.constant 48 : index
        %get3A_891 = tpu.vector_load %arg11[%get3A_889, %get3A_890] {strides = array<i32>} : memref<256x128xf32, #tpu.memory_space<vmem>>, vector<16xf32>,
        %add3A_892 = arith.constant 64 : i32
        %add3A_893 = arith.addi %mul3A_542, %add3A_892 : i32
        %add3A_894 = arith.addi %add3A_893, %mul3A_556 : i32
        %add3A_895 = arith.constant 1 : i32
        %add3A_896 = arith.addi %add3A_894, %add3A_895 : i32
        %get3A_897 = arith.index_cast %add3A_896 : i32 to index
        %get3A_898 = arith.constant 48 : index
        %get3A_899 = tpu.vector_load %arg11[%get3A_897, %get3A_898] {strides = array<i32>} : memref<256x128xf32, #tpu.memory_space<vmem>>, vector<16xf32>,
        %add3A_900 = arith.addf %get3A_891, %get3A_899 : vector<16xf32>
        %add3A_901 = arith.addi %mul3A_544, %mul3A_556 : i32
        %add3A_902 = arith.constant 1 : i32
        %add3A_903 = arith.addi %add3A_901, %add3A_902 : i32
        %get3A_904 = arith.index_cast %add3A_903 : i32 to index
        %get3A_905 = arith.constant 48 : index
        %get3A_906 = tpu.vector_load %arg12[%get3A_904, %get3A_905] {strides = array<i32>} : memref<128x128xf32, #tpu.memory_space<vmem>>, vector<16xf32>,
        %add3A_907 = arith.addf %add3A_900, %get3A_906 : vector<16xf32>
        %max3A_908 = arith.constant 0.000000e+00 : f32
        %max3A_909 = vector.broadcast %max3A_908 : f32 to vector<16xf32>
        %max3A_910 = arith.maximumf %add3A_907, %max3A_909 : vector<16xf32>
        %add3A_911 = arith.constant 1 : i32
        %add3A_912 = arith.addi %mul3A_556, %add3A_911 : i32
        %swap3A_913 = arith.index_cast %add3A_912 : i32 to index
        %swap3A_914 = arith.constant 48 : index
        %swap3A_915 = tpu.vector_load %arg13[%swap3A_913, %swap3A_914] {strides = array<i32>} : memref<64x128xf32, #tpu.memory_space<vmem>>, vector<16xf32>,
        tpu.vector_store %arg13[%swap3A_913, %swap3A_914], %max3A_910 {strides = array<i32>} : memref<64x128xf32, #tpu.memory_space<vmem>>, vector<16xf32>,
        %add3A_916 = arith.addi %mul3A_542, %mul3A_556 : i32
        %add3A_917 = arith.constant 1 : i32
        %add3A_918 = arith.addi %add3A_916, %add3A_917 : i32
        %get3A_919 = arith.index_cast %add3A_918 : i32 to index
        %get3A_920 = arith.constant 64 : index
        %get3A_921 = tpu.vector_load %arg11[%get3A_919, %get3A_920] {strides = array<i32>} : memref<256x128xf32, #tpu.memory_space<vmem>>, vector<16xf32>,
        %add3A_922 = arith.constant 64 : i32
        %add3A_923 = arith.addi %mul3A_542, %add3A_922 : i32
        %add3A_924 = arith.addi %add3A_923, %mul3A_556 : i32
        %add3A_925 = arith.constant 1 : i32
        %add3A_926 = arith.addi %add3A_924, %add3A_925 : i32
        %get3A_927 = arith.index_cast %add3A_926 : i32 to index
        %get3A_928 = arith.constant 64 : index
        %get3A_929 = tpu.vector_load %arg11[%get3A_927, %get3A_928] {strides = array<i32>} : memref<256x128xf32, #tpu.memory_space<vmem>>, vector<16xf32>,
        %add3A_930 = arith.addf %get3A_921, %get3A_929 : vector<16xf32>
        %add3A_931 = arith.addi %mul3A_544, %mul3A_556 : i32
        %add3A_932 = arith.constant 1 : i32
        %add3A_933 = arith.addi %add3A_931, %add3A_932 : i32
        %get3A_934 = arith.index_cast %add3A_933 : i32 to index
        %get3A_935 = arith.constant 64 : index
        %get3A_936 = tpu.vector_load %arg12[%get3A_934, %get3A_935] {strides = array<i32>} : memref<128x128xf32, #tpu.memory_space<vmem>>, vector<16xf32>,
        %add3A_937 = arith.addf %add3A_930, %get3A_936 : vector<16xf32>
        %max3A_938 = arith.constant 0.000000e+00 : f32
        %max3A_939 = vector.broadcast %max3A_938 : f32 to vector<16xf32>
        %max3A_940 = arith.maximumf %add3A_937, %max3A_939 : vector<16xf32>
        %add3A_941 = arith.constant 1 : i32
        %add3A_942 = arith.addi %mul3A_556, %add3A_941 : i32
        %swap3A_943 = arith.index_cast %add3A_942 : i32 to index
        %swap3A_944 = arith.constant 64 : index
        %swap3A_945 = tpu.vector_load %arg13[%swap3A_943, %swap3A_944] {strides = array<i32>} : memref<64x128xf32, #tpu.memory_space<vmem>>, vector<16xf32>,
        tpu.vector_store %arg13[%swap3A_943, %swap3A_944], %max3A_940 {strides = array<i32>} : memref<64x128xf32, #tpu.memory_space<vmem>>, vector<16xf32>,
        %add3A_946 = arith.addi %mul3A_542, %mul3A_556 : i32
        %add3A_947 = arith.constant 1 : i32
        %add3A_948 = arith.addi %add3A_946, %add3A_947 : i32
        %get3A_949 = arith.index_cast %add3A_948 : i32 to index
        %get3A_950 = arith.constant 80 : index
        %get3A_951 = tpu.vector_load %arg11[%get3A_949, %get3A_950] {strides = array<i32>} : memref<256x128xf32, #tpu.memory_space<vmem>>, vector<16xf32>,
        %add3A_952 = arith.constant 64 : i32
        %add3A_953 = arith.addi %mul3A_542, %add3A_952 : i32
        %add3A_954 = arith.addi %add3A_953, %mul3A_556 : i32
        %add3A_955 = arith.constant 1 : i32
        %add3A_956 = arith.addi %add3A_954, %add3A_955 : i32
        %get3A_957 = arith.index_cast %add3A_956 : i32 to index
        %get3A_958 = arith.constant 80 : index
        %get3A_959 = tpu.vector_load %arg11[%get3A_957, %get3A_958] {strides = array<i32>} : memref<256x128xf32, #tpu.memory_space<vmem>>, vector<16xf32>,
        %add3A_960 = arith.addf %get3A_951, %get3A_959 : vector<16xf32>
        %add3A_961 = arith.addi %mul3A_544, %mul3A_556 : i32
        %add3A_962 = arith.constant 1 : i32
        %add3A_963 = arith.addi %add3A_961, %add3A_962 : i32
        %get3A_964 = arith.index_cast %add3A_963 : i32 to index
        %get3A_965 = arith.constant 80 : index
        %get3A_966 = tpu.vector_load %arg12[%get3A_964, %get3A_965] {strides = array<i32>} : memref<128x128xf32, #tpu.memory_space<vmem>>, vector<16xf32>,
        %add3A_967 = arith.addf %add3A_960, %get3A_966 : vector<16xf32>
        %max3A_968 = arith.constant 0.000000e+00 : f32
        %max3A_969 = vector.broadcast %max3A_968 : f32 to vector<16xf32>
        %max3A_970 = arith.maximumf %add3A_967, %max3A_969 : vector<16xf32>
        %add3A_971 = arith.constant 1 : i32
        %add3A_972 = arith.addi %mul3A_556, %add3A_971 : i32
        %swap3A_973 = arith.index_cast %add3A_972 : i32 to index
        %swap3A_974 = arith.constant 80 : index
        %swap3A_975 = tpu.vector_load %arg13[%swap3A_973, %swap3A_974] {strides = array<i32>} : memref<64x128xf32, #tpu.memory_space<vmem>>, vector<16xf32>,
        tpu.vector_store %arg13[%swap3A_973, %swap3A_974], %max3A_970 {strides = array<i32>} : memref<64x128xf32, #tpu.memory_space<vmem>>, vector<16xf32>,
        %add3A_976 = arith.addi %mul3A_542, %mul3A_556 : i32
        %add3A_977 = arith.constant 1 : i32
        %add3A_978 = arith.addi %add3A_976, %add3A_977 : i32
        %get3A_979 = arith.index_cast %add3A_978 : i32 to index
        %get3A_980 = arith.constant 96 : index
        %get3A_981 = tpu.vector_load %arg11[%get3A_979, %get3A_980] {strides = array<i32>} : memref<256x128xf32, #tpu.memory_space<vmem>>, vector<16xf32>,
        %add3A_982 = arith.constant 64 : i32
        %add3A_983 = arith.addi %mul3A_542, %add3A_982 : i32
        %add3A_984 = arith.addi %add3A_983, %mul3A_556 : i32
        %add3A_985 = arith.constant 1 : i32
        %add3A_986 = arith.addi %add3A_984, %add3A_985 : i32
        %get3A_987 = arith.index_cast %add3A_986 : i32 to index
        %get3A_988 = arith.constant 96 : index
        %get3A_989 = tpu.vector_load %arg11[%get3A_987, %get3A_988] {strides = array<i32>} : memref<256x128xf32, #tpu.memory_space<vmem>>, vector<16xf32>,
        %add3A_990 = arith.addf %get3A_981, %get3A_989 : vector<16xf32>
        %add3A_991 = arith.addi %mul3A_544, %mul3A_556 : i32
        %add3A_992 = arith.constant 1 : i32
        %add3A_993 = arith.addi %add3A_991, %add3A_992 : i32
        %get3A_994 = arith.index_cast %add3A_993 : i32 to index
        %get3A_995 = arith.constant 96 : index
        %get3A_996 = tpu.vector_load %arg12[%get3A_994, %get3A_995] {strides = array<i32>} : memref<128x128xf32, #tpu.memory_space<vmem>>, vector<16xf32>,
        %add3A_997 = arith.addf %add3A_990, %get3A_996 : vector<16xf32>
        %max3A_998 = arith.constant 0.000000e+00 : f32
        %max3A_999 = vector.broadcast %max3A_998 : f32 to vector<16xf32>
        %max3A_1000 = arith.maximumf %add3A_997, %max3A_999 : vector<16xf32>
        %add3A_1001 = arith.constant 1 : i32
        %add3A_1002 = arith.addi %mul3A_556, %add3A_1001 : i32
        %swap3A_1003 = arith.index_cast %add3A_1002 : i32 to index
        %swap3A_1004 = arith.constant 96 : index
        %swap3A_1005 = tpu.vector_load %arg13[%swap3A_1003, %swap3A_1004] {strides = array<i32>} : memref<64x128xf32, #tpu.memory_space<vmem>>, vector<16xf32>,
        tpu.vector_store %arg13[%swap3A_1003, %swap3A_1004], %max3A_1000 {strides = array<i32>} : memref<64x128xf32, #tpu.memory_space<vmem>>, vector<16xf32>,
        %add3A_1006 = arith.addi %mul3A_542, %mul3A_556 : i32
        %add3A_1007 = arith.constant 1 : i32
        %add3A_1008 = arith.addi %add3A_1006, %add3A_1007 : i32
        %get3A_1009 = arith.index_cast %add3A_1008 : i32 to index
        %get3A_1010 = arith.constant 112 : index
        %get3A_1011 = tpu.vector_load %arg11[%get3A_1009, %get3A_1010] {strides = array<i32>} : memref<256x128xf32, #tpu.memory_space<vmem>>, vector<16xf32>,
        %add3A_1012 = arith.constant 64 : i32
        %add3A_1013 = arith.addi %mul3A_542, %add3A_1012 : i32
        %add3A_1014 = arith.addi %add3A_1013, %mul3A_556 : i32
        %add3A_1015 = arith.constant 1 : i32
        %add3A_1016 = arith.addi %add3A_1014, %add3A_1015 : i32
        %get3A_1017 = arith.index_cast %add3A_1016 : i32 to index
        %get3A_1018 = arith.constant 112 : index
        %get3A_1019 = tpu.vector_load %arg11[%get3A_1017, %get3A_1018] {strides = array<i32>} : memref<256x128xf32, #tpu.memory_space<vmem>>, vector<16xf32>,
        %add3A_1020 = arith.addf %get3A_1011, %get3A_1019 : vector<16xf32>
        %add3A_1021 = arith.addi %mul3A_544, %mul3A_556 : i32
        %add3A_1022 = arith.constant 1 : i32
        %add3A_1023 = arith.addi %add3A_1021, %add3A_1022 : i32
        %get3A_1024 = arith.index_cast %add3A_1023 : i32 to index
        %get3A_1025 = arith.constant 112 : index
        %get3A_1026 = tpu.vector_load %arg12[%get3A_1024, %get3A_1025] {strides = array<i32>} : memref<128x128xf32, #tpu.memory_space<vmem>>, vector<16xf32>,
        %add3A_1027 = arith.addf %add3A_1020, %get3A_1026 : vector<16xf32>
        %max3A_1028 = arith.constant 0.000000e+00 : f32
        %max3A_1029 = vector.broadcast %max3A_1028 : f32 to vector<16xf32>
        %max3A_1030 = arith.maximumf %add3A_1027, %max3A_1029 : vector<16xf32>
        %add3A_1031 = arith.constant 1 : i32
        %add3A_1032 = arith.addi %mul3A_556, %add3A_1031 : i32
        %swap3A_1033 = arith.index_cast %add3A_1032 : i32 to index
        %swap3A_1034 = arith.constant 112 : index
        %swap3A_1035 = tpu.vector_load %arg13[%swap3A_1033, %swap3A_1034] {strides = array<i32>} : memref<64x128xf32, #tpu.memory_space<vmem>>, vector<16xf32>,
        tpu.vector_store %arg13[%swap3A_1033, %swap3A_1034], %max3A_1030 {strides = array<i32>} : memref<64x128xf32, #tpu.memory_space<vmem>>, vector<16xf32>,
        %add3A_1036 = arith.addi %mul3A_542, %mul3A_556 : i32
        %add3A_1037 = arith.constant 2 : i32
        %add3A_1038 = arith.addi %add3A_1036, %add3A_1037 : i32
        %get3A_1039 = arith.index_cast %add3A_1038 : i32 to index
        %get3A_1040 = arith.constant 0 : index
        %get3A_1041 = tpu.vector_load %arg11[%get3A_1039, %get3A_1040] {strides = array<i32>} : memref<256x128xf32, #tpu.memory_space<vmem>>, vector<16xf32>,
        %add3A_1042 = arith.constant 64 : i32
        %add3A_1043 = arith.addi %mul3A_542, %add3A_1042 : i32
        %add3A_1044 = arith.addi %add3A_1043, %mul3A_556 : i32
        %add3A_1045 = arith.constant 2 : i32
        %add3A_1046 = arith.addi %add3A_1044, %add3A_1045 : i32
        %get3A_1047 = arith.index_cast %add3A_1046 : i32 to index
        %get3A_1048 = arith.constant 0 : index
        %get3A_1049 = tpu.vector_load %arg11[%get3A_1047, %get3A_1048] {strides = array<i32>} : memref<256x128xf32, #tpu.memory_space<vmem>>, vector<16xf32>,
        %add3A_1050 = arith.addf %get3A_1041, %get3A_1049 : vector<16xf32>
        %add3A_1051 = arith.addi %mul3A_544, %mul3A_556 : i32
        %add3A_1052 = arith.constant 2 : i32
        %add3A_1053 = arith.addi %add3A_1051, %add3A_1052 : i32
        %get3A_1054 = arith.index_cast %add3A_1053 : i32 to index
        %get3A_1055 = arith.constant 0 : index
        %get3A_1056 = tpu.vector_load %arg12[%get3A_1054, %get3A_1055] {strides = array<i32>} : memref<128x128xf32, #tpu.memory_space<vmem>>, vector<16xf32>,
        %add3A_1057 = arith.addf %add3A_1050, %get3A_1056 : vector<16xf32>
        %max3A_1058 = arith.constant 0.000000e+00 : f32
        %max3A_1059 = vector.broadcast %max3A_1058 : f32 to vector<16xf32>
        %max3A_1060 = arith.maximumf %add3A_1057, %max3A_1059 : vector<16xf32>
        %add3A_1061 = arith.constant 2 : i32
        %add3A_1062 = arith.addi %mul3A_556, %add3A_1061 : i32
        %swap3A_1063 = arith.index_cast %add3A_1062 : i32 to index
        %swap3A_1064 = arith.constant 0 : index
        %swap3A_1065 = tpu.vector_load %arg13[%swap3A_1063, %swap3A_1064] {strides = array<i32>} : memref<64x128xf32, #tpu.memory_space<vmem>>, vector<16xf32>,
        tpu.vector_store %arg13[%swap3A_1063, %swap3A_1064], %max3A_1060 {strides = array<i32>} : memref<64x128xf32, #tpu.memory_space<vmem>>, vector<16xf32>,
        %add3A_1066 = arith.addi %mul3A_542, %mul3A_556 : i32
        %add3A_1067 = arith.constant 2 : i32
        %add3A_1068 = arith.addi %add3A_1066, %add3A_1067 : i32
        %get3A_1069 = arith.index_cast %add3A_1068 : i32 to index
        %get3A_1070 = arith.constant 16 : index
        %get3A_1071 = tpu.vector_load %arg11[%get3A_1069, %get3A_1070] {strides = array<i32>} : memref<256x128xf32, #tpu.memory_space<vmem>>, vector<16xf32>,
        %add3A_1072 = arith.constant 64 : i32
        %add3A_1073 = arith.addi %mul3A_542, %add3A_1072 : i32
        %add3A_1074 = arith.addi %add3A_1073, %mul3A_556 : i32
        %add3A_1075 = arith.constant 2 : i32
        %add3A_1076 = arith.addi %add3A_1074, %add3A_1075 : i32
        %get3A_1077 = arith.index_cast %add3A_1076 : i32 to index
        %get3A_1078 = arith.constant 16 : index
        %get3A_1079 = tpu.vector_load %arg11[%get3A_1077, %get3A_1078] {strides = array<i32>} : memref<256x128xf32, #tpu.memory_space<vmem>>, vector<16xf32>,
        %add3A_1080 = arith.addf %get3A_1071, %get3A_1079 : vector<16xf32>
        %add3A_1081 = arith.addi %mul3A_544, %mul3A_556 : i32
        %add3A_1082 = arith.constant 2 : i32
        %add3A_1083 = arith.addi %add3A_1081, %add3A_1082 : i32
        %get3A_1084 = arith.index_cast %add3A_1083 : i32 to index
        %get3A_1085 = arith.constant 16 : index
        %get3A_1086 = tpu.vector_load %arg12[%get3A_1084, %get3A_1085] {strides = array<i32>} : memref<128x128xf32, #tpu.memory_space<vmem>>, vector<16xf32>,
        %add3A_1087 = arith.addf %add3A_1080, %get3A_1086 : vector<16xf32>
        %max3A_1088 = arith.constant 0.000000e+00 : f32
        %max3A_1089 = vector.broadcast %max3A_1088 : f32 to vector<16xf32>
        %max3A_1090 = arith.maximumf %add3A_1087, %max3A_1089 : vector<16xf32>
        %add3A_1091 = arith.constant 2 : i32
        %add3A_1092 = arith.addi %mul3A_556, %add3A_1091 : i32
        %swap3A_1093 = arith.index_cast %add3A_1092 : i32 to index
        %swap3A_1094 = arith.constant 16 : index
        %swap3A_1095 = tpu.vector_load %arg13[%swap3A_1093, %swap3A_1094] {strides = array<i32>} : memref<64x128xf32, #tpu.memory_space<vmem>>, vector<16xf32>,
        tpu.vector_store %arg13[%swap3A_1093, %swap3A_1094], %max3A_1090 {strides = array<i32>} : memref<64x128xf32, #tpu.memory_space<vmem>>, vector<16xf32>,
        %add3A_1096 = arith.addi %mul3A_542, %mul3A_556 : i32
        %add3A_1097 = arith.constant 2 : i32
        %add3A_1098 = arith.addi %add3A_1096, %add3A_1097 : i32
        %get3A_1099 = arith.index_cast %add3A_1098 : i32 to index
        %get3A_1100 = arith.constant 32 : index
        %get3A_1101 = tpu.vector_load %arg11[%get3A_1099, %get3A_1100] {strides = array<i32>} : memref<256x128xf32, #tpu.memory_space<vmem>>, vector<16xf32>,
        %add3A_1102 = arith.constant 64 : i32
        %add3A_1103 = arith.addi %mul3A_542, %add3A_1102 : i32
        %add3A_1104 = arith.addi %add3A_1103, %mul3A_556 : i32
        %add3A_1105 = arith.constant 2 : i32
        %add3A_1106 = arith.addi %add3A_1104, %add3A_1105 : i32
        %get3A_1107 = arith.index_cast %add3A_1106 : i32 to index
        %get3A_1108 = arith.constant 32 : index
        %get3A_1109 = tpu.vector_load %arg11[%get3A_1107, %get3A_1108] {strides = array<i32>} : memref<256x128xf32, #tpu.memory_space<vmem>>, vector<16xf32>,
        %add3A_1110 = arith.addf %get3A_1101, %get3A_1109 : vector<16xf32>
        %add3A_1111 = arith.addi %mul3A_544, %mul3A_556 : i32
        %add3A_1112 = arith.constant 2 : i32
        %add3A_1113 = arith.addi %add3A_1111, %add3A_1112 : i32
        %get3A_1114 = arith.index_cast %add3A_1113 : i32 to index
        %get3A_1115 = arith.constant 32 : index
        %get3A_1116 = tpu.vector_load %arg12[%get3A_1114, %get3A_1115] {strides = array<i32>} : memref<128x128xf32, #tpu.memory_space<vmem>>, vector<16xf32>,
        %add3A_1117 = arith.addf %add3A_1110, %get3A_1116 : vector<16xf32>
        %max3A_1118 = arith.constant 0.000000e+00 : f32
        %max3A_1119 = vector.broadcast %max3A_1118 : f32 to vector<16xf32>
        %max3A_1120 = arith.maximumf %add3A_1117, %max3A_1119 : vector<16xf32>
        %add3A_1121 = arith.constant 2 : i32
        %add3A_1122 = arith.addi %mul3A_556, %add3A_1121 : i32
        %swap3A_1123 = arith.index_cast %add3A_1122 : i32 to index
        %swap3A_1124 = arith.constant 32 : index
        %swap3A_1125 = tpu.vector_load %arg13[%swap3A_1123, %swap3A_1124] {strides = array<i32>} : memref<64x128xf32, #tpu.memory_space<vmem>>, vector<16xf32>,
        tpu.vector_store %arg13[%swap3A_1123, %swap3A_1124], %max3A_1120 {strides = array<i32>} : memref<64x128xf32, #tpu.memory_space<vmem>>, vector<16xf32>,
        %add3A_1126 = arith.addi %mul3A_542, %mul3A_556 : i32
        %add3A_1127 = arith.constant 2 : i32
        %add3A_1128 = arith.addi %add3A_1126, %add3A_1127 : i32
        %get3A_1129 = arith.index_cast %add3A_1128 : i32 to index
        %get3A_1130 = arith.constant 48 : index
        %get3A_1131 = tpu.vector_load %arg11[%get3A_1129, %get3A_1130] {strides = array<i32>} : memref<256x128xf32, #tpu.memory_space<vmem>>, vector<16xf32>,
        %add3A_1132 = arith.constant 64 : i32
        %add3A_1133 = arith.addi %mul3A_542, %add3A_1132 : i32
        %add3A_1134 = arith.addi %add3A_1133, %mul3A_556 : i32
        %add3A_1135 = arith.constant 2 : i32
        %add3A_1136 = arith.addi %add3A_1134, %add3A_1135 : i32
        %get3A_1137 = arith.index_cast %add3A_1136 : i32 to index
        %get3A_1138 = arith.constant 48 : index
        %get3A_1139 = tpu.vector_load %arg11[%get3A_1137, %get3A_1138] {strides = array<i32>} : memref<256x128xf32, #tpu.memory_space<vmem>>, vector<16xf32>,
        %add3A_1140 = arith.addf %get3A_1131, %get3A_1139 : vector<16xf32>
        %add3A_1141 = arith.addi %mul3A_544, %mul3A_556 : i32
        %add3A_1142 = arith.constant 2 : i32
        %add3A_1143 = arith.addi %add3A_1141, %add3A_1142 : i32
        %get3A_1144 = arith.index_cast %add3A_1143 : i32 to index
        %get3A_1145 = arith.constant 48 : index
        %get3A_1146 = tpu.vector_load %arg12[%get3A_1144, %get3A_1145] {strides = array<i32>} : memref<128x128xf32, #tpu.memory_space<vmem>>, vector<16xf32>,
        %add3A_1147 = arith.addf %add3A_1140, %get3A_1146 : vector<16xf32>
        %max3A_1148 = arith.constant 0.000000e+00 : f32
        %max3A_1149 = vector.broadcast %max3A_1148 : f32 to vector<16xf32>
        %max3A_1150 = arith.maximumf %add3A_1147, %max3A_1149 : vector<16xf32>
        %add3A_1151 = arith.constant 2 : i32
        %add3A_1152 = arith.addi %mul3A_556, %add3A_1151 : i32
        %swap3A_1153 = arith.index_cast %add3A_1152 : i32 to index
        %swap3A_1154 = arith.constant 48 : index
        %swap3A_1155 = tpu.vector_load %arg13[%swap3A_1153, %swap3A_1154] {strides = array<i32>} : memref<64x128xf32, #tpu.memory_space<vmem>>, vector<16xf32>,
        tpu.vector_store %arg13[%swap3A_1153, %swap3A_1154], %max3A_1150 {strides = array<i32>} : memref<64x128xf32, #tpu.memory_space<vmem>>, vector<16xf32>,
        %add3A_1156 = arith.addi %mul3A_542, %mul3A_556 : i32
        %add3A_1157 = arith.constant 2 : i32
        %add3A_1158 = arith.addi %add3A_1156, %add3A_1157 : i32
        %get3A_1159 = arith.index_cast %add3A_1158 : i32 to index
        %get3A_1160 = arith.constant 64 : index
        %get3A_1161 = tpu.vector_load %arg11[%get3A_1159, %get3A_1160] {strides = array<i32>} : memref<256x128xf32, #tpu.memory_space<vmem>>, vector<16xf32>,
        %add3A_1162 = arith.constant 64 : i32
        %add3A_1163 = arith.addi %mul3A_542, %add3A_1162 : i32
        %add3A_1164 = arith.addi %add3A_1163, %mul3A_556 : i32
        %add3A_1165 = arith.constant 2 : i32
        %add3A_1166 = arith.addi %add3A_1164, %add3A_1165 : i32
        %get3A_1167 = arith.index_cast %add3A_1166 : i32 to index
        %get3A_1168 = arith.constant 64 : index
        %get3A_1169 = tpu.vector_load %arg11[%get3A_1167, %get3A_1168] {strides = array<i32>} : memref<256x128xf32, #tpu.memory_space<vmem>>, vector<16xf32>,
        %add3A_1170 = arith.addf %get3A_1161, %get3A_1169 : vector<16xf32>
        %add3A_1171 = arith.addi %mul3A_544, %mul3A_556 : i32
        %add3A_1172 = arith.constant 2 : i32
        %add3A_1173 = arith.addi %add3A_1171, %add3A_1172 : i32
        %get3A_1174 = arith.index_cast %add3A_1173 : i32 to index
        %get3A_1175 = arith.constant 64 : index
        %get3A_1176 = tpu.vector_load %arg12[%get3A_1174, %get3A_1175] {strides = array<i32>} : memref<128x128xf32, #tpu.memory_space<vmem>>, vector<16xf32>,
        %add3A_1177 = arith.addf %add3A_1170, %get3A_1176 : vector<16xf32>
        %max3A_1178 = arith.constant 0.000000e+00 : f32
        %max3A_1179 = vector.broadcast %max3A_1178 : f32 to vector<16xf32>
        %max3A_1180 = arith.maximumf %add3A_1177, %max3A_1179 : vector<16xf32>
        %add3A_1181 = arith.constant 2 : i32
        %add3A_1182 = arith.addi %mul3A_556, %add3A_1181 : i32
        %swap3A_1183 = arith.index_cast %add3A_1182 : i32 to index
        %swap3A_1184 = arith.constant 64 : index
        %swap3A_1185 = tpu.vector_load %arg13[%swap3A_1183, %swap3A_1184] {strides = array<i32>} : memref<64x128xf32, #tpu.memory_space<vmem>>, vector<16xf32>,
        tpu.vector_store %arg13[%swap3A_1183, %swap3A_1184], %max3A_1180 {strides = array<i32>} : memref<64x128xf32, #tpu.memory_space<vmem>>, vector<16xf32>,
        %add3A_1186 = arith.addi %mul3A_542, %mul3A_556 : i32
        %add3A_1187 = arith.constant 2 : i32
        %add3A_1188 = arith.addi %add3A_1186, %add3A_1187 : i32
        %get3A_1189 = arith.index_cast %add3A_1188 : i32 to index
        %get3A_1190 = arith.constant 80 : index
        %get3A_1191 = tpu.vector_load %arg11[%get3A_1189, %get3A_1190] {strides = array<i32>} : memref<256x128xf32, #tpu.memory_space<vmem>>, vector<16xf32>,
        %add3A_1192 = arith.constant 64 : i32
        %add3A_1193 = arith.addi %mul3A_542, %add3A_1192 : i32
        %add3A_1194 = arith.addi %add3A_1193, %mul3A_556 : i32
        %add3A_1195 = arith.constant 2 : i32
        %add3A_1196 = arith.addi %add3A_1194, %add3A_1195 : i32
        %get3A_1197 = arith.index_cast %add3A_1196 : i32 to index
        %get3A_1198 = arith.constant 80 : index
        %get3A_1199 = tpu.vector_load %arg11[%get3A_1197, %get3A_1198] {strides = array<i32>} : memref<256x128xf32, #tpu.memory_space<vmem>>, vector<16xf32>,
        %add3A_1200 = arith.addf %get3A_1191, %get3A_1199 : vector<16xf32>
        %add3A_1201 = arith.addi %mul3A_544, %mul3A_556 : i32
        %add3A_1202 = arith.constant 2 : i32
        %add3A_1203 = arith.addi %add3A_1201, %add3A_1202 : i32
        %get3A_1204 = arith.index_cast %add3A_1203 : i32 to index
        %get3A_1205 = arith.constant 80 : index
        %get3A_1206 = tpu.vector_load %arg12[%get3A_1204, %get3A_1205] {strides = array<i32>} : memref<128x128xf32, #tpu.memory_space<vmem>>, vector<16xf32>,
        %add3A_1207 = arith.addf %add3A_1200, %get3A_1206 : vector<16xf32>
        %max3A_1208 = arith.constant 0.000000e+00 : f32
        %max3A_1209 = vector.broadcast %max3A_1208 : f32 to vector<16xf32>
        %max3A_1210 = arith.maximumf %add3A_1207, %max3A_1209 : vector<16xf32>
        %add3A_1211 = arith.constant 2 : i32
        %add3A_1212 = arith.addi %mul3A_556, %add3A_1211 : i32
        %swap3A_1213 = arith.index_cast %add3A_1212 : i32 to index
        %swap3A_1214 = arith.constant 80 : index
        %swap3A_1215 = tpu.vector_load %arg13[%swap3A_1213, %swap3A_1214] {strides = array<i32>} : memref<64x128xf32, #tpu.memory_space<vmem>>, vector<16xf32>,
        tpu.vector_store %arg13[%swap3A_1213, %swap3A_1214], %max3A_1210 {strides = array<i32>} : memref<64x128xf32, #tpu.memory_space<vmem>>, vector<16xf32>,
        %add3A_1216 = arith.addi %mul3A_542, %mul3A_556 : i32
        %add3A_1217 = arith.constant 2 : i32
        %add3A_1218 = arith.addi %add3A_1216, %add3A_1217 : i32
        %get3A_1219 = arith.index_cast %add3A_1218 : i32 to index
        %get3A_1220 = arith.constant 96 : index
        %get3A_1221 = tpu.vector_load %arg11[%get3A_1219, %get3A_1220] {strides = array<i32>} : memref<256x128xf32, #tpu.memory_space<vmem>>, vector<16xf32>,
        %add3A_1222 = arith.constant 64 : i32
        %add3A_1223 = arith.addi %mul3A_542, %add3A_1222 : i32
        %add3A_1224 = arith.addi %add3A_1223, %mul3A_556 : i32
        %add3A_1225 = arith.constant 2 : i32
        %add3A_1226 = arith.addi %add3A_1224, %add3A_1225 : i32
        %get3A_1227 = arith.index_cast %add3A_1226 : i32 to index
        %get3A_1228 = arith.constant 96 : index
        %get3A_1229 = tpu.vector_load %arg11[%get3A_1227, %get3A_1228] {strides = array<i32>} : memref<256x128xf32, #tpu.memory_space<vmem>>, vector<16xf32>,
        %add3A_1230 = arith.addf %get3A_1221, %get3A_1229 : vector<16xf32>
        %add3A_1231 = arith.addi %mul3A_544, %mul3A_556 : i32
        %add3A_1232 = arith.constant 2 : i32
        %add3A_1233 = arith.addi %add3A_1231, %add3A_1232 : i32
        %get3A_1234 = arith.index_cast %add3A_1233 : i32 to index
        %get3A_1235 = arith.constant 96 : index
        %get3A_1236 = tpu.vector_load %arg12[%get3A_1234, %get3A_1235] {strides = array<i32>} : memref<128x128xf32, #tpu.memory_space<vmem>>, vector<16xf32>,
        %add3A_1237 = arith.addf %add3A_1230, %get3A_1236 : vector<16xf32>
        %max3A_1238 = arith.constant 0.000000e+00 : f32
        %max3A_1239 = vector.broadcast %max3A_1238 : f32 to vector<16xf32>
        %max3A_1240 = arith.maximumf %add3A_1237, %max3A_1239 : vector<16xf32>
        %add3A_1241 = arith.constant 2 : i32
        %add3A_1242 = arith.addi %mul3A_556, %add3A_1241 : i32
        %swap3A_1243 = arith.index_cast %add3A_1242 : i32 to index
        %swap3A_1244 = arith.constant 96 : index
        %swap3A_1245 = tpu.vector_load %arg13[%swap3A_1243, %swap3A_1244] {strides = array<i32>} : memref<64x128xf32, #tpu.memory_space<vmem>>, vector<16xf32>,
        tpu.vector_store %arg13[%swap3A_1243, %swap3A_1244], %max3A_1240 {strides = array<i32>} : memref<64x128xf32, #tpu.memory_space<vmem>>, vector<16xf32>,
        %add3A_1246 = arith.addi %mul3A_542, %mul3A_556 : i32
        %add3A_1247 = arith.constant 2 : i32
        %add3A_1248 = arith.addi %add3A_1246, %add3A_1247 : i32
        %get3A_1249 = arith.index_cast %add3A_1248 : i32 to index
        %get3A_1250 = arith.constant 112 : index
        %get3A_1251 = tpu.vector_load %arg11[%get3A_1249, %get3A_1250] {strides = array<i32>} : memref<256x128xf32, #tpu.memory_space<vmem>>, vector<16xf32>,
        %add3A_1252 = arith.constant 64 : i32
        %add3A_1253 = arith.addi %mul3A_542, %add3A_1252 : i32
        %add3A_1254 = arith.addi %add3A_1253, %mul3A_556 : i32
        %add3A_1255 = arith.constant 2 : i32
        %add3A_1256 = arith.addi %add3A_1254, %add3A_1255 : i32
        %get3A_1257 = arith.index_cast %add3A_1256 : i32 to index
        %get3A_1258 = arith.constant 112 : index
        %get3A_1259 = tpu.vector_load %arg11[%get3A_1257, %get3A_1258] {strides = array<i32>} : memref<256x128xf32, #tpu.memory_space<vmem>>, vector<16xf32>,
        %add3A_1260 = arith.addf %get3A_1251, %get3A_1259 : vector<16xf32>
        %add3A_1261 = arith.addi %mul3A_544, %mul3A_556 : i32
        %add3A_1262 = arith.constant 2 : i32
        %add3A_1263 = arith.addi %add3A_1261, %add3A_1262 : i32
        %get3A_1264 = arith.index_cast %add3A_1263 : i32 to index
        %get3A_1265 = arith.constant 112 : index
        %get3A_1266 = tpu.vector_load %arg12[%get3A_1264, %get3A_1265] {strides = array<i32>} : memref<128x128xf32, #tpu.memory_space<vmem>>, vector<16xf32>,
        %add3A_1267 = arith.addf %add3A_1260, %get3A_1266 : vector<16xf32>
        %max3A_1268 = arith.constant 0.000000e+00 : f32
        %max3A_1269 = vector.broadcast %max3A_1268 : f32 to vector<16xf32>
        %max3A_1270 = arith.maximumf %add3A_1267, %max3A_1269 : vector<16xf32>
        %add3A_1271 = arith.constant 2 : i32
        %add3A_1272 = arith.addi %mul3A_556, %add3A_1271 : i32
        %swap3A_1273 = arith.index_cast %add3A_1272 : i32 to index
        %swap3A_1274 = arith.constant 112 : index
        %swap3A_1275 = tpu.vector_load %arg13[%swap3A_1273, %swap3A_1274] {strides = array<i32>} : memref<64x128xf32, #tpu.memory_space<vmem>>, vector<16xf32>,
        tpu.vector_store %arg13[%swap3A_1273, %swap3A_1274], %max3A_1270 {strides = array<i32>} : memref<64x128xf32, #tpu.memory_space<vmem>>, vector<16xf32>,
        %add3A_1276 = arith.addi %mul3A_542, %mul3A_556 : i32
        %add3A_1277 = arith.constant 3 : i32
        %add3A_1278 = arith.addi %add3A_1276, %add3A_1277 : i32
        %get3A_1279 = arith.index_cast %add3A_1278 : i32 to index
        %get3A_1280 = arith.constant 0 : index
        %get3A_1281 = tpu.vector_load %arg11[%get3A_1279, %get3A_1280] {strides = array<i32>} : memref<256x128xf32, #tpu.memory_space<vmem>>, vector<16xf32>,
        %add3A_1282 = arith.constant 64 : i32
        %add3A_1283 = arith.addi %mul3A_542, %add3A_1282 : i32
        %add3A_1284 = arith.addi %add3A_1283, %mul3A_556 : i32
        %add3A_1285 = arith.constant 3 : i32
        %add3A_1286 = arith.addi %add3A_1284, %add3A_1285 : i32
        %get3A_1287 = arith.index_cast %add3A_1286 : i32 to index
        %get3A_1288 = arith.constant 0 : index
        %get3A_1289 = tpu.vector_load %arg11[%get3A_1287, %get3A_1288] {strides = array<i32>} : memref<256x128xf32, #tpu.memory_space<vmem>>, vector<16xf32>,
        %add3A_1290 = arith.addf %get3A_1281, %get3A_1289 : vector<16xf32>
        %add3A_1291 = arith.addi %mul3A_544, %mul3A_556 : i32
        %add3A_1292 = arith.constant 3 : i32
        %add3A_1293 = arith.addi %add3A_1291, %add3A_1292 : i32
        %get3A_1294 = arith.index_cast %add3A_1293 : i32 to index
        %get3A_1295 = arith.constant 0 : index
        %get3A_1296 = tpu.vector_load %arg12[%get3A_1294, %get3A_1295] {strides = array<i32>} : memref<128x128xf32, #tpu.memory_space<vmem>>, vector<16xf32>,
        %add3A_1297 = arith.addf %add3A_1290, %get3A_1296 : vector<16xf32>
        %max3A_1298 = arith.constant 0.000000e+00 : f32
        %max3A_1299 = vector.broadcast %max3A_1298 : f32 to vector<16xf32>
        %max3A_1300 = arith.maximumf %add3A_1297, %max3A_1299 : vector<16xf32>
        %add3A_1301 = arith.constant 3 : i32
        %add3A_1302 = arith.addi %mul3A_556, %add3A_1301 : i32
        %swap3A_1303 = arith.index_cast %add3A_1302 : i32 to index
        %swap3A_1304 = arith.constant 0 : index
        %swap3A_1305 = tpu.vector_load %arg13[%swap3A_1303, %swap3A_1304] {strides = array<i32>} : memref<64x128xf32, #tpu.memory_space<vmem>>, vector<16xf32>,
        tpu.vector_store %arg13[%swap3A_1303, %swap3A_1304], %max3A_1300 {strides = array<i32>} : memref<64x128xf32, #tpu.memory_space<vmem>>, vector<16xf32>,
        %add3A_1306 = arith.addi %mul3A_542, %mul3A_556 : i32
        %add3A_1307 = arith.constant 3 : i32
        %add3A_1308 = arith.addi %add3A_1306, %add3A_1307 : i32
        %get3A_1309 = arith.index_cast %add3A_1308 : i32 to index
        %get3A_1310 = arith.constant 16 : index
        %get3A_1311 = tpu.vector_load %arg11[%get3A_1309, %get3A_1310] {strides = array<i32>} : memref<256x128xf32, #tpu.memory_space<vmem>>, vector<16xf32>,
        %add3A_1312 = arith.constant 64 : i32
        %add3A_1313 = arith.addi %mul3A_542, %add3A_1312 : i32
        %add3A_1314 = arith.addi %add3A_1313, %mul3A_556 : i32
        %add3A_1315 = arith.constant 3 : i32
        %add3A_1316 = arith.addi %add3A_1314, %add3A_1315 : i32
        %get3A_1317 = arith.index_cast %add3A_1316 : i32 to index
        %get3A_1318 = arith.constant 16 : index
        %get3A_1319 = tpu.vector_load %arg11[%get3A_1317, %get3A_1318] {strides = array<i32>} : memref<256x128xf32, #tpu.memory_space<vmem>>, vector<16xf32>,
        %add3A_1320 = arith.addf %get3A_1311, %get3A_1319 : vector<16xf32>
        %add3A_1321 = arith.addi %mul3A_544, %mul3A_556 : i32
        %add3A_1322 = arith.constant 3 : i32
        %add3A_1323 = arith.addi %add3A_1321, %add3A_1322 : i32
        %get3A_1324 = arith.index_cast %add3A_1323 : i32 to index
        %get3A_1325 = arith.constant 16 : index
        %get3A_1326 = tpu.vector_load %arg12[%get3A_1324, %get3A_1325] {strides = array<i32>} : memref<128x128xf32, #tpu.memory_space<vmem>>, vector<16xf32>,
        %add3A_1327 = arith.addf %add3A_1320, %get3A_1326 : vector<16xf32>
        %max3A_1328 = arith.constant 0.000000e+00 : f32
        %max3A_1329 = vector.broadcast %max3A_1328 : f32 to vector<16xf32>
        %max3A_1330 = arith.maximumf %add3A_1327, %max3A_1329 : vector<16xf32>
        %add3A_1331 = arith.constant 3 : i32
        %add3A_1332 = arith.addi %mul3A_556, %add3A_1331 : i32
        %swap3A_1333 = arith.index_cast %add3A_1332 : i32 to index
        %swap3A_1334 = arith.constant 16 : index
        %swap3A_1335 = tpu.vector_load %arg13[%swap3A_1333, %swap3A_1334] {strides = array<i32>} : memref<64x128xf32, #tpu.memory_space<vmem>>, vector<16xf32>,
        tpu.vector_store %arg13[%swap3A_1333, %swap3A_1334], %max3A_1330 {strides = array<i32>} : memref<64x128xf32, #tpu.memory_space<vmem>>, vector<16xf32>,
        %add3A_1336 = arith.addi %mul3A_542, %mul3A_556 : i32
        %add3A_1337 = arith.constant 3 : i32
        %add3A_1338 = arith.addi %add3A_1336, %add3A_1337 : i32
        %get3A_1339 = arith.index_cast %add3A_1338 : i32 to index
        %get3A_1340 = arith.constant 32 : index
        %get3A_1341 = tpu.vector_load %arg11[%get3A_1339, %get3A_1340] {strides = array<i32>} : memref<256x128xf32, #tpu.memory_space<vmem>>, vector<16xf32>,
        %add3A_1342 = arith.constant 64 : i32
        %add3A_1343 = arith.addi %mul3A_542, %add3A_1342 : i32
        %add3A_1344 = arith.addi %add3A_1343, %mul3A_556 : i32
        %add3A_1345 = arith.constant 3 : i32
        %add3A_1346 = arith.addi %add3A_1344, %add3A_1345 : i32
        %get3A_1347 = arith.index_cast %add3A_1346 : i32 to index
        %get3A_1348 = arith.constant 32 : index
        %get3A_1349 = tpu.vector_load %arg11[%get3A_1347, %get3A_1348] {strides = array<i32>} : memref<256x128xf32, #tpu.memory_space<vmem>>, vector<16xf32>,
        %add3A_1350 = arith.addf %get3A_1341, %get3A_1349 : vector<16xf32>
        %add3A_1351 = arith.addi %mul3A_544, %mul3A_556 : i32
        %add3A_1352 = arith.constant 3 : i32
        %add3A_1353 = arith.addi %add3A_1351, %add3A_1352 : i32
        %get3A_1354 = arith.index_cast %add3A_1353 : i32 to index
        %get3A_1355 = arith.constant 32 : index
        %get3A_1356 = tpu.vector_load %arg12[%get3A_1354, %get3A_1355] {strides = array<i32>} : memref<128x128xf32, #tpu.memory_space<vmem>>, vector<16xf32>,
        %add3A_1357 = arith.addf %add3A_1350, %get3A_1356 : vector<16xf32>
        %max3A_1358 = arith.constant 0.000000e+00 : f32
        %max3A_1359 = vector.broadcast %max3A_1358 : f32 to vector<16xf32>
        %max3A_1360 = arith.maximumf %add3A_1357, %max3A_1359 : vector<16xf32>
        %add3A_1361 = arith.constant 3 : i32
        %add3A_1362 = arith.addi %mul3A_556, %add3A_1361 : i32
        %swap3A_1363 = arith.index_cast %add3A_1362 : i32 to index
        %swap3A_1364 = arith.constant 32 : index
        %swap3A_1365 = tpu.vector_load %arg13[%swap3A_1363, %swap3A_1364] {strides = array<i32>} : memref<64x128xf32, #tpu.memory_space<vmem>>, vector<16xf32>,
        tpu.vector_store %arg13[%swap3A_1363, %swap3A_1364], %max3A_1360 {strides = array<i32>} : memref<64x128xf32, #tpu.memory_space<vmem>>, vector<16xf32>,
        %add3A_1366 = arith.addi %mul3A_542, %mul3A_556 : i32
        %add3A_1367 = arith.constant 3 : i32
        %add3A_1368 = arith.addi %add3A_1366, %add3A_1367 : i32
        %get3A_1369 = arith.index_cast %add3A_1368 : i32 to index
        %get3A_1370 = arith.constant 48 : index
        %get3A_1371 = tpu.vector_load %arg11[%get3A_1369, %get3A_1370] {strides = array<i32>} : memref<256x128xf32, #tpu.memory_space<vmem>>, vector<16xf32>,
        %add3A_1372 = arith.constant 64 : i32
        %add3A_1373 = arith.addi %mul3A_542, %add3A_1372 : i32
        %add3A_1374 = arith.addi %add3A_1373, %mul3A_556 : i32
        %add3A_1375 = arith.constant 3 : i32
        %add3A_1376 = arith.addi %add3A_1374, %add3A_1375 : i32
        %get3A_1377 = arith.index_cast %add3A_1376 : i32 to index
        %get3A_1378 = arith.constant 48 : index
        %get3A_1379 = tpu.vector_load %arg11[%get3A_1377, %get3A_1378] {strides = array<i32>} : memref<256x128xf32, #tpu.memory_space<vmem>>, vector<16xf32>,
        %add3A_1380 = arith.addf %get3A_1371, %get3A_1379 : vector<16xf32>
        %add3A_1381 = arith.addi %mul3A_544, %mul3A_556 : i32
        %add3A_1382 = arith.constant 3 : i32
        %add3A_1383 = arith.addi %add3A_1381, %add3A_1382 : i32
        %get3A_1384 = arith.index_cast %add3A_1383 : i32 to index
        %get3A_1385 = arith.constant 48 : index
        %get3A_1386 = tpu.vector_load %arg12[%get3A_1384, %get3A_1385] {strides = array<i32>} : memref<128x128xf32, #tpu.memory_space<vmem>>, vector<16xf32>,
        %add3A_1387 = arith.addf %add3A_1380, %get3A_1386 : vector<16xf32>
        %max3A_1388 = arith.constant 0.000000e+00 : f32
        %max3A_1389 = vector.broadcast %max3A_1388 : f32 to vector<16xf32>
        %max3A_1390 = arith.maximumf %add3A_1387, %max3A_1389 : vector<16xf32>
        %add3A_1391 = arith.constant 3 : i32
        %add3A_1392 = arith.addi %mul3A_556, %add3A_1391 : i32
        %swap3A_1393 = arith.index_cast %add3A_1392 : i32 to index
        %swap3A_1394 = arith.constant 48 : index
        %swap3A_1395 = tpu.vector_load %arg13[%swap3A_1393, %swap3A_1394] {strides = array<i32>} : memref<64x128xf32, #tpu.memory_space<vmem>>, vector<16xf32>,
        tpu.vector_store %arg13[%swap3A_1393, %swap3A_1394], %max3A_1390 {strides = array<i32>} : memref<64x128xf32, #tpu.memory_space<vmem>>, vector<16xf32>,
        %add3A_1396 = arith.addi %mul3A_542, %mul3A_556 : i32
        %add3A_1397 = arith.constant 3 : i32
        %add3A_1398 = arith.addi %add3A_1396, %add3A_1397 : i32
        %get3A_1399 = arith.index_cast %add3A_1398 : i32 to index
        %get3A_1400 = arith.constant 64 : index
        %get3A_1401 = tpu.vector_load %arg11[%get3A_1399, %get3A_1400] {strides = array<i32>} : memref<256x128xf32, #tpu.memory_space<vmem>>, vector<16xf32>,
        %add3A_1402 = arith.constant 64 : i32
        %add3A_1403 = arith.addi %mul3A_542, %add3A_1402 : i32
        %add3A_1404 = arith.addi %add3A_1403, %mul3A_556 : i32
        %add3A_1405 = arith.constant 3 : i32
        %add3A_1406 = arith.addi %add3A_1404, %add3A_1405 : i32
        %get3A_1407 = arith.index_cast %add3A_1406 : i32 to index
        %get3A_1408 = arith.constant 64 : index
        %get3A_1409 = tpu.vector_load %arg11[%get3A_1407, %get3A_1408] {strides = array<i32>} : memref<256x128xf32, #tpu.memory_space<vmem>>, vector<16xf32>,
        %add3A_1410 = arith.addf %get3A_1401, %get3A_1409 : vector<16xf32>
        %add3A_1411 = arith.addi %mul3A_544, %mul3A_556 : i32
        %add3A_1412 = arith.constant 3 : i32
        %add3A_1413 = arith.addi %add3A_1411, %add3A_1412 : i32
        %get3A_1414 = arith.index_cast %add3A_1413 : i32 to index
        %get3A_1415 = arith.constant 64 : index
        %get3A_1416 = tpu.vector_load %arg12[%get3A_1414, %get3A_1415] {strides = array<i32>} : memref<128x128xf32, #tpu.memory_space<vmem>>, vector<16xf32>,
        %add3A_1417 = arith.addf %add3A_1410, %get3A_1416 : vector<16xf32>
        %max3A_1418 = arith.constant 0.000000e+00 : f32
        %max3A_1419 = vector.broadcast %max3A_1418 : f32 to vector<16xf32>
        %max3A_1420 = arith.maximumf %add3A_1417, %max3A_1419 : vector<16xf32>
        %add3A_1421 = arith.constant 3 : i32
        %add3A_1422 = arith.addi %mul3A_556, %add3A_1421 : i32
        %swap3A_1423 = arith.index_cast %add3A_1422 : i32 to index
        %swap3A_1424 = arith.constant 64 : index
        %swap3A_1425 = tpu.vector_load %arg13[%swap3A_1423, %swap3A_1424] {strides = array<i32>} : memref<64x128xf32, #tpu.memory_space<vmem>>, vector<16xf32>,
        tpu.vector_store %arg13[%swap3A_1423, %swap3A_1424], %max3A_1420 {strides = array<i32>} : memref<64x128xf32, #tpu.memory_space<vmem>>, vector<16xf32>,
        %add3A_1426 = arith.addi %mul3A_542, %mul3A_556 : i32
        %add3A_1427 = arith.constant 3 : i32
        %add3A_1428 = arith.addi %add3A_1426, %add3A_1427 : i32
        %get3A_1429 = arith.index_cast %add3A_1428 : i32 to index
        %get3A_1430 = arith.constant 80 : index
        %get3A_1431 = tpu.vector_load %arg11[%get3A_1429, %get3A_1430] {strides = array<i32>} : memref<256x128xf32, #tpu.memory_space<vmem>>, vector<16xf32>,
        %add3A_1432 = arith.constant 64 : i32
        %add3A_1433 = arith.addi %mul3A_542, %add3A_1432 : i32
        %add3A_1434 = arith.addi %add3A_1433, %mul3A_556 : i32
        %add3A_1435 = arith.constant 3 : i32
        %add3A_1436 = arith.addi %add3A_1434, %add3A_1435 : i32
        %get3A_1437 = arith.index_cast %add3A_1436 : i32 to index
        %get3A_1438 = arith.constant 80 : index
        %get3A_1439 = tpu.vector_load %arg11[%get3A_1437, %get3A_1438] {strides = array<i32>} : memref<256x128xf32, #tpu.memory_space<vmem>>, vector<16xf32>,
        %add3A_1440 = arith.addf %get3A_1431, %get3A_1439 : vector<16xf32>
        %add3A_1441 = arith.addi %mul3A_544, %mul3A_556 : i32
        %add3A_1442 = arith.constant 3 : i32
        %add3A_1443 = arith.addi %add3A_1441, %add3A_1442 : i32
        %get3A_1444 = arith.index_cast %add3A_1443 : i32 to index
        %get3A_1445 = arith.constant 80 : index
        %get3A_1446 = tpu.vector_load %arg12[%get3A_1444, %get3A_1445] {strides = array<i32>} : memref<128x128xf32, #tpu.memory_space<vmem>>, vector<16xf32>,
        %add3A_1447 = arith.addf %add3A_1440, %get3A_1446 : vector<16xf32>
        %max3A_1448 = arith.constant 0.000000e+00 : f32
        %max3A_1449 = vector.broadcast %max3A_1448 : f32 to vector<16xf32>
        %max3A_1450 = arith.maximumf %add3A_1447, %max3A_1449 : vector<16xf32>
        %add3A_1451 = arith.constant 3 : i32
        %add3A_1452 = arith.addi %mul3A_556, %add3A_1451 : i32
        %swap3A_1453 = arith.index_cast %add3A_1452 : i32 to index
        %swap3A_1454 = arith.constant 80 : index
        %swap3A_1455 = tpu.vector_load %arg13[%swap3A_1453, %swap3A_1454] {strides = array<i32>} : memref<64x128xf32, #tpu.memory_space<vmem>>, vector<16xf32>,
        tpu.vector_store %arg13[%swap3A_1453, %swap3A_1454], %max3A_1450 {strides = array<i32>} : memref<64x128xf32, #tpu.memory_space<vmem>>, vector<16xf32>,
        %add3A_1456 = arith.addi %mul3A_542, %mul3A_556 : i32
        %add3A_1457 = arith.constant 3 : i32
        %add3A_1458 = arith.addi %add3A_1456, %add3A_1457 : i32
        %get3A_1459 = arith.index_cast %add3A_1458 : i32 to index
        %get3A_1460 = arith.constant 96 : index
        %get3A_1461 = tpu.vector_load %arg11[%get3A_1459, %get3A_1460] {strides = array<i32>} : memref<256x128xf32, #tpu.memory_space<vmem>>, vector<16xf32>,
        %add3A_1462 = arith.constant 64 : i32
        %add3A_1463 = arith.addi %mul3A_542, %add3A_1462 : i32
        %add3A_1464 = arith.addi %add3A_1463, %mul3A_556 : i32
        %add3A_1465 = arith.constant 3 : i32
        %add3A_1466 = arith.addi %add3A_1464, %add3A_1465 : i32
        %get3A_1467 = arith.index_cast %add3A_1466 : i32 to index
        %get3A_1468 = arith.constant 96 : index
        %get3A_1469 = tpu.vector_load %arg11[%get3A_1467, %get3A_1468] {strides = array<i32>} : memref<256x128xf32, #tpu.memory_space<vmem>>, vector<16xf32>,
        %add3A_1470 = arith.addf %get3A_1461, %get3A_1469 : vector<16xf32>
        %add3A_1471 = arith.addi %mul3A_544, %mul3A_556 : i32
        %add3A_1472 = arith.constant 3 : i32
        %add3A_1473 = arith.addi %add3A_1471, %add3A_1472 : i32
        %get3A_1474 = arith.index_cast %add3A_1473 : i32 to index
        %get3A_1475 = arith.constant 96 : index
        %get3A_1476 = tpu.vector_load %arg12[%get3A_1474, %get3A_1475] {strides = array<i32>} : memref<128x128xf32, #tpu.memory_space<vmem>>, vector<16xf32>,
        %add3A_1477 = arith.addf %add3A_1470, %get3A_1476 : vector<16xf32>
        %max3A_1478 = arith.constant 0.000000e+00 : f32
        %max3A_1479 = vector.broadcast %max3A_1478 : f32 to vector<16xf32>
        %max3A_1480 = arith.maximumf %add3A_1477, %max3A_1479 : vector<16xf32>
        %add3A_1481 = arith.constant 3 : i32
        %add3A_1482 = arith.addi %mul3A_556, %add3A_1481 : i32
        %swap3A_1483 = arith.index_cast %add3A_1482 : i32 to index
        %swap3A_1484 = arith.constant 96 : index
        %swap3A_1485 = tpu.vector_load %arg13[%swap3A_1483, %swap3A_1484] {strides = array<i32>} : memref<64x128xf32, #tpu.memory_space<vmem>>, vector<16xf32>,
        tpu.vector_store %arg13[%swap3A_1483, %swap3A_1484], %max3A_1480 {strides = array<i32>} : memref<64x128xf32, #tpu.memory_space<vmem>>, vector<16xf32>,
        %add3A_1486 = arith.addi %mul3A_542, %mul3A_556 : i32
        %add3A_1487 = arith.constant 3 : i32
        %add3A_1488 = arith.addi %add3A_1486, %add3A_1487 : i32
        %get3A_1489 = arith.index_cast %add3A_1488 : i32 to index
        %get3A_1490 = arith.constant 112 : index
        %get3A_1491 = tpu.vector_load %arg11[%get3A_1489, %get3A_1490] {strides = array<i32>} : memref<256x128xf32, #tpu.memory_space<vmem>>, vector<16xf32>,
        %add3A_1492 = arith.constant 64 : i32
        %add3A_1493 = arith.addi %mul3A_542, %add3A_1492 : i32
        %add3A_1494 = arith.addi %add3A_1493, %mul3A_556 : i32
        %add3A_1495 = arith.constant 3 : i32
        %add3A_1496 = arith.addi %add3A_1494, %add3A_1495 : i32
        %get3A_1497 = arith.index_cast %add3A_1496 : i32 to index
        %get3A_1498 = arith.constant 112 : index
        %get3A_1499 = tpu.vector_load %arg11[%get3A_1497, %get3A_1498] {strides = array<i32>} : memref<256x128xf32, #tpu.memory_space<vmem>>, vector<16xf32>,
        %add3A_1500 = arith.addf %get3A_1491, %get3A_1499 : vector<16xf32>
        %add3A_1501 = arith.addi %mul3A_544, %mul3A_556 : i32
        %add3A_1502 = arith.constant 3 : i32
        %add3A_1503 = arith.addi %add3A_1501, %add3A_1502 : i32
        %get3A_1504 = arith.index_cast %add3A_1503 : i32 to index
        %get3A_1505 = arith.constant 112 : index
        %get3A_1506 = tpu.vector_load %arg12[%get3A_1504, %get3A_1505] {strides = array<i32>} : memref<128x128xf32, #tpu.memory_space<vmem>>, vector<16xf32>,
        %add3A_1507 = arith.addf %add3A_1500, %get3A_1506 : vector<16xf32>
        %max3A_1508 = arith.constant 0.000000e+00 : f32
        %max3A_1509 = vector.broadcast %max3A_1508 : f32 to vector<16xf32>
        %max3A_1510 = arith.maximumf %add3A_1507, %max3A_1509 : vector<16xf32>
        %add3A_1511 = arith.constant 3 : i32
        %add3A_1512 = arith.addi %mul3A_556, %add3A_1511 : i32
        %swap3A_1513 = arith.index_cast %add3A_1512 : i32 to index
        %swap3A_1514 = arith.constant 112 : index
        %swap3A_1515 = tpu.vector_load %arg13[%swap3A_1513, %swap3A_1514] {strides = array<i32>} : memref<64x128xf32, #tpu.memory_space<vmem>>, vector<16xf32>,
        tpu.vector_store %arg13[%swap3A_1513, %swap3A_1514], %max3A_1510 {strides = array<i32>} : memref<64x128xf32, #tpu.memory_space<vmem>>, vector<16xf32>,
        %add3A_1516 = arith.addi %mul3A_542, %mul3A_556 : i32
        %add3A_1517 = arith.constant 4 : i32
        %add3A_1518 = arith.addi %add3A_1516, %add3A_1517 : i32
        %get3A_1519 = arith.index_cast %add3A_1518 : i32 to index
        %get3A_1520 = arith.constant 0 : index
        %get3A_1521 = tpu.vector_load %arg11[%get3A_1519, %get3A_1520] {strides = array<i32>} : memref<256x128xf32, #tpu.memory_space<vmem>>, vector<16xf32>,
        %add3A_1522 = arith.constant 64 : i32
        %add3A_1523 = arith.addi %mul3A_542, %add3A_1522 : i32
        %add3A_1524 = arith.addi %add3A_1523, %mul3A_556 : i32
        %add3A_1525 = arith.constant 4 : i32
        %add3A_1526 = arith.addi %add3A_1524, %add3A_1525 : i32
        %get3A_1527 = arith.index_cast %add3A_1526 : i32 to index
        %get3A_1528 = arith.constant 0 : index
        %get3A_1529 = tpu.vector_load %arg11[%get3A_1527, %get3A_1528] {strides = array<i32>} : memref<256x128xf32, #tpu.memory_space<vmem>>, vector<16xf32>,
        %add3A_1530 = arith.addf %get3A_1521, %get3A_1529 : vector<16xf32>
        %add3A_1531 = arith.addi %mul3A_544, %mul3A_556 : i32
        %add3A_1532 = arith.constant 4 : i32
        %add3A_1533 = arith.addi %add3A_1531, %add3A_1532 : i32
        %get3A_1534 = arith.index_cast %add3A_1533 : i32 to index
        %get3A_1535 = arith.constant 0 : index
        %get3A_1536 = tpu.vector_load %arg12[%get3A_1534, %get3A_1535] {strides = array<i32>} : memref<128x128xf32, #tpu.memory_space<vmem>>, vector<16xf32>,
        %add3A_1537 = arith.addf %add3A_1530, %get3A_1536 : vector<16xf32>
        %max3A_1538 = arith.constant 0.000000e+00 : f32
        %max3A_1539 = vector.broadcast %max3A_1538 : f32 to vector<16xf32>
        %max3A_1540 = arith.maximumf %add3A_1537, %max3A_1539 : vector<16xf32>
        %add3A_1541 = arith.constant 4 : i32
        %add3A_1542 = arith.addi %mul3A_556, %add3A_1541 : i32
        %swap3A_1543 = arith.index_cast %add3A_1542 : i32 to index
        %swap3A_1544 = arith.constant 0 : index
        %swap3A_1545 = tpu.vector_load %arg13[%swap3A_1543, %swap3A_1544] {strides = array<i32>} : memref<64x128xf32, #tpu.memory_space<vmem>>, vector<16xf32>,
        tpu.vector_store %arg13[%swap3A_1543, %swap3A_1544], %max3A_1540 {strides = array<i32>} : memref<64x128xf32, #tpu.memory_space<vmem>>, vector<16xf32>,
        %add3A_1546 = arith.addi %mul3A_542, %mul3A_556 : i32
        %add3A_1547 = arith.constant 4 : i32
        %add3A_1548 = arith.addi %add3A_1546, %add3A_1547 : i32
        %get3A_1549 = arith.index_cast %add3A_1548 : i32 to index
        %get3A_1550 = arith.constant 16 : index
        %get3A_1551 = tpu.vector_load %arg11[%get3A_1549, %get3A_1550] {strides = array<i32>} : memref<256x128xf32, #tpu.memory_space<vmem>>, vector<16xf32>,
        %add3A_1552 = arith.constant 64 : i32
        %add3A_1553 = arith.addi %mul3A_542, %add3A_1552 : i32
        %add3A_1554 = arith.addi %add3A_1553, %mul3A_556 : i32
        %add3A_1555 = arith.constant 4 : i32
        %add3A_1556 = arith.addi %add3A_1554, %add3A_1555 : i32
        %get3A_1557 = arith.index_cast %add3A_1556 : i32 to index
        %get3A_1558 = arith.constant 16 : index
        %get3A_1559 = tpu.vector_load %arg11[%get3A_1557, %get3A_1558] {strides = array<i32>} : memref<256x128xf32, #tpu.memory_space<vmem>>, vector<16xf32>,
        %add3A_1560 = arith.addf %get3A_1551, %get3A_1559 : vector<16xf32>
        %add3A_1561 = arith.addi %mul3A_544, %mul3A_556 : i32
        %add3A_1562 = arith.constant 4 : i32
        %add3A_1563 = arith.addi %add3A_1561, %add3A_1562 : i32
        %get3A_1564 = arith.index_cast %add3A_1563 : i32 to index
        %get3A_1565 = arith.constant 16 : index
        %get3A_1566 = tpu.vector_load %arg12[%get3A_1564, %get3A_1565] {strides = array<i32>} : memref<128x128xf32, #tpu.memory_space<vmem>>, vector<16xf32>,
        %add3A_1567 = arith.addf %add3A_1560, %get3A_1566 : vector<16xf32>
        %max3A_1568 = arith.constant 0.000000e+00 : f32
        %max3A_1569 = vector.broadcast %max3A_1568 : f32 to vector<16xf32>
        %max3A_1570 = arith.maximumf %add3A_1567, %max3A_1569 : vector<16xf32>
        %add3A_1571 = arith.constant 4 : i32
        %add3A_1572 = arith.addi %mul3A_556, %add3A_1571 : i32
        %swap3A_1573 = arith.index_cast %add3A_1572 : i32 to index
        %swap3A_1574 = arith.constant 16 : index
        %swap3A_1575 = tpu.vector_load %arg13[%swap3A_1573, %swap3A_1574] {strides = array<i32>} : memref<64x128xf32, #tpu.memory_space<vmem>>, vector<16xf32>,
        tpu.vector_store %arg13[%swap3A_1573, %swap3A_1574], %max3A_1570 {strides = array<i32>} : memref<64x128xf32, #tpu.memory_space<vmem>>, vector<16xf32>,
        %add3A_1576 = arith.addi %mul3A_542, %mul3A_556 : i32
        %add3A_1577 = arith.constant 4 : i32
        %add3A_1578 = arith.addi %add3A_1576, %add3A_1577 : i32
        %get3A_1579 = arith.index_cast %add3A_1578 : i32 to index
        %get3A_1580 = arith.constant 32 : index
        %get3A_1581 = tpu.vector_load %arg11[%get3A_1579, %get3A_1580] {strides = array<i32>} : memref<256x128xf32, #tpu.memory_space<vmem>>, vector<16xf32>,
        %add3A_1582 = arith.constant 64 : i32
        %add3A_1583 = arith.addi %mul3A_542, %add3A_1582 : i32
        %add3A_1584 = arith.addi %add3A_1583, %mul3A_556 : i32
        %add3A_1585 = arith.constant 4 : i32
        %add3A_1586 = arith.addi %add3A_1584, %add3A_1585 : i32
        %get3A_1587 = arith.index_cast %add3A_1586 : i32 to index
        %get3A_1588 = arith.constant 32 : index
        %get3A_1589 = tpu.vector_load %arg11[%get3A_1587, %get3A_1588] {strides = array<i32>} : memref<256x128xf32, #tpu.memory_space<vmem>>, vector<16xf32>,
        %add3A_1590 = arith.addf %get3A_1581, %get3A_1589 : vector<16xf32>
        %add3A_1591 = arith.addi %mul3A_544, %mul3A_556 : i32
        %add3A_1592 = arith.constant 4 : i32
        %add3A_1593 = arith.addi %add3A_1591, %add3A_1592 : i32
        %get3A_1594 = arith.index_cast %add3A_1593 : i32 to index
        %get3A_1595 = arith.constant 32 : index
        %get3A_1596 = tpu.vector_load %arg12[%get3A_1594, %get3A_1595] {strides = array<i32>} : memref<128x128xf32, #tpu.memory_space<vmem>>, vector<16xf32>,
        %add3A_1597 = arith.addf %add3A_1590, %get3A_1596 : vector<16xf32>
        %max3A_1598 = arith.constant 0.000000e+00 : f32
        %max3A_1599 = vector.broadcast %max3A_1598 : f32 to vector<16xf32>
        %max3A_1600 = arith.maximumf %add3A_1597, %max3A_1599 : vector<16xf32>
        %add3A_1601 = arith.constant 4 : i32
        %add3A_1602 = arith.addi %mul3A_556, %add3A_1601 : i32
        %swap3A_1603 = arith.index_cast %add3A_1602 : i32 to index
        %swap3A_1604 = arith.constant 32 : index
        %swap3A_1605 = tpu.vector_load %arg13[%swap3A_1603, %swap3A_1604] {strides = array<i32>} : memref<64x128xf32, #tpu.memory_space<vmem>>, vector<16xf32>,
        tpu.vector_store %arg13[%swap3A_1603, %swap3A_1604], %max3A_1600 {strides = array<i32>} : memref<64x128xf32, #tpu.memory_space<vmem>>, vector<16xf32>,
        %add3A_1606 = arith.addi %mul3A_542, %mul3A_556 : i32
        %add3A_1607 = arith.constant 4 : i32
        %add3A_1608 = arith.addi %add3A_1606, %add3A_1607 : i32
        %get3A_1609 = arith.index_cast %add3A_1608 : i32 to index
        %get3A_1610 = arith.constant 48 : index
        %get3A_1611 = tpu.vector_load %arg11[%get3A_1609, %get3A_1610] {strides = array<i32>} : memref<256x128xf32, #tpu.memory_space<vmem>>, vector<16xf32>,
        %add3A_1612 = arith.constant 64 : i32
        %add3A_1613 = arith.addi %mul3A_542, %add3A_1612 : i32
        %add3A_1614 = arith.addi %add3A_1613, %mul3A_556 : i32
        %add3A_1615 = arith.constant 4 : i32
        %add3A_1616 = arith.addi %add3A_1614, %add3A_1615 : i32
        %get3A_1617 = arith.index_cast %add3A_1616 : i32 to index
        %get3A_1618 = arith.constant 48 : index
        %get3A_1619 = tpu.vector_load %arg11[%get3A_1617, %get3A_1618] {strides = array<i32>} : memref<256x128xf32, #tpu.memory_space<vmem>>, vector<16xf32>,
        %add3A_1620 = arith.addf %get3A_1611, %get3A_1619 : vector<16xf32>
        %add3A_1621 = arith.addi %mul3A_544, %mul3A_556 : i32
        %add3A_1622 = arith.constant 4 : i32
        %add3A_1623 = arith.addi %add3A_1621, %add3A_1622 : i32
        %get3A_1624 = arith.index_cast %add3A_1623 : i32 to index
        %get3A_1625 = arith.constant 48 : index
        %get3A_1626 = tpu.vector_load %arg12[%get3A_1624, %get3A_1625] {strides = array<i32>} : memref<128x128xf32, #tpu.memory_space<vmem>>, vector<16xf32>,
        %add3A_1627 = arith.addf %add3A_1620, %get3A_1626 : vector<16xf32>
        %max3A_1628 = arith.constant 0.000000e+00 : f32
        %max3A_1629 = vector.broadcast %max3A_1628 : f32 to vector<16xf32>
        %max3A_1630 = arith.maximumf %add3A_1627, %max3A_1629 : vector<16xf32>
        %add3A_1631 = arith.constant 4 : i32
        %add3A_1632 = arith.addi %mul3A_556, %add3A_1631 : i32
        %swap3A_1633 = arith.index_cast %add3A_1632 : i32 to index
        %swap3A_1634 = arith.constant 48 : index
        %swap3A_1635 = tpu.vector_load %arg13[%swap3A_1633, %swap3A_1634] {strides = array<i32>} : memref<64x128xf32, #tpu.memory_space<vmem>>, vector<16xf32>,
        tpu.vector_store %arg13[%swap3A_1633, %swap3A_1634], %max3A_1630 {strides = array<i32>} : memref<64x128xf32, #tpu.memory_space<vmem>>, vector<16xf32>,
        %add3A_1636 = arith.addi %mul3A_542, %mul3A_556 : i32
        %add3A_1637 = arith.constant 4 : i32
        %add3A_1638 = arith.addi %add3A_1636, %add3A_1637 : i32
        %get3A_1639 = arith.index_cast %add3A_1638 : i32 to index
        %get3A_1640 = arith.constant 64 : index
        %get3A_1641 = tpu.vector_load %arg11[%get3A_1639, %get3A_1640] {strides = array<i32>} : memref<256x128xf32, #tpu.memory_space<vmem>>, vector<16xf32>,
        %add3A_1642 = arith.constant 64 : i32
        %add3A_1643 = arith.addi %mul3A_542, %add3A_1642 : i32
        %add3A_1644 = arith.addi %add3A_1643, %mul3A_556 : i32
        %add3A_1645 = arith.constant 4 : i32
        %add3A_1646 = arith.addi %add3A_1644, %add3A_1645 : i32
        %get3A_1647 = arith.index_cast %add3A_1646 : i32 to index
        %get3A_1648 = arith.constant 64 : index
        %get3A_1649 = tpu.vector_load %arg11[%get3A_1647, %get3A_1648] {strides = array<i32>} : memref<256x128xf32, #tpu.memory_space<vmem>>, vector<16xf32>,
        %add3A_1650 = arith.addf %get3A_1641, %get3A_1649 : vector<16xf32>
        %add3A_1651 = arith.addi %mul3A_544, %mul3A_556 : i32
        %add3A_1652 = arith.constant 4 : i32
        %add3A_1653 = arith.addi %add3A_1651, %add3A_1652 : i32
        %get3A_1654 = arith.index_cast %add3A_1653 : i32 to index
        %get3A_1655 = arith.constant 64 : index
        %get3A_1656 = tpu.vector_load %arg12[%get3A_1654, %get3A_1655] {strides = array<i32>} : memref<128x128xf32, #tpu.memory_space<vmem>>, vector<16xf32>,
        %add3A_1657 = arith.addf %add3A_1650, %get3A_1656 : vector<16xf32>
        %max3A_1658 = arith.constant 0.000000e+00 : f32
        %max3A_1659 = vector.broadcast %max3A_1658 : f32 to vector<16xf32>
        %max3A_1660 = arith.maximumf %add3A_1657, %max3A_1659 : vector<16xf32>
        %add3A_1661 = arith.constant 4 : i32
        %add3A_1662 = arith.addi %mul3A_556, %add3A_1661 : i32
        %swap3A_1663 = arith.index_cast %add3A_1662 : i32 to index
        %swap3A_1664 = arith.constant 64 : index
        %swap3A_1665 = tpu.vector_load %arg13[%swap3A_1663, %swap3A_1664] {strides = array<i32>} : memref<64x128xf32, #tpu.memory_space<vmem>>, vector<16xf32>,
        tpu.vector_store %arg13[%swap3A_1663, %swap3A_1664], %max3A_1660 {strides = array<i32>} : memref<64x128xf32, #tpu.memory_space<vmem>>, vector<16xf32>,
        %add3A_1666 = arith.addi %mul3A_542, %mul3A_556 : i32
        %add3A_1667 = arith.constant 4 : i32
        %add3A_1668 = arith.addi %add3A_1666, %add3A_1667 : i32
        %get3A_1669 = arith.index_cast %add3A_1668 : i32 to index
        %get3A_1670 = arith.constant 80 : index
        %get3A_1671 = tpu.vector_load %arg11[%get3A_1669, %get3A_1670] {strides = array<i32>} : memref<256x128xf32, #tpu.memory_space<vmem>>, vector<16xf32>,
        %add3A_1672 = arith.constant 64 : i32
        %add3A_1673 = arith.addi %mul3A_542, %add3A_1672 : i32
        %add3A_1674 = arith.addi %add3A_1673, %mul3A_556 : i32
        %add3A_1675 = arith.constant 4 : i32
        %add3A_1676 = arith.addi %add3A_1674, %add3A_1675 : i32
        %get3A_1677 = arith.index_cast %add3A_1676 : i32 to index
        %get3A_1678 = arith.constant 80 : index
        %get3A_1679 = tpu.vector_load %arg11[%get3A_1677, %get3A_1678] {strides = array<i32>} : memref<256x128xf32, #tpu.memory_space<vmem>>, vector<16xf32>,
        %add3A_1680 = arith.addf %get3A_1671, %get3A_1679 : vector<16xf32>
        %add3A_1681 = arith.addi %mul3A_544, %mul3A_556 : i32
        %add3A_1682 = arith.constant 4 : i32
        %add3A_1683 = arith.addi %add3A_1681, %add3A_1682 : i32
        %get3A_1684 = arith.index_cast %add3A_1683 : i32 to index
        %get3A_1685 = arith.constant 80 : index
        %get3A_1686 = tpu.vector_load %arg12[%get3A_1684, %get3A_1685] {strides = array<i32>} : memref<128x128xf32, #tpu.memory_space<vmem>>, vector<16xf32>,
        %add3A_1687 = arith.addf %add3A_1680, %get3A_1686 : vector<16xf32>
        %max3A_1688 = arith.constant 0.000000e+00 : f32
        %max3A_1689 = vector.broadcast %max3A_1688 : f32 to vector<16xf32>
        %max3A_1690 = arith.maximumf %add3A_1687, %max3A_1689 : vector<16xf32>
        %add3A_1691 = arith.constant 4 : i32
        %add3A_1692 = arith.addi %mul3A_556, %add3A_1691 : i32
        %swap3A_1693 = arith.index_cast %add3A_1692 : i32 to index
        %swap3A_1694 = arith.constant 80 : index
        %swap3A_1695 = tpu.vector_load %arg13[%swap3A_1693, %swap3A_1694] {strides = array<i32>} : memref<64x128xf32, #tpu.memory_space<vmem>>, vector<16xf32>,
        tpu.vector_store %arg13[%swap3A_1693, %swap3A_1694], %max3A_1690 {strides = array<i32>} : memref<64x128xf32, #tpu.memory_space<vmem>>, vector<16xf32>,
        %add3A_1696 = arith.addi %mul3A_542, %mul3A_556 : i32
        %add3A_1697 = arith.constant 4 : i32
        %add3A_1698 = arith.addi %add3A_1696, %add3A_1697 : i32
        %get3A_1699 = arith.index_cast %add3A_1698 : i32 to index
        %get3A_1700 = arith.constant 96 : index
        %get3A_1701 = tpu.vector_load %arg11[%get3A_1699, %get3A_1700] {strides = array<i32>} : memref<256x128xf32, #tpu.memory_space<vmem>>, vector<16xf32>,
        %add3A_1702 = arith.constant 64 : i32
        %add3A_1703 = arith.addi %mul3A_542, %add3A_1702 : i32
        %add3A_1704 = arith.addi %add3A_1703, %mul3A_556 : i32
        %add3A_1705 = arith.constant 4 : i32
        %add3A_1706 = arith.addi %add3A_1704, %add3A_1705 : i32
        %get3A_1707 = arith.index_cast %add3A_1706 : i32 to index
        %get3A_1708 = arith.constant 96 : index
        %get3A_1709 = tpu.vector_load %arg11[%get3A_1707, %get3A_1708] {strides = array<i32>} : memref<256x128xf32, #tpu.memory_space<vmem>>, vector<16xf32>,
        %add3A_1710 = arith.addf %get3A_1701, %get3A_1709 : vector<16xf32>
        %add3A_1711 = arith.addi %mul3A_544, %mul3A_556 : i32
        %add3A_1712 = arith.constant 4 : i32
        %add3A_1713 = arith.addi %add3A_1711, %add3A_1712 : i32
        %get3A_1714 = arith.index_cast %add3A_1713 : i32 to index
        %get3A_1715 = arith.constant 96 : index
        %get3A_1716 = tpu.vector_load %arg12[%get3A_1714, %get3A_1715] {strides = array<i32>} : memref<128x128xf32, #tpu.memory_space<vmem>>, vector<16xf32>,
        %add3A_1717 = arith.addf %add3A_1710, %get3A_1716 : vector<16xf32>
        %max3A_1718 = arith.constant 0.000000e+00 : f32
        %max3A_1719 = vector.broadcast %max3A_1718 : f32 to vector<16xf32>
        %max3A_1720 = arith.maximumf %add3A_1717, %max3A_1719 : vector<16xf32>
        %add3A_1721 = arith.constant 4 : i32
        %add3A_1722 = arith.addi %mul3A_556, %add3A_1721 : i32
        %swap3A_1723 = arith.index_cast %add3A_1722 : i32 to index
        %swap3A_1724 = arith.constant 96 : index
        %swap3A_1725 = tpu.vector_load %arg13[%swap3A_1723, %swap3A_1724] {strides = array<i32>} : memref<64x128xf32, #tpu.memory_space<vmem>>, vector<16xf32>,
        tpu.vector_store %arg13[%swap3A_1723, %swap3A_1724], %max3A_1720 {strides = array<i32>} : memref<64x128xf32, #tpu.memory_space<vmem>>, vector<16xf32>,
        %add3A_1726 = arith.addi %mul3A_542, %mul3A_556 : i32
        %add3A_1727 = arith.constant 4 : i32
        %add3A_1728 = arith.addi %add3A_1726, %add3A_1727 : i32
        %get3A_1729 = arith.index_cast %add3A_1728 : i32 to index
        %get3A_1730 = arith.constant 112 : index
        %get3A_1731 = tpu.vector_load %arg11[%get3A_1729, %get3A_1730] {strides = array<i32>} : memref<256x128xf32, #tpu.memory_space<vmem>>, vector<16xf32>,
        %add3A_1732 = arith.constant 64 : i32
        %add3A_1733 = arith.addi %mul3A_542, %add3A_1732 : i32
        %add3A_1734 = arith.addi %add3A_1733, %mul3A_556 : i32
        %add3A_1735 = arith.constant 4 : i32
        %add3A_1736 = arith.addi %add3A_1734, %add3A_1735 : i32
        %get3A_1737 = arith.index_cast %add3A_1736 : i32 to index
        %get3A_1738 = arith.constant 112 : index
        %get3A_1739 = tpu.vector_load %arg11[%get3A_1737, %get3A_1738] {strides = array<i32>} : memref<256x128xf32, #tpu.memory_space<vmem>>, vector<16xf32>,
        %add3A_1740 = arith.addf %get3A_1731, %get3A_1739 : vector<16xf32>
        %add3A_1741 = arith.addi %mul3A_544, %mul3A_556 : i32
        %add3A_1742 = arith.constant 4 : i32
        %add3A_1743 = arith.addi %add3A_1741, %add3A_1742 : i32
        %get3A_1744 = arith.index_cast %add3A_1743 : i32 to index
        %get3A_1745 = arith.constant 112 : index
        %get3A_1746 = tpu.vector_load %arg12[%get3A_1744, %get3A_1745] {strides = array<i32>} : memref<128x128xf32, #tpu.memory_space<vmem>>, vector<16xf32>,
        %add3A_1747 = arith.addf %add3A_1740, %get3A_1746 : vector<16xf32>
        %max3A_1748 = arith.constant 0.000000e+00 : f32
        %max3A_1749 = vector.broadcast %max3A_1748 : f32 to vector<16xf32>
        %max3A_1750 = arith.maximumf %add3A_1747, %max3A_1749 : vector<16xf32>
        %add3A_1751 = arith.constant 4 : i32
        %add3A_1752 = arith.addi %mul3A_556, %add3A_1751 : i32
        %swap3A_1753 = arith.index_cast %add3A_1752 : i32 to index
        %swap3A_1754 = arith.constant 112 : index
        %swap3A_1755 = tpu.vector_load %arg13[%swap3A_1753, %swap3A_1754] {strides = array<i32>} : memref<64x128xf32, #tpu.memory_space<vmem>>, vector<16xf32>,
        tpu.vector_store %arg13[%swap3A_1753, %swap3A_1754], %max3A_1750 {strides = array<i32>} : memref<64x128xf32, #tpu.memory_space<vmem>>, vector<16xf32>,
        %add3A_1756 = arith.addi %mul3A_542, %mul3A_556 : i32
        %add3A_1757 = arith.constant 5 : i32
        %add3A_1758 = arith.addi %add3A_1756, %add3A_1757 : i32
        %get3A_1759 = arith.index_cast %add3A_1758 : i32 to index
        %get3A_1760 = arith.constant 0 : index
        %get3A_1761 = tpu.vector_load %arg11[%get3A_1759, %get3A_1760] {strides = array<i32>} : memref<256x128xf32, #tpu.memory_space<vmem>>, vector<16xf32>,
        %add3A_1762 = arith.constant 64 : i32
        %add3A_1763 = arith.addi %mul3A_542, %add3A_1762 : i32
        %add3A_1764 = arith.addi %add3A_1763, %mul3A_556 : i32
        %add3A_1765 = arith.constant 5 : i32
        %add3A_1766 = arith.addi %add3A_1764, %add3A_1765 : i32
        %get3A_1767 = arith.index_cast %add3A_1766 : i32 to index
        %get3A_1768 = arith.constant 0 : index
        %get3A_1769 = tpu.vector_load %arg11[%get3A_1767, %get3A_1768] {strides = array<i32>} : memref<256x128xf32, #tpu.memory_space<vmem>>, vector<16xf32>,
        %add3A_1770 = arith.addf %get3A_1761, %get3A_1769 : vector<16xf32>
        %add3A_1771 = arith.addi %mul3A_544, %mul3A_556 : i32
        %add3A_1772 = arith.constant 5 : i32
        %add3A_1773 = arith.addi %add3A_1771, %add3A_1772 : i32
        %get3A_1774 = arith.index_cast %add3A_1773 : i32 to index
        %get3A_1775 = arith.constant 0 : index
        %get3A_1776 = tpu.vector_load %arg12[%get3A_1774, %get3A_1775] {strides = array<i32>} : memref<128x128xf32, #tpu.memory_space<vmem>>, vector<16xf32>,
        %add3A_1777 = arith.addf %add3A_1770, %get3A_1776 : vector<16xf32>
        %max3A_1778 = arith.constant 0.000000e+00 : f32
        %max3A_1779 = vector.broadcast %max3A_1778 : f32 to vector<16xf32>
        %max3A_1780 = arith.maximumf %add3A_1777, %max3A_1779 : vector<16xf32>
        %add3A_1781 = arith.constant 5 : i32
        %add3A_1782 = arith.addi %mul3A_556, %add3A_1781 : i32
        %swap3A_1783 = arith.index_cast %add3A_1782 : i32 to index
        %swap3A_1784 = arith.constant 0 : index
        %swap3A_1785 = tpu.vector_load %arg13[%swap3A_1783, %swap3A_1784] {strides = array<i32>} : memref<64x128xf32, #tpu.memory_space<vmem>>, vector<16xf32>,
        tpu.vector_store %arg13[%swap3A_1783, %swap3A_1784], %max3A_1780 {strides = array<i32>} : memref<64x128xf32, #tpu.memory_space<vmem>>, vector<16xf32>,
        %add3A_1786 = arith.addi %mul3A_542, %mul3A_556 : i32
        %add3A_1787 = arith.constant 5 : i32
        %add3A_1788 = arith.addi %add3A_1786, %add3A_1787 : i32
        %get3A_1789 = arith.index_cast %add3A_1788 : i32 to index
        %get3A_1790 = arith.constant 16 : index
        %get3A_1791 = tpu.vector_load %arg11[%get3A_1789, %get3A_1790] {strides = array<i32>} : memref<256x128xf32, #tpu.memory_space<vmem>>, vector<16xf32>,
        %add3A_1792 = arith.constant 64 : i32
        %add3A_1793 = arith.addi %mul3A_542, %add3A_1792 : i32
        %add3A_1794 = arith.addi %add3A_1793, %mul3A_556 : i32
        %add3A_1795 = arith.constant 5 : i32
        %add3A_1796 = arith.addi %add3A_1794, %add3A_1795 : i32
        %get3A_1797 = arith.index_cast %add3A_1796 : i32 to index
        %get3A_1798 = arith.constant 16 : index
        %get3A_1799 = tpu.vector_load %arg11[%get3A_1797, %get3A_1798] {strides = array<i32>} : memref<256x128xf32, #tpu.memory_space<vmem>>, vector<16xf32>,
        %add3A_1800 = arith.addf %get3A_1791, %get3A_1799 : vector<16xf32>
        %add3A_1801 = arith.addi %mul3A_544, %mul3A_556 : i32
        %add3A_1802 = arith.constant 5 : i32
        %add3A_1803 = arith.addi %add3A_1801, %add3A_1802 : i32
        %get3A_1804 = arith.index_cast %add3A_1803 : i32 to index
        %get3A_1805 = arith.constant 16 : index
        %get3A_1806 = tpu.vector_load %arg12[%get3A_1804, %get3A_1805] {strides = array<i32>} : memref<128x128xf32, #tpu.memory_space<vmem>>, vector<16xf32>,
        %add3A_1807 = arith.addf %add3A_1800, %get3A_1806 : vector<16xf32>
        %max3A_1808 = arith.constant 0.000000e+00 : f32
        %max3A_1809 = vector.broadcast %max3A_1808 : f32 to vector<16xf32>
        %max3A_1810 = arith.maximumf %add3A_1807, %max3A_1809 : vector<16xf32>
        %add3A_1811 = arith.constant 5 : i32
        %add3A_1812 = arith.addi %mul3A_556, %add3A_1811 : i32
        %swap3A_1813 = arith.index_cast %add3A_1812 : i32 to index
        %swap3A_1814 = arith.constant 16 : index
        %swap3A_1815 = tpu.vector_load %arg13[%swap3A_1813, %swap3A_1814] {strides = array<i32>} : memref<64x128xf32, #tpu.memory_space<vmem>>, vector<16xf32>,
        tpu.vector_store %arg13[%swap3A_1813, %swap3A_1814], %max3A_1810 {strides = array<i32>} : memref<64x128xf32, #tpu.memory_space<vmem>>, vector<16xf32>,
        %add3A_1816 = arith.addi %mul3A_542, %mul3A_556 : i32
        %add3A_1817 = arith.constant 5 : i32
        %add3A_1818 = arith.addi %add3A_1816, %add3A_1817 : i32
        %get3A_1819 = arith.index_cast %add3A_1818 : i32 to index
        %get3A_1820 = arith.constant 32 : index
        %get3A_1821 = tpu.vector_load %arg11[%get3A_1819, %get3A_1820] {strides = array<i32>} : memref<256x128xf32, #tpu.memory_space<vmem>>, vector<16xf32>,
        %add3A_1822 = arith.constant 64 : i32
        %add3A_1823 = arith.addi %mul3A_542, %add3A_1822 : i32
        %add3A_1824 = arith.addi %add3A_1823, %mul3A_556 : i32
        %add3A_1825 = arith.constant 5 : i32
        %add3A_1826 = arith.addi %add3A_1824, %add3A_1825 : i32
        %get3A_1827 = arith.index_cast %add3A_1826 : i32 to index
        %get3A_1828 = arith.constant 32 : index
        %get3A_1829 = tpu.vector_load %arg11[%get3A_1827, %get3A_1828] {strides = array<i32>} : memref<256x128xf32, #tpu.memory_space<vmem>>, vector<16xf32>,
        %add3A_1830 = arith.addf %get3A_1821, %get3A_1829 : vector<16xf32>
        %add3A_1831 = arith.addi %mul3A_544, %mul3A_556 : i32
        %add3A_1832 = arith.constant 5 : i32
        %add3A_1833 = arith.addi %add3A_1831, %add3A_1832 : i32
        %get3A_1834 = arith.index_cast %add3A_1833 : i32 to index
        %get3A_1835 = arith.constant 32 : index
        %get3A_1836 = tpu.vector_load %arg12[%get3A_1834, %get3A_1835] {strides = array<i32>} : memref<128x128xf32, #tpu.memory_space<vmem>>, vector<16xf32>,
        %add3A_1837 = arith.addf %add3A_1830, %get3A_1836 : vector<16xf32>
        %max3A_1838 = arith.constant 0.000000e+00 : f32
        %max3A_1839 = vector.broadcast %max3A_1838 : f32 to vector<16xf32>
        %max3A_1840 = arith.maximumf %add3A_1837, %max3A_1839 : vector<16xf32>
        %add3A_1841 = arith.constant 5 : i32
        %add3A_1842 = arith.addi %mul3A_556, %add3A_1841 : i32
        %swap3A_1843 = arith.index_cast %add3A_1842 : i32 to index
        %swap3A_1844 = arith.constant 32 : index
        %swap3A_1845 = tpu.vector_load %arg13[%swap3A_1843, %swap3A_1844] {strides = array<i32>} : memref<64x128xf32, #tpu.memory_space<vmem>>, vector<16xf32>,
        tpu.vector_store %arg13[%swap3A_1843, %swap3A_1844], %max3A_1840 {strides = array<i32>} : memref<64x128xf32, #tpu.memory_space<vmem>>, vector<16xf32>,
        %add3A_1846 = arith.addi %mul3A_542, %mul3A_556 : i32
        %add3A_1847 = arith.constant 5 : i32
        %add3A_1848 = arith.addi %add3A_1846, %add3A_1847 : i32
        %get3A_1849 = arith.index_cast %add3A_1848 : i32 to index
        %get3A_1850 = arith.constant 48 : index
        %get3A_1851 = tpu.vector_load %arg11[%get3A_1849, %get3A_1850] {strides = array<i32>} : memref<256x128xf32, #tpu.memory_space<vmem>>, vector<16xf32>,
        %add3A_1852 = arith.constant 64 : i32
        %add3A_1853 = arith.addi %mul3A_542, %add3A_1852 : i32
        %add3A_1854 = arith.addi %add3A_1853, %mul3A_556 : i32
        %add3A_1855 = arith.constant 5 : i32
        %add3A_1856 = arith.addi %add3A_1854, %add3A_1855 : i32
        %get3A_1857 = arith.index_cast %add3A_1856 : i32 to index
        %get3A_1858 = arith.constant 48 : index
        %get3A_1859 = tpu.vector_load %arg11[%get3A_1857, %get3A_1858] {strides = array<i32>} : memref<256x128xf32, #tpu.memory_space<vmem>>, vector<16xf32>,
        %add3A_1860 = arith.addf %get3A_1851, %get3A_1859 : vector<16xf32>
        %add3A_1861 = arith.addi %mul3A_544, %mul3A_556 : i32
        %add3A_1862 = arith.constant 5 : i32
        %add3A_1863 = arith.addi %add3A_1861, %add3A_1862 : i32
        %get3A_1864 = arith.index_cast %add3A_1863 : i32 to index
        %get3A_1865 = arith.constant 48 : index
        %get3A_1866 = tpu.vector_load %arg12[%get3A_1864, %get3A_1865] {strides = array<i32>} : memref<128x128xf32, #tpu.memory_space<vmem>>, vector<16xf32>,
        %add3A_1867 = arith.addf %add3A_1860, %get3A_1866 : vector<16xf32>
        %max3A_1868 = arith.constant 0.000000e+00 : f32
        %max3A_1869 = vector.broadcast %max3A_1868 : f32 to vector<16xf32>
        %max3A_1870 = arith.maximumf %add3A_1867, %max3A_1869 : vector<16xf32>
        %add3A_1871 = arith.constant 5 : i32
        %add3A_1872 = arith.addi %mul3A_556, %add3A_1871 : i32
        %swap3A_1873 = arith.index_cast %add3A_1872 : i32 to index
        %swap3A_1874 = arith.constant 48 : index
        %swap3A_1875 = tpu.vector_load %arg13[%swap3A_1873, %swap3A_1874] {strides = array<i32>} : memref<64x128xf32, #tpu.memory_space<vmem>>, vector<16xf32>,
        tpu.vector_store %arg13[%swap3A_1873, %swap3A_1874], %max3A_1870 {strides = array<i32>} : memref<64x128xf32, #tpu.memory_space<vmem>>, vector<16xf32>,
        %add3A_1876 = arith.addi %mul3A_542, %mul3A_556 : i32
        %add3A_1877 = arith.constant 5 : i32
        %add3A_1878 = arith.addi %add3A_1876, %add3A_1877 : i32
        %get3A_1879 = arith.index_cast %add3A_1878 : i32 to index
        %get3A_1880 = arith.constant 64 : index
        %get3A_1881 = tpu.vector_load %arg11[%get3A_1879, %get3A_1880] {strides = array<i32>} : memref<256x128xf32, #tpu.memory_space<vmem>>, vector<16xf32>,
        %add3A_1882 = arith.constant 64 : i32
        %add3A_1883 = arith.addi %mul3A_542, %add3A_1882 : i32
        %add3A_1884 = arith.addi %add3A_1883, %mul3A_556 : i32
        %add3A_1885 = arith.constant 5 : i32
        %add3A_1886 = arith.addi %add3A_1884, %add3A_1885 : i32
        %get3A_1887 = arith.index_cast %add3A_1886 : i32 to index
        %get3A_1888 = arith.constant 64 : index
        %get3A_1889 = tpu.vector_load %arg11[%get3A_1887, %get3A_1888] {strides = array<i32>} : memref<256x128xf32, #tpu.memory_space<vmem>>, vector<16xf32>,
        %add3A_1890 = arith.addf %get3A_1881, %get3A_1889 : vector<16xf32>
        %add3A_1891 = arith.addi %mul3A_544, %mul3A_556 : i32
        %add3A_1892 = arith.constant 5 : i32
        %add3A_1893 = arith.addi %add3A_1891, %add3A_1892 : i32
        %get3A_1894 = arith.index_cast %add3A_1893 : i32 to index
        %get3A_1895 = arith.constant 64 : index
        %get3A_1896 = tpu.vector_load %arg12[%get3A_1894, %get3A_1895] {strides = array<i32>} : memref<128x128xf32, #tpu.memory_space<vmem>>, vector<16xf32>,
        %add3A_1897 = arith.addf %add3A_1890, %get3A_1896 : vector<16xf32>
        %max3A_1898 = arith.constant 0.000000e+00 : f32
        %max3A_1899 = vector.broadcast %max3A_1898 : f32 to vector<16xf32>
        %max3A_1900 = arith.maximumf %add3A_1897, %max3A_1899 : vector<16xf32>
        %add3A_1901 = arith.constant 5 : i32
        %add3A_1902 = arith.addi %mul3A_556, %add3A_1901 : i32
        %swap3A_1903 = arith.index_cast %add3A_1902 : i32 to index
        %swap3A_1904 = arith.constant 64 : index
        %swap3A_1905 = tpu.vector_load %arg13[%swap3A_1903, %swap3A_1904] {strides = array<i32>} : memref<64x128xf32, #tpu.memory_space<vmem>>, vector<16xf32>,
        tpu.vector_store %arg13[%swap3A_1903, %swap3A_1904], %max3A_1900 {strides = array<i32>} : memref<64x128xf32, #tpu.memory_space<vmem>>, vector<16xf32>,
        %add3A_1906 = arith.addi %mul3A_542, %mul3A_556 : i32
        %add3A_1907 = arith.constant 5 : i32
        %add3A_1908 = arith.addi %add3A_1906, %add3A_1907 : i32
        %get3A_1909 = arith.index_cast %add3A_1908 : i32 to index
        %get3A_1910 = arith.constant 80 : index
        %get3A_1911 = tpu.vector_load %arg11[%get3A_1909, %get3A_1910] {strides = array<i32>} : memref<256x128xf32, #tpu.memory_space<vmem>>, vector<16xf32>,
        %add3A_1912 = arith.constant 64 : i32
        %add3A_1913 = arith.addi %mul3A_542, %add3A_1912 : i32
        %add3A_1914 = arith.addi %add3A_1913, %mul3A_556 : i32
        %add3A_1915 = arith.constant 5 : i32
        %add3A_1916 = arith.addi %add3A_1914, %add3A_1915 : i32
        %get3A_1917 = arith.index_cast %add3A_1916 : i32 to index
        %get3A_1918 = arith.constant 80 : index
        %get3A_1919 = tpu.vector_load %arg11[%get3A_1917, %get3A_1918] {strides = array<i32>} : memref<256x128xf32, #tpu.memory_space<vmem>>, vector<16xf32>,
        %add3A_1920 = arith.addf %get3A_1911, %get3A_1919 : vector<16xf32>
        %add3A_1921 = arith.addi %mul3A_544, %mul3A_556 : i32
        %add3A_1922 = arith.constant 5 : i32
        %add3A_1923 = arith.addi %add3A_1921, %add3A_1922 : i32
        %get3A_1924 = arith.index_cast %add3A_1923 : i32 to index
        %get3A_1925 = arith.constant 80 : index
        %get3A_1926 = tpu.vector_load %arg12[%get3A_1924, %get3A_1925] {strides = array<i32>} : memref<128x128xf32, #tpu.memory_space<vmem>>, vector<16xf32>,
        %add3A_1927 = arith.addf %add3A_1920, %get3A_1926 : vector<16xf32>
        %max3A_1928 = arith.constant 0.000000e+00 : f32
        %max3A_1929 = vector.broadcast %max3A_1928 : f32 to vector<16xf32>
        %max3A_1930 = arith.maximumf %add3A_1927, %max3A_1929 : vector<16xf32>
        %add3A_1931 = arith.constant 5 : i32
        %add3A_1932 = arith.addi %mul3A_556, %add3A_1931 : i32
        %swap3A_1933 = arith.index_cast %add3A_1932 : i32 to index
        %swap3A_1934 = arith.constant 80 : index
        %swap3A_1935 = tpu.vector_load %arg13[%swap3A_1933, %swap3A_1934] {strides = array<i32>} : memref<64x128xf32, #tpu.memory_space<vmem>>, vector<16xf32>,
        tpu.vector_store %arg13[%swap3A_1933, %swap3A_1934], %max3A_1930 {strides = array<i32>} : memref<64x128xf32, #tpu.memory_space<vmem>>, vector<16xf32>,
        %add3A_1936 = arith.addi %mul3A_542, %mul3A_556 : i32
        %add3A_1937 = arith.constant 5 : i32
        %add3A_1938 = arith.addi %add3A_1936, %add3A_1937 : i32
        %get3A_1939 = arith.index_cast %add3A_1938 : i32 to index
        %get3A_1940 = arith.constant 96 : index
        %get3A_1941 = tpu.vector_load %arg11[%get3A_1939, %get3A_1940] {strides = array<i32>} : memref<256x128xf32, #tpu.memory_space<vmem>>, vector<16xf32>,
        %add3A_1942 = arith.constant 64 : i32
        %add3A_1943 = arith.addi %mul3A_542, %add3A_1942 : i32
        %add3A_1944 = arith.addi %add3A_1943, %mul3A_556 : i32
        %add3A_1945 = arith.constant 5 : i32
        %add3A_1946 = arith.addi %add3A_1944, %add3A_1945 : i32
        %get3A_1947 = arith.index_cast %add3A_1946 : i32 to index
        %get3A_1948 = arith.constant 96 : index
        %get3A_1949 = tpu.vector_load %arg11[%get3A_1947, %get3A_1948] {strides = array<i32>} : memref<256x128xf32, #tpu.memory_space<vmem>>, vector<16xf32>,
        %add3A_1950 = arith.addf %get3A_1941, %get3A_1949 : vector<16xf32>
        %add3A_1951 = arith.addi %mul3A_544, %mul3A_556 : i32
        %add3A_1952 = arith.constant 5 : i32
        %add3A_1953 = arith.addi %add3A_1951, %add3A_1952 : i32
        %get3A_1954 = arith.index_cast %add3A_1953 : i32 to index
        %get3A_1955 = arith.constant 96 : index
        %get3A_1956 = tpu.vector_load %arg12[%get3A_1954, %get3A_1955] {strides = array<i32>} : memref<128x128xf32, #tpu.memory_space<vmem>>, vector<16xf32>,
        %add3A_1957 = arith.addf %add3A_1950, %get3A_1956 : vector<16xf32>
        %max3A_1958 = arith.constant 0.000000e+00 : f32
        %max3A_1959 = vector.broadcast %max3A_1958 : f32 to vector<16xf32>
        %max3A_1960 = arith.maximumf %add3A_1957, %max3A_1959 : vector<16xf32>
        %add3A_1961 = arith.constant 5 : i32
        %add3A_1962 = arith.addi %mul3A_556, %add3A_1961 : i32
        %swap3A_1963 = arith.index_cast %add3A_1962 : i32 to index
        %swap3A_1964 = arith.constant 96 : index
        %swap3A_1965 = tpu.vector_load %arg13[%swap3A_1963, %swap3A_1964] {strides = array<i32>} : memref<64x128xf32, #tpu.memory_space<vmem>>, vector<16xf32>,
        tpu.vector_store %arg13[%swap3A_1963, %swap3A_1964], %max3A_1960 {strides = array<i32>} : memref<64x128xf32, #tpu.memory_space<vmem>>, vector<16xf32>,
        %add3A_1966 = arith.addi %mul3A_542, %mul3A_556 : i32
        %add3A_1967 = arith.constant 5 : i32
        %add3A_1968 = arith.addi %add3A_1966, %add3A_1967 : i32
        %get3A_1969 = arith.index_cast %add3A_1968 : i32 to index
        %get3A_1970 = arith.constant 112 : index
        %get3A_1971 = tpu.vector_load %arg11[%get3A_1969, %get3A_1970] {strides = array<i32>} : memref<256x128xf32, #tpu.memory_space<vmem>>, vector<16xf32>,
        %add3A_1972 = arith.constant 64 : i32
        %add3A_1973 = arith.addi %mul3A_542, %add3A_1972 : i32
        %add3A_1974 = arith.addi %add3A_1973, %mul3A_556 : i32
        %add3A_1975 = arith.constant 5 : i32
        %add3A_1976 = arith.addi %add3A_1974, %add3A_1975 : i32
        %get3A_1977 = arith.index_cast %add3A_1976 : i32 to index
        %get3A_1978 = arith.constant 112 : index
        %get3A_1979 = tpu.vector_load %arg11[%get3A_1977, %get3A_1978] {strides = array<i32>} : memref<256x128xf32, #tpu.memory_space<vmem>>, vector<16xf32>,
        %add3A_1980 = arith.addf %get3A_1971, %get3A_1979 : vector<16xf32>
        %add3A_1981 = arith.addi %mul3A_544, %mul3A_556 : i32
        %add3A_1982 = arith.constant 5 : i32
        %add3A_1983 = arith.addi %add3A_1981, %add3A_1982 : i32
        %get3A_1984 = arith.index_cast %add3A_1983 : i32 to index
        %get3A_1985 = arith.constant 112 : index
        %get3A_1986 = tpu.vector_load %arg12[%get3A_1984, %get3A_1985] {strides = array<i32>} : memref<128x128xf32, #tpu.memory_space<vmem>>, vector<16xf32>,
        %add3A_1987 = arith.addf %add3A_1980, %get3A_1986 : vector<16xf32>
        %max3A_1988 = arith.constant 0.000000e+00 : f32
        %max3A_1989 = vector.broadcast %max3A_1988 : f32 to vector<16xf32>
        %max3A_1990 = arith.maximumf %add3A_1987, %max3A_1989 : vector<16xf32>
        %add3A_1991 = arith.constant 5 : i32
        %add3A_1992 = arith.addi %mul3A_556, %add3A_1991 : i32
        %swap3A_1993 = arith.index_cast %add3A_1992 : i32 to index
        %swap3A_1994 = arith.constant 112 : index
        %swap3A_1995 = tpu.vector_load %arg13[%swap3A_1993, %swap3A_1994] {strides = array<i32>} : memref<64x128xf32, #tpu.memory_space<vmem>>, vector<16xf32>,
        tpu.vector_store %arg13[%swap3A_1993, %swap3A_1994], %max3A_1990 {strides = array<i32>} : memref<64x128xf32, #tpu.memory_space<vmem>>, vector<16xf32>,
        %add3A_1996 = arith.addi %mul3A_542, %mul3A_556 : i32
        %add3A_1997 = arith.constant 6 : i32
        %add3A_1998 = arith.addi %add3A_1996, %add3A_1997 : i32
        %get3A_1999 = arith.index_cast %add3A_1998 : i32 to index
        %get3A_2000 = arith.constant 0 : index
        %get3A_2001 = tpu.vector_load %arg11[%get3A_1999, %get3A_2000] {strides = array<i32>} : memref<256x128xf32, #tpu.memory_space<vmem>>, vector<16xf32>,
        %add3A_2002 = arith.constant 64 : i32
        %add3A_2003 = arith.addi %mul3A_542, %add3A_2002 : i32
        %add3A_2004 = arith.addi %add3A_2003, %mul3A_556 : i32
        %add3A_2005 = arith.constant 6 : i32
        %add3A_2006 = arith.addi %add3A_2004, %add3A_2005 : i32
        %get3A_2007 = arith.index_cast %add3A_2006 : i32 to index
        %get3A_2008 = arith.constant 0 : index
        %get3A_2009 = tpu.vector_load %arg11[%get3A_2007, %get3A_2008] {strides = array<i32>} : memref<256x128xf32, #tpu.memory_space<vmem>>, vector<16xf32>,
        %add3A_2010 = arith.addf %get3A_2001, %get3A_2009 : vector<16xf32>
        %add3A_2011 = arith.addi %mul3A_544, %mul3A_556 : i32
        %add3A_2012 = arith.constant 6 : i32
        %add3A_2013 = arith.addi %add3A_2011, %add3A_2012 : i32
        %get3A_2014 = arith.index_cast %add3A_2013 : i32 to index
        %get3A_2015 = arith.constant 0 : index
        %get3A_2016 = tpu.vector_load %arg12[%get3A_2014, %get3A_2015] {strides = array<i32>} : memref<128x128xf32, #tpu.memory_space<vmem>>, vector<16xf32>,
        %add3A_2017 = arith.addf %add3A_2010, %get3A_2016 : vector<16xf32>
        %max3A_2018 = arith.constant 0.000000e+00 : f32
        %max3A_2019 = vector.broadcast %max3A_2018 : f32 to vector<16xf32>
        %max3A_2020 = arith.maximumf %add3A_2017, %max3A_2019 : vector<16xf32>
        %add3A_2021 = arith.constant 6 : i32
        %add3A_2022 = arith.addi %mul3A_556, %add3A_2021 : i32
        %swap3A_2023 = arith.index_cast %add3A_2022 : i32 to index
        %swap3A_2024 = arith.constant 0 : index
        %swap3A_2025 = tpu.vector_load %arg13[%swap3A_2023, %swap3A_2024] {strides = array<i32>} : memref<64x128xf32, #tpu.memory_space<vmem>>, vector<16xf32>,
        tpu.vector_store %arg13[%swap3A_2023, %swap3A_2024], %max3A_2020 {strides = array<i32>} : memref<64x128xf32, #tpu.memory_space<vmem>>, vector<16xf32>,
        %add3A_2026 = arith.addi %mul3A_542, %mul3A_556 : i32
        %add3A_2027 = arith.constant 6 : i32
        %add3A_2028 = arith.addi %add3A_2026, %add3A_2027 : i32
        %get3A_2029 = arith.index_cast %add3A_2028 : i32 to index
        %get3A_2030 = arith.constant 16 : index
        %get3A_2031 = tpu.vector_load %arg11[%get3A_2029, %get3A_2030] {strides = array<i32>} : memref<256x128xf32, #tpu.memory_space<vmem>>, vector<16xf32>,
        %add3A_2032 = arith.constant 64 : i32
        %add3A_2033 = arith.addi %mul3A_542, %add3A_2032 : i32
        %add3A_2034 = arith.addi %add3A_2033, %mul3A_556 : i32
        %add3A_2035 = arith.constant 6 : i32
        %add3A_2036 = arith.addi %add3A_2034, %add3A_2035 : i32
        %get3A_2037 = arith.index_cast %add3A_2036 : i32 to index
        %get3A_2038 = arith.constant 16 : index
        %get3A_2039 = tpu.vector_load %arg11[%get3A_2037, %get3A_2038] {strides = array<i32>} : memref<256x128xf32, #tpu.memory_space<vmem>>, vector<16xf32>,
        %add3A_2040 = arith.addf %get3A_2031, %get3A_2039 : vector<16xf32>
        %add3A_2041 = arith.addi %mul3A_544, %mul3A_556 : i32
        %add3A_2042 = arith.constant 6 : i32
        %add3A_2043 = arith.addi %add3A_2041, %add3A_2042 : i32
        %get3A_2044 = arith.index_cast %add3A_2043 : i32 to index
        %get3A_2045 = arith.constant 16 : index
        %get3A_2046 = tpu.vector_load %arg12[%get3A_2044, %get3A_2045] {strides = array<i32>} : memref<128x128xf32, #tpu.memory_space<vmem>>, vector<16xf32>,
        %add3A_2047 = arith.addf %add3A_2040, %get3A_2046 : vector<16xf32>
        %max3A_2048 = arith.constant 0.000000e+00 : f32
        %max3A_2049 = vector.broadcast %max3A_2048 : f32 to vector<16xf32>
        %max3A_2050 = arith.maximumf %add3A_2047, %max3A_2049 : vector<16xf32>
        %add3A_2051 = arith.constant 6 : i32
        %add3A_2052 = arith.addi %mul3A_556, %add3A_2051 : i32
        %swap3A_2053 = arith.index_cast %add3A_2052 : i32 to index
        %swap3A_2054 = arith.constant 16 : index
        %swap3A_2055 = tpu.vector_load %arg13[%swap3A_2053, %swap3A_2054] {strides = array<i32>} : memref<64x128xf32, #tpu.memory_space<vmem>>, vector<16xf32>,
        tpu.vector_store %arg13[%swap3A_2053, %swap3A_2054], %max3A_2050 {strides = array<i32>} : memref<64x128xf32, #tpu.memory_space<vmem>>, vector<16xf32>,
        %add3A_2056 = arith.addi %mul3A_542, %mul3A_556 : i32
        %add3A_2057 = arith.constant 6 : i32
        %add3A_2058 = arith.addi %add3A_2056, %add3A_2057 : i32
        %get3A_2059 = arith.index_cast %add3A_2058 : i32 to index
        %get3A_2060 = arith.constant 32 : index
        %get3A_2061 = tpu.vector_load %arg11[%get3A_2059, %get3A_2060] {strides = array<i32>} : memref<256x128xf32, #tpu.memory_space<vmem>>, vector<16xf32>,
        %add3A_2062 = arith.constant 64 : i32
        %add3A_2063 = arith.addi %mul3A_542, %add3A_2062 : i32
        %add3A_2064 = arith.addi %add3A_2063, %mul3A_556 : i32
        %add3A_2065 = arith.constant 6 : i32
        %add3A_2066 = arith.addi %add3A_2064, %add3A_2065 : i32
        %get3A_2067 = arith.index_cast %add3A_2066 : i32 to index
        %get3A_2068 = arith.constant 32 : index
        %get3A_2069 = tpu.vector_load %arg11[%get3A_2067, %get3A_2068] {strides = array<i32>} : memref<256x128xf32, #tpu.memory_space<vmem>>, vector<16xf32>,
        %add3A_2070 = arith.addf %get3A_2061, %get3A_2069 : vector<16xf32>
        %add3A_2071 = arith.addi %mul3A_544, %mul3A_556 : i32
        %add3A_2072 = arith.constant 6 : i32
        %add3A_2073 = arith.addi %add3A_2071, %add3A_2072 : i32
        %get3A_2074 = arith.index_cast %add3A_2073 : i32 to index
        %get3A_2075 = arith.constant 32 : index
        %get3A_2076 = tpu.vector_load %arg12[%get3A_2074, %get3A_2075] {strides = array<i32>} : memref<128x128xf32, #tpu.memory_space<vmem>>, vector<16xf32>,
        %add3A_2077 = arith.addf %add3A_2070, %get3A_2076 : vector<16xf32>
        %max3A_2078 = arith.constant 0.000000e+00 : f32
        %max3A_2079 = vector.broadcast %max3A_2078 : f32 to vector<16xf32>
        %max3A_2080 = arith.maximumf %add3A_2077, %max3A_2079 : vector<16xf32>
        %add3A_2081 = arith.constant 6 : i32
        %add3A_2082 = arith.addi %mul3A_556, %add3A_2081 : i32
        %swap3A_2083 = arith.index_cast %add3A_2082 : i32 to index
        %swap3A_2084 = arith.constant 32 : index
        %swap3A_2085 = tpu.vector_load %arg13[%swap3A_2083, %swap3A_2084] {strides = array<i32>} : memref<64x128xf32, #tpu.memory_space<vmem>>, vector<16xf32>,
        tpu.vector_store %arg13[%swap3A_2083, %swap3A_2084], %max3A_2080 {strides = array<i32>} : memref<64x128xf32, #tpu.memory_space<vmem>>, vector<16xf32>,
        %add3A_2086 = arith.addi %mul3A_542, %mul3A_556 : i32
        %add3A_2087 = arith.constant 6 : i32
        %add3A_2088 = arith.addi %add3A_2086, %add3A_2087 : i32
        %get3A_2089 = arith.index_cast %add3A_2088 : i32 to index
        %get3A_2090 = arith.constant 48 : index
        %get3A_2091 = tpu.vector_load %arg11[%get3A_2089, %get3A_2090] {strides = array<i32>} : memref<256x128xf32, #tpu.memory_space<vmem>>, vector<16xf32>,
        %add3A_2092 = arith.constant 64 : i32
        %add3A_2093 = arith.addi %mul3A_542, %add3A_2092 : i32
        %add3A_2094 = arith.addi %add3A_2093, %mul3A_556 : i32
        %add3A_2095 = arith.constant 6 : i32
        %add3A_2096 = arith.addi %add3A_2094, %add3A_2095 : i32
        %get3A_2097 = arith.index_cast %add3A_2096 : i32 to index
        %get3A_2098 = arith.constant 48 : index
        %get3A_2099 = tpu.vector_load %arg11[%get3A_2097, %get3A_2098] {strides = array<i32>} : memref<256x128xf32, #tpu.memory_space<vmem>>, vector<16xf32>,
        %add3A_2100 = arith.addf %get3A_2091, %get3A_2099 : vector<16xf32>
        %add3A_2101 = arith.addi %mul3A_544, %mul3A_556 : i32
        %add3A_2102 = arith.constant 6 : i32
        %add3A_2103 = arith.addi %add3A_2101, %add3A_2102 : i32
        %get3A_2104 = arith.index_cast %add3A_2103 : i32 to index
        %get3A_2105 = arith.constant 48 : index
        %get3A_2106 = tpu.vector_load %arg12[%get3A_2104, %get3A_2105] {strides = array<i32>} : memref<128x128xf32, #tpu.memory_space<vmem>>, vector<16xf32>,
        %add3A_2107 = arith.addf %add3A_2100, %get3A_2106 : vector<16xf32>
        %max3A_2108 = arith.constant 0.000000e+00 : f32
        %max3A_2109 = vector.broadcast %max3A_2108 : f32 to vector<16xf32>
        %max3A_2110 = arith.maximumf %add3A_2107, %max3A_2109 : vector<16xf32>
        %add3A_2111 = arith.constant 6 : i32
        %add3A_2112 = arith.addi %mul3A_556, %add3A_2111 : i32
        %swap3A_2113 = arith.index_cast %add3A_2112 : i32 to index
        %swap3A_2114 = arith.constant 48 : index
        %swap3A_2115 = tpu.vector_load %arg13[%swap3A_2113, %swap3A_2114] {strides = array<i32>} : memref<64x128xf32, #tpu.memory_space<vmem>>, vector<16xf32>,
        tpu.vector_store %arg13[%swap3A_2113, %swap3A_2114], %max3A_2110 {strides = array<i32>} : memref<64x128xf32, #tpu.memory_space<vmem>>, vector<16xf32>,
        %add3A_2116 = arith.addi %mul3A_542, %mul3A_556 : i32
        %add3A_2117 = arith.constant 6 : i32
        %add3A_2118 = arith.addi %add3A_2116, %add3A_2117 : i32
        %get3A_2119 = arith.index_cast %add3A_2118 : i32 to index
        %get3A_2120 = arith.constant 64 : index
        %get3A_2121 = tpu.vector_load %arg11[%get3A_2119, %get3A_2120] {strides = array<i32>} : memref<256x128xf32, #tpu.memory_space<vmem>>, vector<16xf32>,
        %add3A_2122 = arith.constant 64 : i32
        %add3A_2123 = arith.addi %mul3A_542, %add3A_2122 : i32
        %add3A_2124 = arith.addi %add3A_2123, %mul3A_556 : i32
        %add3A_2125 = arith.constant 6 : i32
        %add3A_2126 = arith.addi %add3A_2124, %add3A_2125 : i32
        %get3A_2127 = arith.index_cast %add3A_2126 : i32 to index
        %get3A_2128 = arith.constant 64 : index
        %get3A_2129 = tpu.vector_load %arg11[%get3A_2127, %get3A_2128] {strides = array<i32>} : memref<256x128xf32, #tpu.memory_space<vmem>>, vector<16xf32>,
        %add3A_2130 = arith.addf %get3A_2121, %get3A_2129 : vector<16xf32>
        %add3A_2131 = arith.addi %mul3A_544, %mul3A_556 : i32
        %add3A_2132 = arith.constant 6 : i32
        %add3A_2133 = arith.addi %add3A_2131, %add3A_2132 : i32
        %get3A_2134 = arith.index_cast %add3A_2133 : i32 to index
        %get3A_2135 = arith.constant 64 : index
        %get3A_2136 = tpu.vector_load %arg12[%get3A_2134, %get3A_2135] {strides = array<i32>} : memref<128x128xf32, #tpu.memory_space<vmem>>, vector<16xf32>,
        %add3A_2137 = arith.addf %add3A_2130, %get3A_2136 : vector<16xf32>
        %max3A_2138 = arith.constant 0.000000e+00 : f32
        %max3A_2139 = vector.broadcast %max3A_2138 : f32 to vector<16xf32>
        %max3A_2140 = arith.maximumf %add3A_2137, %max3A_2139 : vector<16xf32>
        %add3A_2141 = arith.constant 6 : i32
        %add3A_2142 = arith.addi %mul3A_556, %add3A_2141 : i32
        %swap3A_2143 = arith.index_cast %add3A_2142 : i32 to index
        %swap3A_2144 = arith.constant 64 : index
        %swap3A_2145 = tpu.vector_load %arg13[%swap3A_2143, %swap3A_2144] {strides = array<i32>} : memref<64x128xf32, #tpu.memory_space<vmem>>, vector<16xf32>,
        tpu.vector_store %arg13[%swap3A_2143, %swap3A_2144], %max3A_2140 {strides = array<i32>} : memref<64x128xf32, #tpu.memory_space<vmem>>, vector<16xf32>,
        %add3A_2146 = arith.addi %mul3A_542, %mul3A_556 : i32
        %add3A_2147 = arith.constant 6 : i32
        %add3A_2148 = arith.addi %add3A_2146, %add3A_2147 : i32
        %get3A_2149 = arith.index_cast %add3A_2148 : i32 to index
        %get3A_2150 = arith.constant 80 : index
        %get3A_2151 = tpu.vector_load %arg11[%get3A_2149, %get3A_2150] {strides = array<i32>} : memref<256x128xf32, #tpu.memory_space<vmem>>, vector<16xf32>,
        %add3A_2152 = arith.constant 64 : i32
        %add3A_2153 = arith.addi %mul3A_542, %add3A_2152 : i32
        %add3A_2154 = arith.addi %add3A_2153, %mul3A_556 : i32
        %add3A_2155 = arith.constant 6 : i32
        %add3A_2156 = arith.addi %add3A_2154, %add3A_2155 : i32
        %get3A_2157 = arith.index_cast %add3A_2156 : i32 to index
        %get3A_2158 = arith.constant 80 : index
        %get3A_2159 = tpu.vector_load %arg11[%get3A_2157, %get3A_2158] {strides = array<i32>} : memref<256x128xf32, #tpu.memory_space<vmem>>, vector<16xf32>,
        %add3A_2160 = arith.addf %get3A_2151, %get3A_2159 : vector<16xf32>
        %add3A_2161 = arith.addi %mul3A_544, %mul3A_556 : i32
        %add3A_2162 = arith.constant 6 : i32
        %add3A_2163 = arith.addi %add3A_2161, %add3A_2162 : i32
        %get3A_2164 = arith.index_cast %add3A_2163 : i32 to index
        %get3A_2165 = arith.constant 80 : index
        %get3A_2166 = tpu.vector_load %arg12[%get3A_2164, %get3A_2165] {strides = array<i32>} : memref<128x128xf32, #tpu.memory_space<vmem>>, vector<16xf32>,
        %add3A_2167 = arith.addf %add3A_2160, %get3A_2166 : vector<16xf32>
        %max3A_2168 = arith.constant 0.000000e+00 : f32
        %max3A_2169 = vector.broadcast %max3A_2168 : f32 to vector<16xf32>
        %max3A_2170 = arith.maximumf %add3A_2167, %max3A_2169 : vector<16xf32>
        %add3A_2171 = arith.constant 6 : i32
        %add3A_2172 = arith.addi %mul3A_556, %add3A_2171 : i32
        %swap3A_2173 = arith.index_cast %add3A_2172 : i32 to index
        %swap3A_2174 = arith.constant 80 : index
        %swap3A_2175 = tpu.vector_load %arg13[%swap3A_2173, %swap3A_2174] {strides = array<i32>} : memref<64x128xf32, #tpu.memory_space<vmem>>, vector<16xf32>,
        tpu.vector_store %arg13[%swap3A_2173, %swap3A_2174], %max3A_2170 {strides = array<i32>} : memref<64x128xf32, #tpu.memory_space<vmem>>, vector<16xf32>,
        %add3A_2176 = arith.addi %mul3A_542, %mul3A_556 : i32
        %add3A_2177 = arith.constant 6 : i32
        %add3A_2178 = arith.addi %add3A_2176, %add3A_2177 : i32
        %get3A_2179 = arith.index_cast %add3A_2178 : i32 to index
        %get3A_2180 = arith.constant 96 : index
        %get3A_2181 = tpu.vector_load %arg11[%get3A_2179, %get3A_2180] {strides = array<i32>} : memref<256x128xf32, #tpu.memory_space<vmem>>, vector<16xf32>,
        %add3A_2182 = arith.constant 64 : i32
        %add3A_2183 = arith.addi %mul3A_542, %add3A_2182 : i32
        %add3A_2184 = arith.addi %add3A_2183, %mul3A_556 : i32
        %add3A_2185 = arith.constant 6 : i32
        %add3A_2186 = arith.addi %add3A_2184, %add3A_2185 : i32
        %get3A_2187 = arith.index_cast %add3A_2186 : i32 to index
        %get3A_2188 = arith.constant 96 : index
        %get3A_2189 = tpu.vector_load %arg11[%get3A_2187, %get3A_2188] {strides = array<i32>} : memref<256x128xf32, #tpu.memory_space<vmem>>, vector<16xf32>,
        %add3A_2190 = arith.addf %get3A_2181, %get3A_2189 : vector<16xf32>
        %add3A_2191 = arith.addi %mul3A_544, %mul3A_556 : i32
        %add3A_2192 = arith.constant 6 : i32
        %add3A_2193 = arith.addi %add3A_2191, %add3A_2192 : i32
        %get3A_2194 = arith.index_cast %add3A_2193 : i32 to index
        %get3A_2195 = arith.constant 96 : index
        %get3A_2196 = tpu.vector_load %arg12[%get3A_2194, %get3A_2195] {strides = array<i32>} : memref<128x128xf32, #tpu.memory_space<vmem>>, vector<16xf32>,
        %add3A_2197 = arith.addf %add3A_2190, %get3A_2196 : vector<16xf32>
        %max3A_2198 = arith.constant 0.000000e+00 : f32
        %max3A_2199 = vector.broadcast %max3A_2198 : f32 to vector<16xf32>
        %max3A_2200 = arith.maximumf %add3A_2197, %max3A_2199 : vector<16xf32>
        %add3A_2201 = arith.constant 6 : i32
        %add3A_2202 = arith.addi %mul3A_556, %add3A_2201 : i32
        %swap3A_2203 = arith.index_cast %add3A_2202 : i32 to index
        %swap3A_2204 = arith.constant 96 : index
        %swap3A_2205 = tpu.vector_load %arg13[%swap3A_2203, %swap3A_2204] {strides = array<i32>} : memref<64x128xf32, #tpu.memory_space<vmem>>, vector<16xf32>,
        tpu.vector_store %arg13[%swap3A_2203, %swap3A_2204], %max3A_2200 {strides = array<i32>} : memref<64x128xf32, #tpu.memory_space<vmem>>, vector<16xf32>,
        %add3A_2206 = arith.addi %mul3A_542, %mul3A_556 : i32
        %add3A_2207 = arith.constant 6 : i32
        %add3A_2208 = arith.addi %add3A_2206, %add3A_2207 : i32
        %get3A_2209 = arith.index_cast %add3A_2208 : i32 to index
        %get3A_2210 = arith.constant 112 : index
        %get3A_2211 = tpu.vector_load %arg11[%get3A_2209, %get3A_2210] {strides = array<i32>} : memref<256x128xf32, #tpu.memory_space<vmem>>, vector<16xf32>,
        %add3A_2212 = arith.constant 64 : i32
        %add3A_2213 = arith.addi %mul3A_542, %add3A_2212 : i32
        %add3A_2214 = arith.addi %add3A_2213, %mul3A_556 : i32
        %add3A_2215 = arith.constant 6 : i32
        %add3A_2216 = arith.addi %add3A_2214, %add3A_2215 : i32
        %get3A_2217 = arith.index_cast %add3A_2216 : i32 to index
        %get3A_2218 = arith.constant 112 : index
        %get3A_2219 = tpu.vector_load %arg11[%get3A_2217, %get3A_2218] {strides = array<i32>} : memref<256x128xf32, #tpu.memory_space<vmem>>, vector<16xf32>,
        %add3A_2220 = arith.addf %get3A_2211, %get3A_2219 : vector<16xf32>
        %add3A_2221 = arith.addi %mul3A_544, %mul3A_556 : i32
        %add3A_2222 = arith.constant 6 : i32
        %add3A_2223 = arith.addi %add3A_2221, %add3A_2222 : i32
        %get3A_2224 = arith.index_cast %add3A_2223 : i32 to index
        %get3A_2225 = arith.constant 112 : index
        %get3A_2226 = tpu.vector_load %arg12[%get3A_2224, %get3A_2225] {strides = array<i32>} : memref<128x128xf32, #tpu.memory_space<vmem>>, vector<16xf32>,
        %add3A_2227 = arith.addf %add3A_2220, %get3A_2226 : vector<16xf32>
        %max3A_2228 = arith.constant 0.000000e+00 : f32
        %max3A_2229 = vector.broadcast %max3A_2228 : f32 to vector<16xf32>
        %max3A_2230 = arith.maximumf %add3A_2227, %max3A_2229 : vector<16xf32>
        %add3A_2231 = arith.constant 6 : i32
        %add3A_2232 = arith.addi %mul3A_556, %add3A_2231 : i32
        %swap3A_2233 = arith.index_cast %add3A_2232 : i32 to index
        %swap3A_2234 = arith.constant 112 : index
        %swap3A_2235 = tpu.vector_load %arg13[%swap3A_2233, %swap3A_2234] {strides = array<i32>} : memref<64x128xf32, #tpu.memory_space<vmem>>, vector<16xf32>,
        tpu.vector_store %arg13[%swap3A_2233, %swap3A_2234], %max3A_2230 {strides = array<i32>} : memref<64x128xf32, #tpu.memory_space<vmem>>, vector<16xf32>,
        %add3A_2236 = arith.addi %mul3A_542, %mul3A_556 : i32
        %add3A_2237 = arith.constant 7 : i32
        %add3A_2238 = arith.addi %add3A_2236, %add3A_2237 : i32
        %get3A_2239 = arith.index_cast %add3A_2238 : i32 to index
        %get3A_2240 = arith.constant 0 : index
        %get3A_2241 = tpu.vector_load %arg11[%get3A_2239, %get3A_2240] {strides = array<i32>} : memref<256x128xf32, #tpu.memory_space<vmem>>, vector<16xf32>,
        %add3A_2242 = arith.constant 64 : i32
        %add3A_2243 = arith.addi %mul3A_542, %add3A_2242 : i32
        %add3A_2244 = arith.addi %add3A_2243, %mul3A_556 : i32
        %add3A_2245 = arith.constant 7 : i32
        %add3A_2246 = arith.addi %add3A_2244, %add3A_2245 : i32
        %get3A_2247 = arith.index_cast %add3A_2246 : i32 to index
        %get3A_2248 = arith.constant 0 : index
        %get3A_2249 = tpu.vector_load %arg11[%get3A_2247, %get3A_2248] {strides = array<i32>} : memref<256x128xf32, #tpu.memory_space<vmem>>, vector<16xf32>,
        %add3A_2250 = arith.addf %get3A_2241, %get3A_2249 : vector<16xf32>
        %add3A_2251 = arith.addi %mul3A_544, %mul3A_556 : i32
        %add3A_2252 = arith.constant 7 : i32
        %add3A_2253 = arith.addi %add3A_2251, %add3A_2252 : i32
        %get3A_2254 = arith.index_cast %add3A_2253 : i32 to index
        %get3A_2255 = arith.constant 0 : index
        %get3A_2256 = tpu.vector_load %arg12[%get3A_2254, %get3A_2255] {strides = array<i32>} : memref<128x128xf32, #tpu.memory_space<vmem>>, vector<16xf32>,
        %add3A_2257 = arith.addf %add3A_2250, %get3A_2256 : vector<16xf32>
        %max3A_2258 = arith.constant 0.000000e+00 : f32
        %max3A_2259 = vector.broadcast %max3A_2258 : f32 to vector<16xf32>
        %max3A_2260 = arith.maximumf %add3A_2257, %max3A_2259 : vector<16xf32>
        %add3A_2261 = arith.constant 7 : i32
        %add3A_2262 = arith.addi %mul3A_556, %add3A_2261 : i32
        %swap3A_2263 = arith.index_cast %add3A_2262 : i32 to index
        %swap3A_2264 = arith.constant 0 : index
        %swap3A_2265 = tpu.vector_load %arg13[%swap3A_2263, %swap3A_2264] {strides = array<i32>} : memref<64x128xf32, #tpu.memory_space<vmem>>, vector<16xf32>,
        tpu.vector_store %arg13[%swap3A_2263, %swap3A_2264], %max3A_2260 {strides = array<i32>} : memref<64x128xf32, #tpu.memory_space<vmem>>, vector<16xf32>,
        %add3A_2266 = arith.addi %mul3A_542, %mul3A_556 : i32
        %add3A_2267 = arith.constant 7 : i32
        %add3A_2268 = arith.addi %add3A_2266, %add3A_2267 : i32
        %get3A_2269 = arith.index_cast %add3A_2268 : i32 to index
        %get3A_2270 = arith.constant 16 : index
        %get3A_2271 = tpu.vector_load %arg11[%get3A_2269, %get3A_2270] {strides = array<i32>} : memref<256x128xf32, #tpu.memory_space<vmem>>, vector<16xf32>,
        %add3A_2272 = arith.constant 64 : i32
        %add3A_2273 = arith.addi %mul3A_542, %add3A_2272 : i32
        %add3A_2274 = arith.addi %add3A_2273, %mul3A_556 : i32
        %add3A_2275 = arith.constant 7 : i32
        %add3A_2276 = arith.addi %add3A_2274, %add3A_2275 : i32
        %get3A_2277 = arith.index_cast %add3A_2276 : i32 to index
        %get3A_2278 = arith.constant 16 : index
        %get3A_2279 = tpu.vector_load %arg11[%get3A_2277, %get3A_2278] {strides = array<i32>} : memref<256x128xf32, #tpu.memory_space<vmem>>, vector<16xf32>,
        %add3A_2280 = arith.addf %get3A_2271, %get3A_2279 : vector<16xf32>
        %add3A_2281 = arith.addi %mul3A_544, %mul3A_556 : i32
        %add3A_2282 = arith.constant 7 : i32
        %add3A_2283 = arith.addi %add3A_2281, %add3A_2282 : i32
        %get3A_2284 = arith.index_cast %add3A_2283 : i32 to index
        %get3A_2285 = arith.constant 16 : index
        %get3A_2286 = tpu.vector_load %arg12[%get3A_2284, %get3A_2285] {strides = array<i32>} : memref<128x128xf32, #tpu.memory_space<vmem>>, vector<16xf32>,
        %add3A_2287 = arith.addf %add3A_2280, %get3A_2286 : vector<16xf32>
        %max3A_2288 = arith.constant 0.000000e+00 : f32
        %max3A_2289 = vector.broadcast %max3A_2288 : f32 to vector<16xf32>
        %max3A_2290 = arith.maximumf %add3A_2287, %max3A_2289 : vector<16xf32>
        %add3A_2291 = arith.constant 7 : i32
        %add3A_2292 = arith.addi %mul3A_556, %add3A_2291 : i32
        %swap3A_2293 = arith.index_cast %add3A_2292 : i32 to index
        %swap3A_2294 = arith.constant 16 : index
        %swap3A_2295 = tpu.vector_load %arg13[%swap3A_2293, %swap3A_2294] {strides = array<i32>} : memref<64x128xf32, #tpu.memory_space<vmem>>, vector<16xf32>,
        tpu.vector_store %arg13[%swap3A_2293, %swap3A_2294], %max3A_2290 {strides = array<i32>} : memref<64x128xf32, #tpu.memory_space<vmem>>, vector<16xf32>,
        %add3A_2296 = arith.addi %mul3A_542, %mul3A_556 : i32
        %add3A_2297 = arith.constant 7 : i32
        %add3A_2298 = arith.addi %add3A_2296, %add3A_2297 : i32
        %get3A_2299 = arith.index_cast %add3A_2298 : i32 to index
        %get3A_2300 = arith.constant 32 : index
        %get3A_2301 = tpu.vector_load %arg11[%get3A_2299, %get3A_2300] {strides = array<i32>} : memref<256x128xf32, #tpu.memory_space<vmem>>, vector<16xf32>,
        %add3A_2302 = arith.constant 64 : i32
        %add3A_2303 = arith.addi %mul3A_542, %add3A_2302 : i32
        %add3A_2304 = arith.addi %add3A_2303, %mul3A_556 : i32
        %add3A_2305 = arith.constant 7 : i32
        %add3A_2306 = arith.addi %add3A_2304, %add3A_2305 : i32
        %get3A_2307 = arith.index_cast %add3A_2306 : i32 to index
        %get3A_2308 = arith.constant 32 : index
        %get3A_2309 = tpu.vector_load %arg11[%get3A_2307, %get3A_2308] {strides = array<i32>} : memref<256x128xf32, #tpu.memory_space<vmem>>, vector<16xf32>,
        %add3A_2310 = arith.addf %get3A_2301, %get3A_2309 : vector<16xf32>
        %add3A_2311 = arith.addi %mul3A_544, %mul3A_556 : i32
        %add3A_2312 = arith.constant 7 : i32
        %add3A_2313 = arith.addi %add3A_2311, %add3A_2312 : i32
        %get3A_2314 = arith.index_cast %add3A_2313 : i32 to index
        %get3A_2315 = arith.constant 32 : index
        %get3A_2316 = tpu.vector_load %arg12[%get3A_2314, %get3A_2315] {strides = array<i32>} : memref<128x128xf32, #tpu.memory_space<vmem>>, vector<16xf32>,
        %add3A_2317 = arith.addf %add3A_2310, %get3A_2316 : vector<16xf32>
        %max3A_2318 = arith.constant 0.000000e+00 : f32
        %max3A_2319 = vector.broadcast %max3A_2318 : f32 to vector<16xf32>
        %max3A_2320 = arith.maximumf %add3A_2317, %max3A_2319 : vector<16xf32>
        %add3A_2321 = arith.constant 7 : i32
        %add3A_2322 = arith.addi %mul3A_556, %add3A_2321 : i32
        %swap3A_2323 = arith.index_cast %add3A_2322 : i32 to index
        %swap3A_2324 = arith.constant 32 : index
        %swap3A_2325 = tpu.vector_load %arg13[%swap3A_2323, %swap3A_2324] {strides = array<i32>} : memref<64x128xf32, #tpu.memory_space<vmem>>, vector<16xf32>,
        tpu.vector_store %arg13[%swap3A_2323, %swap3A_2324], %max3A_2320 {strides = array<i32>} : memref<64x128xf32, #tpu.memory_space<vmem>>, vector<16xf32>,
        %add3A_2326 = arith.addi %mul3A_542, %mul3A_556 : i32
        %add3A_2327 = arith.constant 7 : i32
        %add3A_2328 = arith.addi %add3A_2326, %add3A_2327 : i32
        %get3A_2329 = arith.index_cast %add3A_2328 : i32 to index
        %get3A_2330 = arith.constant 48 : index
        %get3A_2331 = tpu.vector_load %arg11[%get3A_2329, %get3A_2330] {strides = array<i32>} : memref<256x128xf32, #tpu.memory_space<vmem>>, vector<16xf32>,
        %add3A_2332 = arith.constant 64 : i32
        %add3A_2333 = arith.addi %mul3A_542, %add3A_2332 : i32
        %add3A_2334 = arith.addi %add3A_2333, %mul3A_556 : i32
        %add3A_2335 = arith.constant 7 : i32
        %add3A_2336 = arith.addi %add3A_2334, %add3A_2335 : i32
        %get3A_2337 = arith.index_cast %add3A_2336 : i32 to index
        %get3A_2338 = arith.constant 48 : index
        %get3A_2339 = tpu.vector_load %arg11[%get3A_2337, %get3A_2338] {strides = array<i32>} : memref<256x128xf32, #tpu.memory_space<vmem>>, vector<16xf32>,
        %add3A_2340 = arith.addf %get3A_2331, %get3A_2339 : vector<16xf32>
        %add3A_2341 = arith.addi %mul3A_544, %mul3A_556 : i32
        %add3A_2342 = arith.constant 7 : i32
        %add3A_2343 = arith.addi %add3A_2341, %add3A_2342 : i32
        %get3A_2344 = arith.index_cast %add3A_2343 : i32 to index
        %get3A_2345 = arith.constant 48 : index
        %get3A_2346 = tpu.vector_load %arg12[%get3A_2344, %get3A_2345] {strides = array<i32>} : memref<128x128xf32, #tpu.memory_space<vmem>>, vector<16xf32>,
        %add3A_2347 = arith.addf %add3A_2340, %get3A_2346 : vector<16xf32>
        %max3A_2348 = arith.constant 0.000000e+00 : f32
        %max3A_2349 = vector.broadcast %max3A_2348 : f32 to vector<16xf32>
        %max3A_2350 = arith.maximumf %add3A_2347, %max3A_2349 : vector<16xf32>
        %add3A_2351 = arith.constant 7 : i32
        %add3A_2352 = arith.addi %mul3A_556, %add3A_2351 : i32
        %swap3A_2353 = arith.index_cast %add3A_2352 : i32 to index
        %swap3A_2354 = arith.constant 48 : index
        %swap3A_2355 = tpu.vector_load %arg13[%swap3A_2353, %swap3A_2354] {strides = array<i32>} : memref<64x128xf32, #tpu.memory_space<vmem>>, vector<16xf32>,
        tpu.vector_store %arg13[%swap3A_2353, %swap3A_2354], %max3A_2350 {strides = array<i32>} : memref<64x128xf32, #tpu.memory_space<vmem>>, vector<16xf32>,
        %add3A_2356 = arith.addi %mul3A_542, %mul3A_556 : i32
        %add3A_2357 = arith.constant 7 : i32
        %add3A_2358 = arith.addi %add3A_2356, %add3A_2357 : i32
        %get3A_2359 = arith.index_cast %add3A_2358 : i32 to index
        %get3A_2360 = arith.constant 64 : index
        %get3A_2361 = tpu.vector_load %arg11[%get3A_2359, %get3A_2360] {strides = array<i32>} : memref<256x128xf32, #tpu.memory_space<vmem>>, vector<16xf32>,
        %add3A_2362 = arith.constant 64 : i32
        %add3A_2363 = arith.addi %mul3A_542, %add3A_2362 : i32
        %add3A_2364 = arith.addi %add3A_2363, %mul3A_556 : i32
        %add3A_2365 = arith.constant 7 : i32
        %add3A_2366 = arith.addi %add3A_2364, %add3A_2365 : i32
        %get3A_2367 = arith.index_cast %add3A_2366 : i32 to index
        %get3A_2368 = arith.constant 64 : index
        %get3A_2369 = tpu.vector_load %arg11[%get3A_2367, %get3A_2368] {strides = array<i32>} : memref<256x128xf32, #tpu.memory_space<vmem>>, vector<16xf32>,
        %add3A_2370 = arith.addf %get3A_2361, %get3A_2369 : vector<16xf32>
        %add3A_2371 = arith.addi %mul3A_544, %mul3A_556 : i32
        %add3A_2372 = arith.constant 7 : i32
        %add3A_2373 = arith.addi %add3A_2371, %add3A_2372 : i32
        %get3A_2374 = arith.index_cast %add3A_2373 : i32 to index
        %get3A_2375 = arith.constant 64 : index
        %get3A_2376 = tpu.vector_load %arg12[%get3A_2374, %get3A_2375] {strides = array<i32>} : memref<128x128xf32, #tpu.memory_space<vmem>>, vector<16xf32>,
        %add3A_2377 = arith.addf %add3A_2370, %get3A_2376 : vector<16xf32>
        %max3A_2378 = arith.constant 0.000000e+00 : f32
        %max3A_2379 = vector.broadcast %max3A_2378 : f32 to vector<16xf32>
        %max3A_2380 = arith.maximumf %add3A_2377, %max3A_2379 : vector<16xf32>
        %add3A_2381 = arith.constant 7 : i32
        %add3A_2382 = arith.addi %mul3A_556, %add3A_2381 : i32
        %swap3A_2383 = arith.index_cast %add3A_2382 : i32 to index
        %swap3A_2384 = arith.constant 64 : index
        %swap3A_2385 = tpu.vector_load %arg13[%swap3A_2383, %swap3A_2384] {strides = array<i32>} : memref<64x128xf32, #tpu.memory_space<vmem>>, vector<16xf32>,
        tpu.vector_store %arg13[%swap3A_2383, %swap3A_2384], %max3A_2380 {strides = array<i32>} : memref<64x128xf32, #tpu.memory_space<vmem>>, vector<16xf32>,
        %add3A_2386 = arith.addi %mul3A_542, %mul3A_556 : i32
        %add3A_2387 = arith.constant 7 : i32
        %add3A_2388 = arith.addi %add3A_2386, %add3A_2387 : i32
        %get3A_2389 = arith.index_cast %add3A_2388 : i32 to index
        %get3A_2390 = arith.constant 80 : index
        %get3A_2391 = tpu.vector_load %arg11[%get3A_2389, %get3A_2390] {strides = array<i32>} : memref<256x128xf32, #tpu.memory_space<vmem>>, vector<16xf32>,
        %add3A_2392 = arith.constant 64 : i32
        %add3A_2393 = arith.addi %mul3A_542, %add3A_2392 : i32
        %add3A_2394 = arith.addi %add3A_2393, %mul3A_556 : i32
        %add3A_2395 = arith.constant 7 : i32
        %add3A_2396 = arith.addi %add3A_2394, %add3A_2395 : i32
        %get3A_2397 = arith.index_cast %add3A_2396 : i32 to index
        %get3A_2398 = arith.constant 80 : index
        %get3A_2399 = tpu.vector_load %arg11[%get3A_2397, %get3A_2398] {strides = array<i32>} : memref<256x128xf32, #tpu.memory_space<vmem>>, vector<16xf32>,
        %add3A_2400 = arith.addf %get3A_2391, %get3A_2399 : vector<16xf32>
        %add3A_2401 = arith.addi %mul3A_544, %mul3A_556 : i32
        %add3A_2402 = arith.constant 7 : i32
        %add3A_2403 = arith.addi %add3A_2401, %add3A_2402 : i32
        %get3A_2404 = arith.index_cast %add3A_2403 : i32 to index
        %get3A_2405 = arith.constant 80 : index
        %get3A_2406 = tpu.vector_load %arg12[%get3A_2404, %get3A_2405] {strides = array<i32>} : memref<128x128xf32, #tpu.memory_space<vmem>>, vector<16xf32>,
        %add3A_2407 = arith.addf %add3A_2400, %get3A_2406 : vector<16xf32>
        %max3A_2408 = arith.constant 0.000000e+00 : f32
        %max3A_2409 = vector.broadcast %max3A_2408 : f32 to vector<16xf32>
        %max3A_2410 = arith.maximumf %add3A_2407, %max3A_2409 : vector<16xf32>
        %add3A_2411 = arith.constant 7 : i32
        %add3A_2412 = arith.addi %mul3A_556, %add3A_2411 : i32
        %swap3A_2413 = arith.index_cast %add3A_2412 : i32 to index
        %swap3A_2414 = arith.constant 80 : index
        %swap3A_2415 = tpu.vector_load %arg13[%swap3A_2413, %swap3A_2414] {strides = array<i32>} : memref<64x128xf32, #tpu.memory_space<vmem>>, vector<16xf32>,
        tpu.vector_store %arg13[%swap3A_2413, %swap3A_2414], %max3A_2410 {strides = array<i32>} : memref<64x128xf32, #tpu.memory_space<vmem>>, vector<16xf32>,
        %add3A_2416 = arith.addi %mul3A_542, %mul3A_556 : i32
        %add3A_2417 = arith.constant 7 : i32
        %add3A_2418 = arith.addi %add3A_2416, %add3A_2417 : i32
        %get3A_2419 = arith.index_cast %add3A_2418 : i32 to index
        %get3A_2420 = arith.constant 96 : index
        %get3A_2421 = tpu.vector_load %arg11[%get3A_2419, %get3A_2420] {strides = array<i32>} : memref<256x128xf32, #tpu.memory_space<vmem>>, vector<16xf32>,
        %add3A_2422 = arith.constant 64 : i32
        %add3A_2423 = arith.addi %mul3A_542, %add3A_2422 : i32
        %add3A_2424 = arith.addi %add3A_2423, %mul3A_556 : i32
        %add3A_2425 = arith.constant 7 : i32
        %add3A_2426 = arith.addi %add3A_2424, %add3A_2425 : i32
        %get3A_2427 = arith.index_cast %add3A_2426 : i32 to index
        %get3A_2428 = arith.constant 96 : index
        %get3A_2429 = tpu.vector_load %arg11[%get3A_2427, %get3A_2428] {strides = array<i32>} : memref<256x128xf32, #tpu.memory_space<vmem>>, vector<16xf32>,
        %add3A_2430 = arith.addf %get3A_2421, %get3A_2429 : vector<16xf32>
        %add3A_2431 = arith.addi %mul3A_544, %mul3A_556 : i32
        %add3A_2432 = arith.constant 7 : i32
        %add3A_2433 = arith.addi %add3A_2431, %add3A_2432 : i32
        %get3A_2434 = arith.index_cast %add3A_2433 : i32 to index
        %get3A_2435 = arith.constant 96 : index
        %get3A_2436 = tpu.vector_load %arg12[%get3A_2434, %get3A_2435] {strides = array<i32>} : memref<128x128xf32, #tpu.memory_space<vmem>>, vector<16xf32>,
        %add3A_2437 = arith.addf %add3A_2430, %get3A_2436 : vector<16xf32>
        %max3A_2438 = arith.constant 0.000000e+00 : f32
        %max3A_2439 = vector.broadcast %max3A_2438 : f32 to vector<16xf32>
        %max3A_2440 = arith.maximumf %add3A_2437, %max3A_2439 : vector<16xf32>
        %add3A_2441 = arith.constant 7 : i32
        %add3A_2442 = arith.addi %mul3A_556, %add3A_2441 : i32
        %swap3A_2443 = arith.index_cast %add3A_2442 : i32 to index
        %swap3A_2444 = arith.constant 96 : index
        %swap3A_2445 = tpu.vector_load %arg13[%swap3A_2443, %swap3A_2444] {strides = array<i32>} : memref<64x128xf32, #tpu.memory_space<vmem>>, vector<16xf32>,
        tpu.vector_store %arg13[%swap3A_2443, %swap3A_2444], %max3A_2440 {strides = array<i32>} : memref<64x128xf32, #tpu.memory_space<vmem>>, vector<16xf32>,
        %add3A_2446 = arith.addi %mul3A_542, %mul3A_556 : i32
        %add3A_2447 = arith.constant 7 : i32
        %add3A_2448 = arith.addi %add3A_2446, %add3A_2447 : i32
        %get3A_2449 = arith.index_cast %add3A_2448 : i32 to index
        %get3A_2450 = arith.constant 112 : index
        %get3A_2451 = tpu.vector_load %arg11[%get3A_2449, %get3A_2450] {strides = array<i32>} : memref<256x128xf32, #tpu.memory_space<vmem>>, vector<16xf32>,
        %add3A_2452 = arith.constant 64 : i32
        %add3A_2453 = arith.addi %mul3A_542, %add3A_2452 : i32
        %add3A_2454 = arith.addi %add3A_2453, %mul3A_556 : i32
        %add3A_2455 = arith.constant 7 : i32
        %add3A_2456 = arith.addi %add3A_2454, %add3A_2455 : i32
        %get3A_2457 = arith.index_cast %add3A_2456 : i32 to index
        %get3A_2458 = arith.constant 112 : index
        %get3A_2459 = tpu.vector_load %arg11[%get3A_2457, %get3A_2458] {strides = array<i32>} : memref<256x128xf32, #tpu.memory_space<vmem>>, vector<16xf32>,
        %add3A_2460 = arith.addf %get3A_2451, %get3A_2459 : vector<16xf32>
        %add3A_2461 = arith.addi %mul3A_544, %mul3A_556 : i32
        %add3A_2462 = arith.constant 7 : i32
        %add3A_2463 = arith.addi %add3A_2461, %add3A_2462 : i32
        %get3A_2464 = arith.index_cast %add3A_2463 : i32 to index
        %get3A_2465 = arith.constant 112 : index
        %get3A_2466 = tpu.vector_load %arg12[%get3A_2464, %get3A_2465] {strides = array<i32>} : memref<128x128xf32, #tpu.memory_space<vmem>>, vector<16xf32>,
        %add3A_2467 = arith.addf %add3A_2460, %get3A_2466 : vector<16xf32>
        %max3A_2468 = arith.constant 0.000000e+00 : f32
        %max3A_2469 = vector.broadcast %max3A_2468 : f32 to vector<16xf32>
        %max3A_2470 = arith.maximumf %add3A_2467, %max3A_2469 : vector<16xf32>
        %add3A_2471 = arith.constant 7 : i32
        %add3A_2472 = arith.addi %mul3A_556, %add3A_2471 : i32
        %swap3A_2473 = arith.index_cast %add3A_2472 : i32 to index
        %swap3A_2474 = arith.constant 112 : index
        %swap3A_2475 = tpu.vector_load %arg13[%swap3A_2473, %swap3A_2474] {strides = array<i32>} : memref<64x128xf32, #tpu.memory_space<vmem>>, vector<16xf32>,
        tpu.vector_store %arg13[%swap3A_2473, %swap3A_2474], %max3A_2470 {strides = array<i32>} : memref<64x128xf32, #tpu.memory_space<vmem>>, vector<16xf32>,
        %scan3A_2476 = arith.constant 0 : i32
        scf.yield %scan3A_2476 : i32
      }
      %scan3A_551 = arith.constant 8 : i32
      "tpu.region"() ({
        %run_scoped3A = tpu.sem_alloc : memref<!tpu.dma_semaphore, #tpu.memory_space<semaphore_mem>>
        %dma_start3A_553 = arith.constant 0 : i32
        %dma_start3A_554 = tpu.memref_slice %arg10[%rem3A_267, %dma_start3A_553] : memref<2x64xi32, #tpu.memory_space<vmem>> -> memref<1x64xi32, #tpu.memory_space<vmem>>
        %dma_start3A_555 = tpu.memref_squeeze %dma_start3A_554 : memref<1x64xi32, #tpu.memory_space<vmem>> -> memref<64xi32, #tpu.memory_space<vmem>>
        %dma_start3A_556 = arith.constant 0 : i32
        %dma_start3A_557 = arith.constant 0 : i32
        %dma_start3A_558 = tpu.memref_slice %arg15[%dma_start3A_556, %dma_start3A_557] : memref<5248x128xf32, #tpu.memory_space<vmem_shared>> -> memref<5248x128xf32, #tpu.memory_space<vmem_shared>>
        tpu.enqueue_indirect_dma source(%arg13 : memref<64x128xf32, #tpu.memory_space<vmem>>) target(%dma_start3A_558 : memref<5248x128xf32, #tpu.memory_space<vmem_shared>>) offsets(%dma_start3A_555 : memref<64xi32, #tpu.memory_space<vmem>>) semaphore(%run_scoped3A : memref<!tpu.dma_semaphore, #tpu.memory_space<semaphore_mem>>) {add = true}
        %dma_wait3A_559 = arith.constant 0 : i32
        %dma_wait3A_560 = tpu.memref_slice %arg10[%rem3A_267, %dma_wait3A_559] : memref<2x64xi32, #tpu.memory_space<vmem>> -> memref<1x64xi32, #tpu.memory_space<vmem>>
        %dma_wait3A_561 = tpu.memref_squeeze %dma_wait3A_560 : memref<1x64xi32, #tpu.memory_space<vmem>> -> memref<64xi32, #tpu.memory_space<vmem>>
        %dma_wait3A_562 = arith.constant 0 : i32
        %dma_wait3A_563 = arith.constant 0 : i32
        %dma_wait3A_564 = tpu.memref_slice %arg15[%dma_wait3A_562, %dma_wait3A_563] : memref<5248x128xf32, #tpu.memory_space<vmem_shared>> -> memref<5248x128xf32, #tpu.memory_space<vmem_shared>>
        tpu.wait_indirect_dma semaphore(%run_scoped3A : memref<!tpu.dma_semaphore, #tpu.memory_space<semaphore_mem>>) src(%arg13 : memref<64x128xf32, #tpu.memory_space<vmem>>) dst(%dma_wait3A_564 : memref<5248x128xf32, #tpu.memory_space<vmem_shared>>)
        tpu.yield
      }) : () -> ()
      %scan3A_552 = arith.constant 0 : i32
      scf.yield %scan3A_552 : i32
    }
    %scan3A_219 = arith.constant 313 : i32
    %dma_wait3A = arith.constant 128 : i32
    %dma_wait3A_220 = arith.constant 0 : i32
    %dma_wait3A_221 = tpu.memref_slice %arg11[%dma_wait3A, %dma_wait3A_220] : memref<256x128xf32, #tpu.memory_space<vmem>> -> memref<128x128xf32, #tpu.memory_space<vmem>>
    %dma_wait3A_222 = arith.constant 0 : i32
    %dma_wait3A_223 = arith.constant 0 : i32
    %dma_wait3A_224 = tpu.memref_slice %arg2[%dma_wait3A_222, %dma_wait3A_223] : memref<20000x128xf32, #tpu.memory_space<hbm>> -> memref<128x128xf32, #tpu.memory_space<hbm>>
    %dma_wait3A_225 = arith.constant 128 : i32
    %dma_wait3A_226 = arith.constant 0 : i32
    %dma_wait3A_227 = tpu.memref_slice %arg11[%dma_wait3A_225, %dma_wait3A_226] : memref<256x128xf32, #tpu.memory_space<vmem>> -> memref<128x128xf32, #tpu.memory_space<vmem>>
    %dma_wait3A_228 = arith.constant 0 : i32
    %dma_wait3A_229 = arith.constant 0 : i32
    %dma_wait3A_230 = tpu.memref_slice %arg2[%dma_wait3A_228, %dma_wait3A_229] : memref<20000x128xf32, #tpu.memory_space<hbm>> -> memref<128x128xf32, #tpu.memory_space<hbm>>
    tpu.wait_dma2 semaphore(%arg16 : memref<!tpu.dma_semaphore, #tpu.memory_space<semaphore_mem>>) src(%dma_wait3A_230 : memref<128x128xf32, #tpu.memory_space<hbm>>) dst(%dma_wait3A_227 : memref<128x128xf32, #tpu.memory_space<vmem>>)
    %dma_wait3A_231 = arith.constant 64 : i32
    %dma_wait3A_232 = arith.constant 0 : i32
    %dma_wait3A_233 = tpu.memref_slice %arg12[%dma_wait3A_231, %dma_wait3A_232] : memref<128x128xf32, #tpu.memory_space<vmem>> -> memref<64x128xf32, #tpu.memory_space<vmem>>
    %dma_wait3A_234 = arith.constant 0 : i32
    %dma_wait3A_235 = arith.constant 0 : i32
    %dma_wait3A_236 = tpu.memref_slice %arg3[%dma_wait3A_234, %dma_wait3A_235] : memref<320000x128xf32, #tpu.memory_space<hbm>> -> memref<64x128xf32, #tpu.memory_space<hbm>>
    %dma_wait3A_237 = arith.constant 64 : i32
    %dma_wait3A_238 = arith.constant 0 : i32
    %dma_wait3A_239 = tpu.memref_slice %arg12[%dma_wait3A_237, %dma_wait3A_238] : memref<128x128xf32, #tpu.memory_space<vmem>> -> memref<64x128xf32, #tpu.memory_space<vmem>>
    %dma_wait3A_240 = arith.constant 0 : i32
    %dma_wait3A_241 = arith.constant 0 : i32
    %dma_wait3A_242 = tpu.memref_slice %arg3[%dma_wait3A_240, %dma_wait3A_241] : memref<320000x128xf32, #tpu.memory_space<hbm>> -> memref<64x128xf32, #tpu.memory_space<hbm>>
    tpu.wait_dma2 semaphore(%arg17 : memref<!tpu.dma_semaphore, #tpu.memory_space<semaphore_mem>>) src(%dma_wait3A_242 : memref<64x128xf32, #tpu.memory_space<hbm>>) dst(%dma_wait3A_239 : memref<64x128xf32, #tpu.memory_space<vmem>>)
    %dma_wait3A_243 = arith.constant 0 : i32
    %dma_wait3A_244 = tpu.memref_slice %arg8[%dma_wait3A_243] : memref<256xi32, #tpu.memory_space<vmem>> -> memref<64xi32, #tpu.memory_space<vmem>>
    %dma_wait3A_245 = arith.constant 0 : i32
    %dma_wait3A_246 = tpu.memref_slice %arg4[%dma_wait3A_245] : memref<320000xi32, #tpu.memory_space<hbm>> -> memref<64xi32, #tpu.memory_space<hbm>>
    %dma_wait3A_247 = arith.constant 0 : i32
    %dma_wait3A_248 = tpu.memref_slice %arg8[%dma_wait3A_247] : memref<256xi32, #tpu.memory_space<vmem>> -> memref<64xi32, #tpu.memory_space<vmem>>
    %dma_wait3A_249 = arith.constant 0 : i32
    %dma_wait3A_250 = tpu.memref_slice %arg4[%dma_wait3A_249] : memref<320000xi32, #tpu.memory_space<hbm>> -> memref<64xi32, #tpu.memory_space<hbm>>
    tpu.wait_dma2 semaphore(%arg18 : memref<!tpu.dma_semaphore, #tpu.memory_space<semaphore_mem>>) src(%dma_wait3A_250 : memref<64xi32, #tpu.memory_space<hbm>>) dst(%dma_wait3A_248 : memref<64xi32, #tpu.memory_space<vmem>>)
    %dma_wait3A_251 = arith.constant 0 : i32
    %dma_wait3A_252 = tpu.memref_slice %arg9[%dma_wait3A_251] : memref<128xi32, #tpu.memory_space<vmem>> -> memref<64xi32, #tpu.memory_space<vmem>>
    %dma_wait3A_253 = arith.constant 0 : i32
    %dma_wait3A_254 = tpu.memref_slice %arg5[%dma_wait3A_253] : memref<320000xi32, #tpu.memory_space<hbm>> -> memref<64xi32, #tpu.memory_space<hbm>>
    %dma_wait3A_255 = arith.constant 0 : i32
    %dma_wait3A_256 = tpu.memref_slice %arg9[%dma_wait3A_255] : memref<128xi32, #tpu.memory_space<vmem>> -> memref<64xi32, #tpu.memory_space<vmem>>
    %dma_wait3A_257 = arith.constant 0 : i32
    %dma_wait3A_258 = tpu.memref_slice %arg5[%dma_wait3A_257] : memref<320000xi32, #tpu.memory_space<hbm>> -> memref<64xi32, #tpu.memory_space<hbm>>
    tpu.wait_dma2 semaphore(%arg18 : memref<!tpu.dma_semaphore, #tpu.memory_space<semaphore_mem>>) src(%dma_wait3A_258 : memref<64xi32, #tpu.memory_space<hbm>>) dst(%dma_wait3A_256 : memref<64xi32, #tpu.memory_space<vmem>>)
    %barrier3A_259 = arith.constant 0 : index
    tpu.barrier barrier_id(%barrier3A_259)
    %mul3A_260 = arith.constant 328 : i32
    %mul3A_261 = arith.muli %arg1, %mul3A_260 : i32
    "tpu.region"() ({
      %run_scoped3A = tpu.sem_alloc : memref<!tpu.dma_semaphore, #tpu.memory_space<semaphore_mem>>
      %dma_start3A_265 = arith.constant 0 : i32
      %dma_start3A_266 = tpu.memref_slice %arg6[%arg0, %mul3A_261, %dma_start3A_265] : memref<2x5248x128xf32, #tpu.memory_space<hbm>> -> memref<1x328x128xf32, #tpu.memory_space<hbm>>
      %dma_start3A_267 = tpu.memref_squeeze %dma_start3A_266 : memref<1x328x128xf32, #tpu.memory_space<hbm>> -> memref<328x128xf32, #tpu.memory_space<hbm>>
      %dma_start3A_268 = arith.constant 0 : i32
      %dma_start3A_269 = tpu.memref_slice %arg15[%mul3A_261, %dma_start3A_268] : memref<5248x128xf32, #tpu.memory_space<vmem_shared>> -> memref<328x128xf32, #tpu.memory_space<vmem_shared>>
      tpu.enqueue_dma source(%dma_start3A_269 : memref<328x128xf32, #tpu.memory_space<vmem_shared>>) target(%dma_start3A_267 : memref<328x128xf32, #tpu.memory_space<hbm>>) target_semaphore(%run_scoped3A : memref<!tpu.dma_semaphore, #tpu.memory_space<semaphore_mem>>)
      %dma_wait3A_270 = arith.constant 0 : i32
      %dma_wait3A_271 = tpu.memref_slice %arg6[%arg0, %mul3A_261, %dma_wait3A_270] : memref<2x5248x128xf32, #tpu.memory_space<hbm>> -> memref<1x328x128xf32, #tpu.memory_space<hbm>>
      %dma_wait3A_272 = tpu.memref_squeeze %dma_wait3A_271 : memref<1x328x128xf32, #tpu.memory_space<hbm>> -> memref<328x128xf32, #tpu.memory_space<hbm>>
      %dma_wait3A_273 = arith.constant 0 : i32
      %dma_wait3A_274 = tpu.memref_slice %arg15[%mul3A_261, %dma_wait3A_273] : memref<5248x128xf32, #tpu.memory_space<vmem_shared>> -> memref<328x128xf32, #tpu.memory_space<vmem_shared>>
      tpu.wait_dma2 semaphore(%run_scoped3A : memref<!tpu.dma_semaphore, #tpu.memory_space<semaphore_mem>>) src(%dma_wait3A_274 : memref<328x128xf32, #tpu.memory_space<vmem_shared>>) dst(%dma_wait3A_272 : memref<328x128xf32, #tpu.memory_space<hbm>>)
      tpu.yield
    }) : () -> ()
    %mul3A_262 = arith.constant 16 : i32
    %mul3A_263 = arith.muli %arg0, %mul3A_262 : i32
    %add3A_264 = arith.addi %mul3A_263, %arg1 : i32
    "tpu.region"() ({
      %run_scoped3A = tpu.sem_alloc : memref<!tpu.dma_semaphore, #tpu.memory_space<semaphore_mem>>
      %dma_start3A_265 = arith.constant 0 : i32
      %dma_start3A_266 = tpu.memref_slice %arg7[%add3A_264, %dma_start3A_265] : memref<32x10240xf32, #tpu.memory_space<hbm>> -> memref<1x10240xf32, #tpu.memory_space<hbm>>
      %dma_start3A_267 = tpu.memref_squeeze %dma_start3A_266 : memref<1x10240xf32, #tpu.memory_space<hbm>> -> memref<10240xf32, #tpu.memory_space<hbm>>
      %dma_start3A_268 = arith.constant 0 : i32
      %dma_start3A_269 = tpu.memref_slice %arg7[%add3A_264, %dma_start3A_268] : memref<32x10240xf32, #tpu.memory_space<hbm>> -> memref<1x10240xf32, #tpu.memory_space<hbm>>
      %dma_start3A_270 = tpu.memref_squeeze %dma_start3A_269 : memref<1x10240xf32, #tpu.memory_space<hbm>> -> memref<10240xf32, #tpu.memory_space<hbm>>
      tpu.enqueue_dma source(%arg14 : memref<10240xf32, #tpu.memory_space<vmem>>) target(%dma_start3A_270 : memref<10240xf32, #tpu.memory_space<hbm>>) target_semaphore(%run_scoped3A : memref<!tpu.dma_semaphore, #tpu.memory_space<semaphore_mem>>)
      %dma_wait3A_271 = arith.constant 0 : i32
      %dma_wait3A_272 = tpu.memref_slice %arg7[%add3A_264, %dma_wait3A_271] : memref<32x10240xf32, #tpu.memory_space<hbm>> -> memref<1x10240xf32, #tpu.memory_space<hbm>>
      %dma_wait3A_273 = tpu.memref_squeeze %dma_wait3A_272 : memref<1x10240xf32, #tpu.memory_space<hbm>> -> memref<10240xf32, #tpu.memory_space<hbm>>
      %dma_wait3A_274 = arith.constant 0 : i32
      %dma_wait3A_275 = tpu.memref_slice %arg7[%add3A_264, %dma_wait3A_274] : memref<32x10240xf32, #tpu.memory_space<hbm>> -> memref<1x10240xf32, #tpu.memory_space<hbm>>
      %dma_wait3A_276 = tpu.memref_squeeze %dma_wait3A_275 : memref<1x10240xf32, #tpu.memory_space<hbm>> -> memref<10240xf32, #tpu.memory_space<hbm>>
      tpu.wait_dma2 semaphore(%run_scoped3A : memref<!tpu.dma_semaphore, #tpu.memory_space<semaphore_mem>>) src(%arg14 : memref<10240xf32, #tpu.memory_space<vmem>>) dst(%dma_wait3A_276 : memref<10240xf32, #tpu.memory_space<hbm>>)
      tpu.yield
    }) : () -> ()
    return
  }
}

module attributes {stable_mosaic.version = 14 : i64} {
  func.func @_node_mm_body(%arg0: i32, %arg1: memref<1000x128xf32, #tpu.memory_space<vmem>>, %arg2: memref<1x128x128xf32, #tpu.memory_space<vmem>>, %arg3: memref<1000x128xf32, #tpu.memory_space<vmem>>) attributes {dimension_semantics = [#tpu.dimension_semantics<arbitrary>], iteration_bounds = array<i64: 20>, scalar_prefetch = 0 : i64, scratch_operands = 0 : i64, tpu.core_type = #tpu.core_type<tc>, window_params = [{transform_indices = @transform_0, window_bounds = array<i64: 1000, 128>}, {transform_indices = @transform_1, window_bounds = array<i64: 1, 128, 128>}, {transform_indices = @transform_2, window_bounds = array<i64: 1000, 128>}]} {
    %get3A = arith.constant 0 : index
    %get3A_0 = arith.constant 0 : index
    %get3A_1 = vector.load %arg1[%get3A, %get3A_0] : memref<1000x128xf32, #tpu.memory_space<vmem>>, vector<1000x128xf32>
    %get3A_2 = arith.constant 0 : index
    %get3A_3 = arith.constant 0 : index
    %get3A_4 = arith.constant 0 : index
    %get3A_5 = vector.load %arg2[%get3A_2, %get3A_3, %get3A_4] : memref<1x128x128xf32, #tpu.memory_space<vmem>>, vector<1x128x128xf32>
    %get3A_6 = vector.shape_cast %get3A_5 : vector<1x128x128xf32> to vector<128x128xf32>
    %dot_general3A = arith.constant dense<0.000000e+00> : vector<1000x128xf32>
    %dot_general3A_7 = tpu.matmul %get3A_1, %get3A_6, %dot_general3A {dimension_numbers = #tpu.dot_dimension_numbers<[1], [0], [0], [1], [0, 0, 1, 1], [], []>, transpose_lhs_hint = false} : vector<1000x128xf32>, vector<128x128xf32>, vector<1000x128xf32> -> vector<1000x128xf32>
    %swap3A = arith.constant 0 : index
    %swap3A_8 = arith.constant 0 : index
    %swap3A_9 = vector.load %arg3[%swap3A, %swap3A_8] : memref<1000x128xf32, #tpu.memory_space<vmem>>, vector<1000x128xf32>
    tpu.vector_store %arg3[%swap3A, %swap3A_8], %dot_general3A_7 {strides = array<i32>} : memref<1000x128xf32, #tpu.memory_space<vmem>>, vector<1000x128xf32>,
    return
  }
  func.func @transform_0(%arg0: i32) -> (i32, i32) {
    %jit3A = arith.constant 10 : i32
    %eq3A = arith.constant 0 : i32
    %eq3A_0 = arith.cmpi eq, %jit3A, %eq3A : i32
    %jit3A_1 = arith.constant 1 : i32
    %select_n3A = arith.select %eq3A_0, %jit3A_1, %jit3A : i32
    %rem3A = arith.remsi %arg0, %select_n3A : i32
    %ne3A = arith.constant 0 : i32
    %ne3A_2 = arith.cmpi ne, %rem3A, %ne3A : i32
    %lt3A = arith.constant 0 : i32
    %lt3A_3 = arith.cmpi slt, %rem3A, %lt3A : i32
    %lt3A_4 = arith.constant 0 : i32
    %lt3A_5 = arith.cmpi slt, %select_n3A, %lt3A_4 : i32
    %ne3A_6 = arith.xori %lt3A_3, %lt3A_5 : i1
    %and3A = arith.andi %ne3A_6, %ne3A_2 : i1
    %add3A = arith.addi %rem3A, %select_n3A : i32
    %select_n3A_7 = arith.select %and3A, %add3A, %rem3A : i32
    %c0_i32 = arith.constant 0 : i32
    %c0_i32_8 = arith.constant 0 : i32
    return %select_n3A_7, %c0_i32 : i32, i32
  }
  func.func @transform_1(%arg0: i32) -> (i32, i32, i32) {
    %jit3A = arith.constant 10 : i32
    %div3A = arith.divsi %arg0, %jit3A : i32
    %sign3A = arith.constant 0 : i32
    %sign3A_0 = arith.cmpi sgt, %arg0, %sign3A : i32
    %sign3A_1 = arith.extui %sign3A_0 : i1 to i32
    %sign3A_2 = arith.constant 0 : i32
    %sign3A_3 = arith.cmpi slt, %arg0, %sign3A_2 : i32
    %sign3A_4 = arith.extui %sign3A_3 : i1 to i32
    %sign3A_5 = arith.subi %sign3A_1, %sign3A_4 : i32
    %sign3A_6 = arith.constant 0 : i32
    %sign3A_7 = arith.cmpi sgt, %jit3A, %sign3A_6 : i32
    %sign3A_8 = arith.extui %sign3A_7 : i1 to i32
    %sign3A_9 = arith.constant 0 : i32
    %sign3A_10 = arith.cmpi slt, %jit3A, %sign3A_9 : i32
    %sign3A_11 = arith.extui %sign3A_10 : i1 to i32
    %sign3A_12 = arith.subi %sign3A_8, %sign3A_11 : i32
    %ne3A = arith.cmpi ne, %sign3A_5, %sign3A_12 : i32
    %rem3A = arith.remsi %arg0, %jit3A : i32
    %ne3A_13 = arith.constant 0 : i32
    %ne3A_14 = arith.cmpi ne, %rem3A, %ne3A_13 : i32
    %and3A = arith.andi %ne3A, %ne3A_14 : i1
    %sub3A = arith.constant 1 : i32
    %sub3A_15 = arith.subi %div3A, %sub3A : i32
    %select_n3A = arith.select %and3A, %sub3A_15, %div3A : i32
    %c0_i32 = arith.constant 0 : i32
    %c0_i32_16 = arith.constant 0 : i32
    %c0_i32_17 = arith.constant 0 : i32
    return %select_n3A, %c0_i32, %c0_i32_16 : i32, i32, i32
  }
  func.func @transform_2(%arg0: i32) -> (i32, i32) {
    %c0_i32 = arith.constant 0 : i32
    %c0_i32_0 = arith.constant 0 : i32
    return %arg0, %c0_i32 : i32, i32
  }
}

module attributes {stable_mosaic.version = 14 : i64} {
  func.func @_edge_mm_body(%arg0: i32, %arg1: memref<4000x16xf32, #tpu.memory_space<vmem>>, %arg2: memref<16x128xf32, #tpu.memory_space<vmem>>, %arg3: memref<128xf32, #tpu.memory_space<vmem>>, %arg4: memref<4000x128xf32, #tpu.memory_space<vmem>>) attributes {dimension_semantics = [#tpu.dimension_semantics<arbitrary>], iteration_bounds = array<i64: 80>, scalar_prefetch = 0 : i64, scratch_operands = 0 : i64, tpu.core_type = #tpu.core_type<tc>, window_params = [{transform_indices = @transform_0, window_bounds = array<i64: 4000, 16>}, {pipeline_mode = #tpu.pipeline_mode<synchronous>, transform_indices = @transform_1, window_bounds = array<i64: 16, 128>}, {pipeline_mode = #tpu.pipeline_mode<synchronous>, transform_indices = @transform_2, window_bounds = array<i64: 128>}, {transform_indices = @transform_3, window_bounds = array<i64: 4000, 128>}]} {
    %get3A = arith.constant 0 : index
    %get3A_0 = arith.constant 0 : index
    %get3A_1 = vector.load %arg1[%get3A, %get3A_0] : memref<4000x16xf32, #tpu.memory_space<vmem>>, vector<4000x16xf32>
    %get3A_2 = arith.constant 0 : index
    %get3A_3 = arith.constant 0 : index
    %get3A_4 = vector.load %arg2[%get3A_2, %get3A_3] : memref<16x128xf32, #tpu.memory_space<vmem>>, vector<16x128xf32>
    %dot_general3A = arith.constant dense<0.000000e+00> : vector<4000x128xf32>
    %dot_general3A_5 = tpu.matmul %get3A_1, %get3A_4, %dot_general3A {dimension_numbers = #tpu.dot_dimension_numbers<[1], [0], [0], [1], [0, 0, 1, 1], [], []>, transpose_lhs_hint = false} : vector<4000x16xf32>, vector<16x128xf32>, vector<4000x128xf32> -> vector<4000x128xf32>
    %get3A_6 = arith.constant 0 : index
    %get3A_7 = vector.load %arg3[%get3A_6] : memref<128xf32, #tpu.memory_space<vmem>>, vector<128xf32>
    %broadcast_in_dim3A = vector.shape_cast %get3A_7 : vector<128xf32> to vector<1x128xf32>
    %add3A = vector.broadcast %broadcast_in_dim3A : vector<1x128xf32> to vector<4000x128xf32>
    %add3A_8 = arith.addf %dot_general3A_5, %add3A : vector<4000x128xf32>
    %swap3A = arith.constant 0 : index
    %swap3A_9 = arith.constant 0 : index
    %swap3A_10 = vector.load %arg4[%swap3A, %swap3A_9] : memref<4000x128xf32, #tpu.memory_space<vmem>>, vector<4000x128xf32>
    tpu.vector_store %arg4[%swap3A, %swap3A_9], %add3A_8 {strides = array<i32>} : memref<4000x128xf32, #tpu.memory_space<vmem>>, vector<4000x128xf32>,
    return
  }
  func.func @transform_0(%arg0: i32) -> (i32, i32) {
    %c0_i32 = arith.constant 0 : i32
    %c0_i32_0 = arith.constant 0 : i32
    return %arg0, %c0_i32 : i32, i32
  }
  func.func @transform_1(%arg0: i32) -> (i32, i32) {
    %c0_i32 = arith.constant 0 : i32
    %c0_i32_0 = arith.constant 0 : i32
    %c0_i32_1 = arith.constant 0 : i32
    return %c0_i32, %c0_i32_0 : i32, i32
  }
  func.func @transform_2(%arg0: i32) -> i32 {
    %c0_i32 = arith.constant 0 : i32
    %c0_i32_0 = arith.constant 0 : i32
    return %c0_i32 : i32
  }
  func.func @transform_3(%arg0: i32) -> (i32, i32) {
    %c0_i32 = arith.constant 0 : i32
    %c0_i32_0 = arith.constant 0 : i32
    return %arg0, %c0_i32 : i32, i32
  }
}

module attributes {stable_mosaic.version = 14 : i64} {
  func.func @_update_body(%arg0: i32, %arg1: memref<1024x128xf32, #tpu.memory_space<vmem>>, %arg2: memref<1x1024x128xf32, #tpu.memory_space<vmem>>, %arg3: memref<32x1024xf32, #tpu.memory_space<vmem>>, %arg4: memref<256x128xf32, #tpu.memory_space<vmem>>, %arg5: memref<128xf32, #tpu.memory_space<vmem>>, %arg6: memref<128xf32, #tpu.memory_space<vmem>>, %arg7: memref<128xf32, #tpu.memory_space<vmem>>, %arg8: memref<1024x128xf32, #tpu.memory_space<vmem>>) attributes {dimension_semantics = [#tpu.dimension_semantics<arbitrary>], iteration_bounds = array<i64: 10>, scalar_prefetch = 0 : i64, scratch_operands = 0 : i64, tpu.core_type = #tpu.core_type<tc>, window_params = [{transform_indices = @transform_0, window_bounds = array<i64: 1024, 128>}, {transform_indices = @transform_1, window_bounds = array<i64: 1, 1024, 128>}, {transform_indices = @transform_2, window_bounds = array<i64: 32, 1024>}, {pipeline_mode = #tpu.pipeline_mode<synchronous>, transform_indices = @transform_3, window_bounds = array<i64: 256, 128>}, {pipeline_mode = #tpu.pipeline_mode<synchronous>, transform_indices = @transform_4, window_bounds = array<i64: 128>}, {pipeline_mode = #tpu.pipeline_mode<synchronous>, transform_indices = @transform_5, window_bounds = array<i64: 128>}, {pipeline_mode = #tpu.pipeline_mode<synchronous>, transform_indices = @transform_6, window_bounds = array<i64: 128>}, {transform_indices = @transform_7, window_bounds = array<i64: 1024, 128>}]} {
    %get3A = arith.constant 0 : index
    %get3A_0 = arith.constant 0 : index
    %get3A_1 = arith.constant 0 : index
    %get3A_2 = vector.load %arg2[%get3A, %get3A_0, %get3A_1] : memref<1x1024x128xf32, #tpu.memory_space<vmem>>, vector<1x1024x128xf32>
    %get3A_3 = vector.shape_cast %get3A_2 : vector<1x1024x128xf32> to vector<1024x128xf32>
    %get3A_4 = arith.constant 0 : index
    %get3A_5 = arith.constant 0 : index
    %get3A_6 = vector.load %arg3[%get3A_4, %get3A_5] : memref<32x1024xf32, #tpu.memory_space<vmem>>, vector<32x1024xf32>
    %reduce_sum3A = arith.constant dense<0.000000e+00> : vector<1024xf32>
    %reduce_sum3A_7 = vector.multi_reduction <add>, %get3A_6, %reduce_sum3A [0] : vector<32x1024xf32> to vector<1024xf32>
    %mul3A = arith.constant 5.000000e-01 : f32
    %mul3A_8 = vector.broadcast %mul3A : f32 to vector<1024xf32>
    %mul3A_9 = arith.mulf %mul3A_8, %reduce_sum3A_7 : vector<1024xf32>
    %max3A = arith.constant 1.000000e+00 : f32
    %max3A_10 = vector.broadcast %max3A : f32 to vector<1024xf32>
    %max3A_11 = arith.maximumf %mul3A_9, %max3A_10 : vector<1024xf32>
    %broadcast_in_dim3A = vector.shape_cast %max3A_11 : vector<1024xf32> to vector<1024x1xf32>
    %div3A = vector.broadcast %broadcast_in_dim3A : vector<1024x1xf32> to vector<1024x128xf32>
    %div3A_12 = arith.divf %get3A_3, %div3A : vector<1024x128xf32>
    %get3A_13 = arith.constant 0 : index
    %get3A_14 = arith.constant 0 : index
    %get3A_15 = vector.load %arg1[%get3A_13, %get3A_14] : memref<1024x128xf32, #tpu.memory_space<vmem>>, vector<1024x128xf32>
    %get3A_16 = arith.constant 0 : index
    %get3A_17 = arith.constant 0 : index
    %get3A_18 = vector.load %arg4[%get3A_16, %get3A_17] : memref<256x128xf32, #tpu.memory_space<vmem>>, vector<256x128xf32>
    %slice3A = vector.extract_strided_slice %get3A_18 {offsets = [0, 0], sizes = [128, 128], strides = [1, 1]} : vector<256x128xf32> to vector<128x128xf32>
    %dot_general3A = arith.constant dense<0.000000e+00> : vector<1024x128xf32>
    %dot_general3A_19 = tpu.matmul %get3A_15, %slice3A, %dot_general3A {dimension_numbers = #tpu.dot_dimension_numbers<[1], [0], [0], [1], [0, 0, 1, 1], [], []>, transpose_lhs_hint = false} : vector<1024x128xf32>, vector<128x128xf32>, vector<1024x128xf32> -> vector<1024x128xf32>
    %slice3A_20 = vector.extract_strided_slice %get3A_18 {offsets = [128, 0], sizes = [128, 128], strides = [1, 1]} : vector<256x128xf32> to vector<128x128xf32>
    %dot_general3A_21 = arith.constant dense<0.000000e+00> : vector<1024x128xf32>
    %dot_general3A_22 = tpu.matmul %div3A_12, %slice3A_20, %dot_general3A_21 {dimension_numbers = #tpu.dot_dimension_numbers<[1], [0], [0], [1], [0, 0, 1, 1], [], []>, transpose_lhs_hint = false} : vector<1024x128xf32>, vector<128x128xf32>, vector<1024x128xf32> -> vector<1024x128xf32>
    %add3A = arith.addf %dot_general3A_19, %dot_general3A_22 : vector<1024x128xf32>
    %get3A_23 = arith.constant 0 : index
    %get3A_24 = vector.load %arg5[%get3A_23] : memref<128xf32, #tpu.memory_space<vmem>>, vector<128xf32>
    %broadcast_in_dim3A_25 = vector.shape_cast %get3A_24 : vector<128xf32> to vector<1x128xf32>
    %add3A_26 = vector.broadcast %broadcast_in_dim3A_25 : vector<1x128xf32> to vector<1024x128xf32>
    %add3A_27 = arith.addf %add3A, %add3A_26 : vector<1024x128xf32>
    %max3A_28 = arith.constant 0.000000e+00 : f32
    %max3A_29 = vector.broadcast %max3A_28 : f32 to vector<1024x128xf32>
    %max3A_30 = arith.maximumf %add3A_27, %max3A_29 : vector<1024x128xf32>
    %add3A_31 = arith.addf %get3A_15, %max3A_30 : vector<1024x128xf32>
    %reduce_sum3A_32 = arith.constant dense<0.000000e+00> : vector<1024xf32>
    %reduce_sum3A_33 = vector.multi_reduction <add>, %add3A_31, %reduce_sum3A_32 [1] : vector<1024x128xf32> to vector<1024xf32>
    %broadcast_in_dim3A_34 = vector.shape_cast %reduce_sum3A_33 : vector<1024xf32> to vector<1024x1xf32>
    %div3A_35 = arith.constant 1.280000e+02 : f32
    %div3A_36 = vector.broadcast %div3A_35 : f32 to vector<1024x1xf32>
    %div3A_37 = arith.divf %broadcast_in_dim3A_34, %div3A_36 : vector<1024x1xf32>
    %sub3A = vector.broadcast %div3A_37 : vector<1024x1xf32> to vector<1024x128xf32>
    %sub3A_38 = arith.subf %add3A_31, %sub3A : vector<1024x128xf32>
    %integer_pow3A = arith.mulf %sub3A_38, %sub3A_38 : vector<1024x128xf32>
    %reduce_sum3A_39 = arith.constant dense<0.000000e+00> : vector<1024xf32>
    %reduce_sum3A_40 = vector.multi_reduction <add>, %integer_pow3A, %reduce_sum3A_39 [1] : vector<1024x128xf32> to vector<1024xf32>
    %broadcast_in_dim3A_41 = vector.shape_cast %reduce_sum3A_40 : vector<1024xf32> to vector<1024x1xf32>
    %div3A_42 = arith.constant 1.280000e+02 : f32
    %div3A_43 = vector.broadcast %div3A_42 : f32 to vector<1024x1xf32>
    %div3A_44 = arith.divf %broadcast_in_dim3A_41, %div3A_43 : vector<1024x1xf32>
    %get3A_45 = arith.constant 0 : index
    %get3A_46 = vector.load %arg6[%get3A_45] : memref<128xf32, #tpu.memory_space<vmem>>, vector<128xf32>
    %sub3A_47 = vector.broadcast %div3A_37 : vector<1024x1xf32> to vector<1024x128xf32>
    %sub3A_48 = arith.subf %add3A_31, %sub3A_47 : vector<1024x128xf32>
    %broadcast_in_dim3A_49 = vector.shape_cast %get3A_46 : vector<128xf32> to vector<1x128xf32>
    %mul3A_50 = vector.broadcast %broadcast_in_dim3A_49 : vector<1x128xf32> to vector<1024x128xf32>
    %mul3A_51 = arith.mulf %mul3A_50, %sub3A_48 : vector<1024x128xf32>
    %add3A_52 = arith.constant 9.99999974E-6 : f32
    %add3A_53 = vector.broadcast %add3A_52 : f32 to vector<1024x1xf32>
    %add3A_54 = arith.addf %div3A_44, %add3A_53 : vector<1024x1xf32>
    %rsqrt3A = math.rsqrt %add3A_54 : vector<1024x1xf32>
    %mul3A_55 = vector.broadcast %rsqrt3A : vector<1024x1xf32> to vector<1024x128xf32>
    %mul3A_56 = arith.mulf %mul3A_51, %mul3A_55 : vector<1024x128xf32>
    %get3A_57 = arith.constant 0 : index
    %get3A_58 = vector.load %arg7[%get3A_57] : memref<128xf32, #tpu.memory_space<vmem>>, vector<128xf32>
    %broadcast_in_dim3A_59 = vector.shape_cast %get3A_58 : vector<128xf32> to vector<1x128xf32>
    %add3A_60 = vector.broadcast %broadcast_in_dim3A_59 : vector<1x128xf32> to vector<1024x128xf32>
    %add3A_61 = arith.addf %mul3A_56, %add3A_60 : vector<1024x128xf32>
    %swap3A = arith.constant 0 : index
    %swap3A_62 = arith.constant 0 : index
    %swap3A_63 = vector.load %arg8[%swap3A, %swap3A_62] : memref<1024x128xf32, #tpu.memory_space<vmem>>, vector<1024x128xf32>
    tpu.vector_store %arg8[%swap3A, %swap3A_62], %add3A_61 {strides = array<i32>} : memref<1024x128xf32, #tpu.memory_space<vmem>>, vector<1024x128xf32>,
    return
  }
  func.func @transform_0(%arg0: i32) -> (i32, i32) {
    %c0_i32 = arith.constant 0 : i32
    %c0_i32_0 = arith.constant 0 : i32
    return %arg0, %c0_i32 : i32, i32
  }
  func.func @transform_1(%arg0: i32) -> (i32, i32, i32) {
    %jit3A = arith.constant 5 : i32
    %div3A = arith.divsi %arg0, %jit3A : i32
    %sign3A = arith.constant 0 : i32
    %sign3A_0 = arith.cmpi sgt, %arg0, %sign3A : i32
    %sign3A_1 = arith.extui %sign3A_0 : i1 to i32
    %sign3A_2 = arith.constant 0 : i32
    %sign3A_3 = arith.cmpi slt, %arg0, %sign3A_2 : i32
    %sign3A_4 = arith.extui %sign3A_3 : i1 to i32
    %sign3A_5 = arith.subi %sign3A_1, %sign3A_4 : i32
    %sign3A_6 = arith.constant 0 : i32
    %sign3A_7 = arith.cmpi sgt, %jit3A, %sign3A_6 : i32
    %sign3A_8 = arith.extui %sign3A_7 : i1 to i32
    %sign3A_9 = arith.constant 0 : i32
    %sign3A_10 = arith.cmpi slt, %jit3A, %sign3A_9 : i32
    %sign3A_11 = arith.extui %sign3A_10 : i1 to i32
    %sign3A_12 = arith.subi %sign3A_8, %sign3A_11 : i32
    %ne3A = arith.cmpi ne, %sign3A_5, %sign3A_12 : i32
    %rem3A = arith.remsi %arg0, %jit3A : i32
    %ne3A_13 = arith.constant 0 : i32
    %ne3A_14 = arith.cmpi ne, %rem3A, %ne3A_13 : i32
    %and3A = arith.andi %ne3A, %ne3A_14 : i1
    %sub3A = arith.constant 1 : i32
    %sub3A_15 = arith.subi %div3A, %sub3A : i32
    %select_n3A = arith.select %and3A, %sub3A_15, %div3A : i32
    %jit3A_16 = arith.constant 5 : i32
    %eq3A = arith.constant 0 : i32
    %eq3A_17 = arith.cmpi eq, %jit3A_16, %eq3A : i32
    %jit3A_18 = arith.constant 1 : i32
    %select_n3A_19 = arith.select %eq3A_17, %jit3A_18, %jit3A_16 : i32
    %rem3A_20 = arith.remsi %arg0, %select_n3A_19 : i32
    %ne3A_21 = arith.constant 0 : i32
    %ne3A_22 = arith.cmpi ne, %rem3A_20, %ne3A_21 : i32
    %lt3A = arith.constant 0 : i32
    %lt3A_23 = arith.cmpi slt, %rem3A_20, %lt3A : i32
    %lt3A_24 = arith.constant 0 : i32
    %lt3A_25 = arith.cmpi slt, %select_n3A_19, %lt3A_24 : i32
    %ne3A_26 = arith.xori %lt3A_23, %lt3A_25 : i1
    %and3A_27 = arith.andi %ne3A_26, %ne3A_22 : i1
    %add3A = arith.addi %rem3A_20, %select_n3A_19 : i32
    %select_n3A_28 = arith.select %and3A_27, %add3A, %rem3A_20 : i32
    %c0_i32 = arith.constant 0 : i32
    %c0_i32_29 = arith.constant 0 : i32
    return %select_n3A, %select_n3A_28, %c0_i32 : i32, i32, i32
  }
  func.func @transform_2(%arg0: i32) -> (i32, i32) {
    %c0_i32 = arith.constant 0 : i32
    %c0_i32_0 = arith.constant 0 : i32
    return %c0_i32, %arg0 : i32, i32
  }
  func.func @transform_3(%arg0: i32) -> (i32, i32) {
    %c0_i32 = arith.constant 0 : i32
    %c0_i32_0 = arith.constant 0 : i32
    %c0_i32_1 = arith.constant 0 : i32
    return %c0_i32, %c0_i32_0 : i32, i32
  }
  func.func @transform_4(%arg0: i32) -> i32 {
    %c0_i32 = arith.constant 0 : i32
    %c0_i32_0 = arith.constant 0 : i32
    return %c0_i32 : i32
  }
  func.func @transform_5(%arg0: i32) -> i32 {
    %c0_i32 = arith.constant 0 : i32
    %c0_i32_0 = arith.constant 0 : i32
    return %c0_i32 : i32
  }
  func.func @transform_6(%arg0: i32) -> i32 {
    %c0_i32 = arith.constant 0 : i32
    %c0_i32_0 = arith.constant 0 : i32
    return %c0_i32 : i32
  }
  func.func @transform_7(%arg0: i32) -> (i32, i32) {
    %c0_i32 = arith.constant 0 : i32
    %c0_i32_0 = arith.constant 0 : i32
    return %arg0, %c0_i32 : i32, i32
  }
}

</mosaic_0001>

<sc_bundles>
// kernel: kernel.6.cloned.1.call-start
scs
__scs_entry_jumppad:
0x0: {  	(pc) =	sbr.rel $0x88, $3  }
0x1: {  	(tag) =	ssettag $0x0;
	lr =	simm.s32 $0x1  }
0x2: {  	[smem:$0x3F98] =	sst lr;
	_ =	strace $0xD0000000  }
0x3: {  	_ = 	snop  }
0x4: {  	_ = 	snop  }
0x5: {  	_ = 	snop  }
0x6: {  	_ = 	snop  }
0x7: {  	_ = 	snop  }
__scs_overlays_trampoline_lowered:
0x8: {  	[smem:$0x3FA7] =	sst s0  }
0x9: {  	[smem:$0x3FA8] =	sst s1  }
0xa: {  	[smem:$0x3FA9] =	sst s2  }
0xb: {  	[smem:$0x3FAA] =	sst s3  }
0xc: {  	[smem:$0x3FAB] =	sst s4  }
0xd: {  	[smem:$0x3FAC] =	sst s5  }
0xe: {  	[smem:$0x3FAD] =	sst s6  }
0xf: {  	[smem:$0x3FAE] =	sst s7  }
0x10: {  	[smem:$0x3FAF] =	sst s8  }
0x11: {  	[smem:$0x3FB0] =	sst s9;
	s0 =	simm.s32 @!p0 $0x0  }
0x12: {  	s1 =	sld [smem:$0x3F96];
	s0 =	simm.s32 @p0 $0x1  }
0x13: {  	[smem:$0x3FB1] =	sst s0;
	s0 =	simm.s32 @!p1 $0x0  }
0x14: {  	s2 =	sld [smem:$0x3F95];
	s0 =	simm.s32 @p1 $0x1  }
0x15: {  	[smem:$0x3FB2] =	sst s0;
	s0 =	simm.s32 @!p2 $0x0  }
0x16: {  	s3 =	sld [smem:$0x3FDB];
	s0 =	simm.s32 @p2 $0x1  }
0x17: {  	s4 =	simm.s32 $0x1BF5;
	[smem:$0x3FB4] =	sst s0  }
0x18: {  	s0 =	sld [smem:$0x3F97];
	_ =	swait.ge [sflag:s4], $0x0  }
0x19: {  	s7 =	sld [smem:$0x3F98]  }
0x1a: {  	s8 =	sadd.s32 $0xFFFFE003, lr  }
0x1b: {  	s9 =	sadd.s32 $0xFFFFFEF7, lr;
	s5 =	simm.s32 $0xFFFFFFFF;
	p2 =	slt.u32 s8, $0xFFFFF086  }
0x1c: {  	p1 =	slt.u32 s9, $0xF7A;
	s5 =	simm.s32 @!p2 $0x0  }
0x1d: {  	s5 =	simm.s32 @p1 $0x1;
	p0 =	seq.s32 s7, s2  }
0x1e: {  	s7 =	smul.u32 @!p0 $0xF7A, s2;
	p2 =	seq.s32 @!p0 s5, $0x0  }
0x1f: {  	s9 =	smul.u32 $0xF7A, s1;
	s8 =	simm.s32 @!p0 $0x1BF5;
	p2 =	por !p2, p0  }
0x20: {  	[sflag:s8] =	ssyncset.s32 @!p0 $0xFFFFF086;
	s6 =	sadd.s32 @!p0 s3, s7;
	s7 =	simm.s32 @!p0 $0x108  }
0x21: {  	s3 =	sadd.s32 s3, s9;
	s6 =	sadd.s32 @!p0 $0x88, s6;
	s7 =	simm.s32 @p2 $0x1082  }
0x22: {  	[simem:s7], [sflag:s8] =	dma.local @!p0 [hbm:s6], $0xF7A  }
0x23: {  	s9 =	sor.u32 $0xD0000000, s2;
	s6 =	simm.s32 $0x108;
	_ =	swait.ge @!p0 [sflag:s8], $0x0  }
0x24: {  	s3 =	sadd.s32 $0x88, s3;
	s6 =	simm.s32 @!p1 $0x1082;
	[sflag:s4] =	ssyncset.s32 $0xFFFFF086  }
0x25: {  	[simem:s6], [sflag:s4] =	dma.local [hbm:s3], $0xF7A  }
0x26: {  	[smem:$0x3F98] =	sst s1;
	(tag) =	ssettag s2;
	_ =	strace s9  }
0x27: {  	s1 =	sld [smem:$0x3FA8]  }
0x28: {  	s2 =	sld [smem:$0x3FA9]  }
0x29: {  	s4 =	sld [smem:$0x3FAB]  }
0x2a: {  	p0 =	seq.s32 s5, $0x0;
	s5 =	sld [smem:$0x3FAC]  }
0x2b: {  	s6 =	sld [smem:$0x3FAD]  }
0x2c: {  	s7 =	sld [smem:$0x3FAE]  }
0x2d: {  	s3 =	simm.s32 $0x108;
	s8 =	sld [smem:$0x3FAF]  }
0x2e: {  	s3 =	simm.s32 @!p0 $0x1082;
	s9 =	sld [smem:$0x3FB0]  }
0x2f: {  	lr =	sadd.s32 s0, s3;
	s0 =	sld [smem:$0x3FA7]  }
0x30: {  	s3 =	sld [smem:$0x3FAA]  }
0x31: {  	[smem:$0x3FB3] =	sst s10  }
0x32: {  	s10 =	sld [smem:$0x3FB1];
	_ =	sdelay $0x3  }
0x33: {  	p0 =	seq.s32 s10, $0x1;
	s10 =	sld [smem:$0x3FB3];
	_ =	sdelay $0x3  }
0x34: {  	[smem:$0x3FB3] =	sst s10  }
0x35: {  	s10 =	sld [smem:$0x3FB2];
	_ =	sdelay $0x3  }
0x36: {  	p1 =	seq.s32 s10, $0x1;
	s10 =	sld [smem:$0x3FB3];
	_ =	sdelay $0x3  }
0x37: {  	[smem:$0x3FB3] =	sst s10  }
0x38: {  	s10 =	sld [smem:$0x3FB4]  }
0x39: {  	_ = 	snop;
	(pc) =	sbr.ind lr, $3  }
0x3a: {  	_ = 	snop  }
0x3b: {  	_ = 	snop  }
0x3c: {  	p2 =	seq.s32 s10, $0x1;
	s10 =	sld [smem:$0x3FB3]  }
0x3d: {  	_ =	shalt  }
0x3e: {  	_ =	shalt  }
0x3f: {  	_ =	shalt  }
0x40: {  	_ =	shalt  }
0x41: {  	_ =	shalt  }
0x42: {  	_ =	shalt  }
0x43: {  	_ =	shalt  }
0x44: {  	_ =	shalt  }
0x45: {  	_ =	shalt  }
0x46: {  	_ =	shalt  }
0x47: {  	_ =	shalt  }
0x48: {  	_ =	shalt  }
0x49: {  	_ =	shalt  }
0x4a: {  	_ =	shalt  }
0x4b: {  	_ =	shalt  }
0x4c: {  	_ =	shalt  }
0x4d: {  	_ =	shalt  }
0x4e: {  	_ =	shalt  }
0x4f: {  	_ =	shalt  }
0x50: {  	_ =	shalt  }
0x51: {  	_ =	shalt  }
0x52: {  	_ =	shalt  }
0x53: {  	_ =	shalt  }
0x54: {  	_ =	shalt  }
0x55: {  	_ =	shalt  }
0x56: {  	_ =	shalt  }
0x57: {  	_ =	shalt  }
0x58: {  	_ =	shalt  }
0x59: {  	_ =	shalt  }
0x5a: {  	_ =	shalt  }
0x5b: {  	_ =	shalt  }
0x5c: {  	_ =	shalt  }
0x5d: {  	_ =	shalt  }
0x5e: {  	_ =	shalt  }
0x5f: {  	_ =	shalt  }
0x60: {  	_ =	shalt  }
0x61: {  	_ =	shalt  }
0x62: {  	_ =	shalt  }
0x63: {  	_ =	shalt  }
0x64: {  	_ =	shalt  }
0x65: {  	_ =	shalt  }
0x66: {  	_ =	shalt  }
0x67: {  	_ =	shalt  }
0x68: {  	_ =	shalt  }
0x69: {  	_ =	shalt  }
0x6a: {  	_ =	shalt  }
0x6b: {  	_ =	shalt  }
0x6c: {  	_ =	shalt  }
0x6d: {  	_ =	shalt  }
0x6e: {  	_ =	shalt  }
0x6f: {  	_ =	shalt  }
0x70: {  	_ =	shalt  }
0x71: {  	_ =	shalt  }
0x72: {  	_ =	shalt  }
0x73: {  	_ =	shalt  }
0x74: {  	_ =	shalt  }
0x75: {  	_ =	shalt  }
0x76: {  	_ =	shalt  }
0x77: {  	_ =	shalt  }
0x78: {  	_ =	shalt  }
0x79: {  	_ =	shalt  }
0x7a: {  	_ =	shalt  }
0x7b: {  	_ =	shalt  }
0x7c: {  	_ =	shalt  }
0x7d: {  	_ =	shalt  }
0x7e: {  	_ =	shalt  }
0x7f: {  	_ =	shalt  }
0x80: {  	_ =	shalt  }
0x81: {  	_ =	shalt  }
0x82: {  	_ =	shalt  }
0x83: {  	_ =	shalt  }
0x84: {  	_ =	shalt  }
0x85: {  	_ =	shalt  }
0x86: {  	_ =	shalt  }
0x87: {  	_ =	shalt  }
.Lfunc_end0:
.L_simem_size_0:
called_computation_lowered:
.L_overlay_start_0:
0x88: {  	s2 =	sld [smem:$0x3FD9]  }
0x89: {  	s3 =	sld [smem:$0x3FFE];
	_ =	sdelay $0x1  }
0x8a: {  	s1 =	srdreg.scid  }
0x8b: {  	s0 =	sand.u32 $0x1, s1  }
0x8c: {  	s17 =	sshll.u32 s0, $0xA;
	s2 =	sadd.s32 s3, s2  }
0x8d: {  	s2 =	sadd.s32 s2, s17  }
0x8e: {  	[smem:$0x3FBF] =	sst s2  }
0x8f: {  	_ = 	snop  }
0x90: {  	s2 =	sld [smem:$0x3FD0];
	(tm) =	ssettm $0x1  }
0x91: {  	s18 =	sld [smem:$0x3FFB];
	_ =	sdelay $0x3  }
0x92: {  	_ =	strace s18  }
0x93: {  	s3 =	sld [smem:$0x3FFC];
	_ =	sdelay $0x3  }
0x94: {  	_ =	strace s3  }
0x95: {  	s3 =	sld [smem:$0x3FFD];
	_ =	sdelay $0x3  }
0x96: {  	_ =	strace s3  }
0x97: {  	_ =	strace $0x8FFFFFFF  }
0x98: {  	s19 =	sld [smem:$0x3FDB];
	_ =	sdelay $0x1  }
0x99: {  	s4 =	simm.s32 $_scs_section_size  }
0x9a: {  	s5 =	simm.s32 $_size__tile_overlayer_lowered;
	s6 =	simm.s32 $_tile_overlayer_lowered  }
0x9b: {  	s22 =	simm.s32 $0x1BFF;
	s21 =	sshll.u32 s6, $0x1;
	s3 =	sadd.s32 s4, s19  }
0x9c: {  	s7 =	simm.s32 $0x0;
	s20 =	sshll.u32 s5, $0x1;
	s5 =	sadd.s32 s21, s3  }
0x9d: {  	[timem:s7], [sflag:s22] =	dma.local [hbm:s5], s20  }
0x9e: {  	_ =	swait.ge [sflag:s22], s20  }
0x9f: {  	s4 =	ssub.s32 $0x0, s20;
	[sflag:s22] =	ssyncset.done $0x0  }
0xa0: {  	[sflag:s22] =	ssyncadd.s32 s4;
	_ =	sdelay $0x1  }
0xa1: {  	s23 =	simm.s32 $0x1B8B  }
0xa2: {  	_ =	swait.ge [sflag:s23], $0x1  }
0xa3: {  	[sflag:s23] =	ssyncset.done $0x0  }
0xa4: {  	s25 =	simm.s32 $0x1B8E;
	s24 =	sld [smem:$0x3FFE];
	[sflag:s23] =	ssyncadd.s32 $0xFFFFFFFF  }
0xa5: {  	s26 =	simm.s32 $execute0_lowered;
	[smem:$0x3FD2] =	sst s25  }
0xa6: {  	s5 =	sshll.u32 s26, $0x1;
	_ =	strace $0x80000046;
	[dreg:$0x1] =	wrdreg $0xFFFFFFFF  }
0xa7: {  	s28 =	simm.s32 $_size_execute0_lowered;
	s3 =	sadd.s32 s3, s5;
	[dreg:$0x0] =	wrdreg $0x0  }
0xa8: {  	s5 =	sshll.u32 s28, $0x1;
	[dreg:$0x2] =	wrdreg s3  }
0xa9: {  	[dreg:$0x3] =	wrdreg s5  }
0xaa: {  	[dreg:$0x4] =	wrdreg $0xC0  }
0xab: {  	_ =	task [dreg:s7], $0x5FFFF  }
0xac: {  	[dreg:$0x1] =	wrdreg $0xFFFFFFFF  }
0xad: {  	[dreg:$0x0] =	wrdreg $0x60  }
0xae: {  	[dreg:$0x2] =	wrdreg s24  }
0xaf: {  	[dreg:$0x3] =	wrdreg s2  }
0xb0: {  	[dreg:$0x4] =	wrdreg $0x10A800  }
0xb1: {  	[dreg:$0x5] =	wrdreg $0x9  }
0xb2: {  	_ =	task.clear_ibuf [dreg:s7], $0x6FFFF;
	_ =	strace $0x90000046  }
0xb3: {  	s29 =	simm.s32 $0x9;
	_ =	strace $0x80000048  }
0xb4: {  	_ =	swait.ge [sflag:s29], $0x1  }
0xb5: {  	[sflag:s29] =	ssyncadd.s32 $0xFFFFFFFF  }
0xb6: {  	_ =	strace $0x90000048  }
0xb7: {  	_ =	sfence  }
0xb8: {  	s30 =	sld [smem:$0x0];
	_ =	sdelay $0x2  }
0xb9: {  	s31 =	sshll.u32 s1, $0xD;
	s1 =	sshrl.u32 s1, $0x2  }
0xba: {  	s3 =	sand.u32 $0x4000, s31;
	s1 =	sadd.s32 s1, s30  }
0xbb: {  	s0 =	sor.u32 s3, s0;
	s1 =	sshll.u32 s1, $0x11  }
0xbc: {  	s0 =	sor.u32 s1, s0  }
0xbd: {  	s0 =	sadd.s32 $0x8F2B, s0  }
0xbe: {  	[sflag:s0] =	ssyncadd.remote.s32 $0x1  }
0xbf: {  	_ =	sfence.sel $0xFFFF  }
0xc0: {  	[dreg:$0x0] =	wrdreg $0xFFFFFFFF;
	(pc) =	sbr.abs _section_cstart, $3  }
0xc1: {  	[dreg:$0x1] =	wrdreg $0xFFFFFFFF  }
0xc2: {  	_ =	task.clear_ibuf [dreg:s7], $0x2FFFF;
	_ =	strace $0x9FFFFFFF  }
0xc3: {  	(tm) =	ssettm $0x7FFFFFFF  }
tec
execute0_lowered:
.L_overlay_start_1:
0x0: {  	(tag) =	ssettag $0x1  }
0x1: {  	s0 =	rddreg [dreg:$0x0]  }
0x2: {  	s9 =	rddreg [dreg:$0x1]  }
0x3: {  	s1 =	srdreg.scid;
	s2 =	rddreg [dreg:$0x2]  }
0x4: {  	s3 =	simm.s32 $0x0;
	s28 =	simm.s32 $0x80;
	s29 =	simm.s32 $0x2  }
0x5: {  	s30 =	simm.s32 $0x40;
	s10 =	sand.u32 $0x1, s1;
	s1 =	stileid.u32  }
0x6: {  	s31 =	simm.s32 $0x0;
	[smem:$0x7FF] =	sst s3;
	s5 =	smul.u32 $0xA4000, s10  }
0x7: {  	s4 =	sadd.s32 $0x4F8000, s0;
	s6 =	smul.u32 $0xA400, s1;
	_ =	strace $0x80000047  }
0x8: {  	s18 =	ssub.s32 $0x2, s10;
	s12 =	sshll.u32 s1, $0xD;
	s13 =	sor.u32 $0x10, s1  }
0x9: {  	p0 =	seq.s32 s1, $0x0;
	s22 =	sshll.u32 s10, $0x4;
	s23 =	sshll.u32 s1, $0xA  }
0xa: {  	s15 =	sshll.u32 s1, $0x3;
	s10 =	smul.u32 $0x1400, s10;
	s24 =	sshll.u32 s1, $0x7  }
0xb: {  	s11 =	sshrl.u32 s18, $0x1;
	s19 =	sshll.u32 s13, $0xD;
	s13 =	sshll.u32 s13, $0x3  }
0xc: {  	s7 =	sadd.s32 s6, s5;
	s5 =	sadd.s32 $0x546200, s0;
	s6 =	sadd.s32 $0x4EE200, s0  }
0xd: {  	s11 =	ssub.s32 s18, s11;
	s8 =	sshrl.u32 s7, $0x3;
	s7 =	sadd.s32 $0x4E4400, s0  }
0xe: {  	s16 =	sadd.s32 s6, s15;
	s17 =	sadd.s32 s6, s13;
	s0 =	sadd.s32 s8, s0  }
0xf: {  	s8 =	sadd.s32 s12, s2;
	s12 =	sadd.s32 s19, s2;
	[dreg:$0x9] =	wrdreg s16  }
0x10: {  	s15 =	sadd.s32 s7, s15;
	s19 =	smul.u32 $0x29000, s1;
	s16 =	sadd.s32 s5, s23  }
0x11: {  	s18 =	sadd.s32 s7, s13;
	[dreg:$0x4] =	wrdreg s12;
	s12 =	simm.s32 $0xA0000  }
0x12: {  	s14 =	sadd.s32 $0x40000, s8;
	[dreg:$0xa] =	wrdreg s15;
	s12 =	simm.s32 @!p0 $0xA2000  }
0x13: {  	s23 =	simm.s32 $0x4;
	[dreg:$0x5] =	wrdreg s14;
	s12 =	sadd.s32 s12, s2  }
0x14: {  	s20 =	sadd.s32 $0x60000, s8;
	[dreg:$0x8] =	wrdreg s12;
	s12 =	sor.u32 s1, s22  }
0x15: {  	s21 =	sadd.s32 $0x80000, s8;
	[dreg:$0x6] =	wrdreg s20;
	s12 =	sshrl.u32 s12, $0x3  }
0x16: {  	s15 =	sand.u32 $0x380, s24;
	[dreg:$0x7] =	wrdreg s21;
	s12 =	smul.u32 $0x14000, s12  }
0x17: {  	s25 =	sshrl.u32 s19, $0x2;
	s19 =	sadd.s32 $0x2400, s0;
	s21 =	smax.u32 s11, $0x1  }
0x18: {  	s0 =	simm.s32 $0x3;
	s26 =	sadd.s32 s25, s2;
	s12 =	sor.u32 s15, s12  }
0x19: {  	v1 =	vimm.f32 $0.0e+00;
	s25 =	simm.s32 $0x1;
	s22 =	simm.s32 $0xC280;
	s12 =	sshrl.u32 s12, $0x3  }
0x1a: {  	v2 =	vimm.f32 $1.000000000e+00;
	vm0 =	vmxor vm0, vm0;
	v0 =	vmov s10;
	s24 =	sshrl.u32 s26, $0x3;
	s26 =	simm.s32 $0xE280;
	s20 =	sadd.s32 s9, s12  }
.LBB2_1:
0x1b: {  	s9 =	simm.s32 $0x0;
	s10 =	simm.s32 $0x200  }
.LBB2_2:
0x1c: {  	p0 =	sne.s32 s10, $0x7E00;
	[tilespmem:s9+$0xC2F0] =	vst v1  }
0x1d: {  	[tilespmem:s9+$0xC280] =	vst v1  }
0x1e: {  	[tilespmem:s9+$0xC290] =	vst v1  }
.Ltmp0:
0x1f: {  	[tilespmem:s9+$0xC2A0] =	vst v1;
	(pc) =	sbr.rel @p0 .LBB2_2-.Ltmp0, $4  }
0x20: {  	[tilespmem:s9+$0xC2B0] =	vst v1  }
0x21: {  	[tilespmem:s9+$0xC2C0] =	vst v1  }
0x22: {  	[tilespmem:s9+$0xC2D0] =	vst v1  }
0x23: {  	[tilespmem:s9+$0xC2E0] =	vst v1;
	s9 =	sshra.s32 s10, $0x2;
	s10 =	sadd.s32 $0x200, s10  }
0x24: {  	[tilespmem:s9+$0xC2F0] =	vst v1  }
0x25: {  	[tilespmem:s9+$0xC280] =	vst v1  }
0x26: {  	[tilespmem:s9+$0xC290] =	vst v1  }
0x27: {  	[tilespmem:s9+$0xC2A0] =	vst v1  }
0x28: {  	[tilespmem:s9+$0xC2B0] =	vst v1  }
0x29: {  	[tilespmem:s9+$0xC2C0] =	vst v1  }
0x2a: {  	[tilespmem:s9+$0xC2D0] =	vst v1  }
0x2b: {  	[tilespmem:s9+$0xC2E0] =	vst v1;
	s9 =	simm.s32 $0x40;
	s10 =	simm.s32 $0x0  }
.LBB2_4:
0x2c: {  	p0 =	sne.s32 s9, $0x9FC0;
	[tilespmem:s10+$0xE280] =	vst v1;
	s10 =	smov.u32 s9;
	s9 =	sadd.s32 $0x40, s9  }
.Ltmp1:
0x2d: {  	(pc) =	sbr.rel @p0 .LBB2_4-.Ltmp1, $2  }
0x2e: {  	_ =	sdelay $0x2  }
0x2f: {  	s10 =	sshra.s32 s10, $0x2  }
0x30: {  	[tilespmem:s10+$0xE280] =	vst v1  }
0x31: {  	[spmem:s8] =	stream.linear.scatter [tilespmem:s22], [sflag:$0x4], $0x2000, $0x38;
	[tilespmem:$0x1AE80] =	vst v63  }
0x32: {  	_ =	swait.ge [sflag:s23], $0x2000  }
0x33: {  	[sflag:s23] =	ssyncset.done $0x0  }
0x34: {  	s9 =	rddreg [dreg:$0x4];
	[sflag:s23] =	ssyncadd.s32 $0xFFFFE000  }
0x35: {  	[spmem:s9] =	stream.linear.scatter [tilespmem:s22], [sflag:$0x4], $0x2000, $0x38;
	[tilespmem:$0x1AE80] =	vst v63  }
0x36: {  	_ =	swait.ge [sflag:s23], $0x2000  }
0x37: {  	[sflag:s23] =	ssyncset.done $0x0  }
0x38: {  	s12 =	rddreg [dreg:$0x5];
	[sflag:s23] =	ssyncadd.s32 $0xFFFFE000  }
0x39: {  	[spmem:s12] =	stream.linear.scatter [tilespmem:s22], [sflag:$0x4], $0x2000, $0x38;
	[tilespmem:$0x1AE80] =	vst v63  }
0x3a: {  	_ =	swait.ge [sflag:s23], $0x2000  }
0x3b: {  	[sflag:s23] =	ssyncset.done $0x0  }
0x3c: {  	s13 =	rddreg [dreg:$0x6];
	[sflag:s23] =	ssyncadd.s32 $0xFFFFE000  }
0x3d: {  	[spmem:s13] =	stream.linear.scatter [tilespmem:s22], [sflag:$0x4], $0x2000, $0x38;
	[tilespmem:$0x1AE80] =	vst v63  }
0x3e: {  	_ =	swait.ge [sflag:s23], $0x2000  }
0x3f: {  	[sflag:s23] =	ssyncset.done $0x0  }
0x40: {  	s14 =	rddreg [dreg:$0x7];
	[sflag:s23] =	ssyncadd.s32 $0xFFFFE000  }
0x41: {  	[spmem:s14] =	stream.linear.scatter [tilespmem:s22], [sflag:$0x4], $0x2000, $0x38;
	[tilespmem:$0x1AE80] =	vst v63  }
0x42: {  	_ =	swait.ge [sflag:s23], $0x2000  }
0x43: {  	[sflag:s23] =	ssyncset.done $0x0  }
0x44: {  	s15 =	rddreg [dreg:$0x8];
	[sflag:s23] =	ssyncadd.s32 $0xFFFFE000  }
0x45: {  	[spmem:s15] =	stream.linear.scatter [tilespmem:s22], [sflag:$0x4], $0x2000, $0x38;
	[tilespmem:$0x1AE80] =	vst v63  }
0x46: {  	_ =	swait.ge [sflag:s23], $0x2000  }
0x47: {  	[sflag:s23] =	ssyncset.done $0x0  }
0x48: {  	[sflag:s23] =	ssyncadd.s32 $0xFFFFE000  }
0x49: {  	[bflag:$0x0] =	sbarrier.arrive $0xFFFF  }
0x4a: {  	s10 =	rddreg [dreg:$0x9]  }
0x4b: {  	[tilespmem:s31], [sflag:$0x4] =	stream.linear.gather [hbm4b:s10+s31], $0x40, $0x38;
	[tilespmem:$0x1AE80] =	vst v63  }
0x4c: {  	_ =	swait.ge [sflag:s23], $0x40  }
0x4d: {  	[sflag:s23] =	ssyncset.done $0x0  }
0x4e: {  	s12 =	simm.s32 $0x100;
	s11 =	rddreg [dreg:$0xa];
	[sflag:s23] =	ssyncadd.s32 $0xFFFFFFC0  }
0x4f: {  	[tilespmem:s12], [sflag:$0x4] =	stream.linear.gather [hbm4b:s11+s31], $0x40, $0x38;
	[tilespmem:$0x1AE80] =	vst v63  }
0x50: {  	_ =	swait.ge [sflag:s23], $0x40  }
0x51: {  	[sflag:s23] =	ssyncset.done $0x0  }
0x52: {  	[sflag:s23] =	ssyncadd.s32 $0xFFFFFFC0  }
0x53: {  	v3 =	vld [tilespmem:$0x100];
	_ =	sdelay $0x5  }
0x54: {  	v4 =	vadd.s32 $0x2710, v3  }
0x55: {  	[tilespmem:$0x40] =	vst v4  }
0x56: {  	[tilespmem:v3+s26+$0x0] =	vst.idx.add.f32.msk $0xffff, v2  }
0x57: {  	v61 =	vld [tilespmem:$0x110];
	_ =	sdelay $0x3  }
0x58: {  	v3 =	vsub.s32 v3, v0  }
0x59: {  	v3 =	vmin.u32 v3, $0x1400  }
0x5a: {  	[tilespmem:$0x180] =	vst v3;
	v3 =	vadd.s32 $0x2710, v61  }
0x5b: {  	[tilespmem:$0x50] =	vst v3  }
0x5c: {  	[tilespmem:v61+s26+$0x0] =	vst.idx.add.f32.msk $0xffff, v2  }
0x5d: {  	v3 =	vld [tilespmem:$0x120];
	_ =	sdelay $0x3  }
0x5e: {  	v4 =	vsub.s32 v61, v0  }
0x5f: {  	v4 =	vmin.u32 v4, $0x1400  }
0x60: {  	[tilespmem:$0x190] =	vst v4;
	v62 =	vadd.s32 $0x2710, v3  }
0x61: {  	[tilespmem:$0x60] =	vst v62  }
0x62: {  	[tilespmem:v3+s26+$0x0] =	vst.idx.add.f32.msk $0xffff, v2  }
0x63: {  	v63 =	vld [tilespmem:$0x130];
	_ =	sdelay $0x3  }
0x64: {  	v3 =	vsub.s32 v3, v0  }
0x65: {  	v3 =	vmin.u32 v3, $0x1400  }
0x66: {  	[tilespmem:$0x1A0] =	vst v3;
	v3 =	vadd.s32 $0x2710, v63  }
0x67: {  	[tilespmem:$0x70] =	vst v3;
	v3 =	vsub.s32 v63, v0  }
0x68: {  	v3 =	vmin.u32 v3, $0x1400;
	[tilespmem:v63+s26+$0x0] =	vst.idx.add.f32.msk $0xffff, v2  }
0x69: {  	s13 =	simm.s32 $0x280;
	[tilespmem:$0x1B0] =	vst v3  }
0x6a: {  	[tilespmem:s13], [sflag:$0x1] =	stream.indirect.gather [hbm4b:s4+s28], $0x80, s31, s28, $0xb8;
	[tilespmem:$0x1AE80] =	vst v63  }
0x6b: {  	s14 =	simm.s32 $0x8280  }
0x6c: {  	[tilespmem:s14], [sflag:$0x2] =	stream.linear.gather [hbm4b:s16+s31], $0x2000, $0x38;
	[tilespmem:$0x1AE80] =	vst v63  }
0x6d: {  	_ = 	snop  }
0x6e: {  	[tilespmem:s28], [sflag:$0x3] =	stream.linear.gather [hbm4b:s17+s31], $0x40, $0x38;
	[tilespmem:$0x1AE80] =	vst v63  }
0x6f: {  	s9 =	simm.s32 $0x0;
	s15 =	simm.s32 $0x140  }
0x70: {  	[tilespmem:s15], [sflag:$0x3] =	stream.linear.gather [hbm4b:s18+s31], $0x40, $0x38;
	[tilespmem:$0x1AE80] =	vst v63  }
.LBB2_6:
0x71: {  	_ =	swait.ge [sflag:s0], $0x40  }
0x72: {  	[sflag:s0] =	ssyncset.done $0x0  }
0x73: {  	[sflag:s0] =	ssyncadd.s32 $0xFFFFFFC0  }
0x74: {  	s11 =	sand.u32 $0x1, s9;
	_ =	swait.ge [sflag:s0], $0x40  }
0x75: {  	s10 =	sxor.u32 $0x1, s11;
	[sflag:s0] =	ssyncset.done $0x0  }
0x76: {  	s12 =	sshll.u32 s10, $0x6;
	[sflag:s0] =	ssyncadd.s32 $0xFFFFFFC0  }
0x77: {  	v3 =	vld [tilespmem:s12+$0x100];
	_ =	sdelay $0x1  }
0x78: {  	s13 =	sshll.u32 s9, $0x4  }
0x79: {  	s13 =	sor.u32 s1, s13  }
0x7a: {  	p0 =	slt.u32 s13, $0x1378  }
0x7b: {  	v4 =	vpsel !p0, $0x27FF, v3;
	_ =	sdelay $0x1  }
0x7c: {  	vm1 =	vmmov vm0;
	p1 =	sgt.u32 s13, $0x1377;
	v5 =	vsub.s32 v3, v0  }
0x7d: {  	s14 =	sshll.u32 s10, $0x7;
	vm1 =	vmneg @p1 vm1;
	v3 =	vadd.s32 $0x2710, v3;
	vm2 =	vgt.u32 v5, $0x13FF  }
0x7e: {  	[tilespmem:s14+$0x40] =	vst v3;
	vm2 =	vmor vm1, vm2  }
0x7f: {  	v3 =	vsel vm2, $0x1400, v5;
	[tilespmem:v4+s26+$0x0] =	vst.idx.add.f32.msk $0xffff, v2  }
0x80: {  	[tilespmem:s14+$0x180] =	vst v3  }
0x81: {  	v3 =	vld [tilespmem:s12+$0x110];
	_ =	sdelay $0x4  }
0x82: {  	v58 =	vpsel !p0, $0x27FF, v3;
	_ =	sdelay $0x1  }
0x83: {  	v59 =	vsub.s32 v3, v0  }
0x84: {  	v3 =	vadd.s32 $0x2710, v3;
	vm2 =	vgt.u32 v59, $0x13FF  }
0x85: {  	[tilespmem:s14+$0x50] =	vst v3;
	vm2 =	vmor vm1, vm2  }
0x86: {  	v3 =	vsel vm2, $0x1400, v59;
	[tilespmem:v58+s26+$0x0] =	vst.idx.add.f32.msk $0xffff, v2  }
0x87: {  	[tilespmem:s14+$0x190] =	vst v3  }
0x88: {  	v3 =	vld [tilespmem:s12+$0x120];
	_ =	sdelay $0x4  }
0x89: {  	v60 =	vpsel !p0, $0x27FF, v3;
	_ =	sdelay $0x1  }
0x8a: {  	v61 =	vsub.s32 v3, v0  }
0x8b: {  	v3 =	vadd.s32 $0x2710, v3;
	vm2 =	vgt.u32 v61, $0x13FF  }
0x8c: {  	[tilespmem:s14+$0x60] =	vst v3;
	vm2 =	vmor vm1, vm2  }
0x8d: {  	v3 =	vsel vm2, $0x1400, v61;
	[tilespmem:v60+s26+$0x0] =	vst.idx.add.f32.msk $0xffff, v2  }
0x8e: {  	[tilespmem:s14+$0x1A0] =	vst v3  }
0x8f: {  	v3 =	vld [tilespmem:s12+$0x130];
	_ =	sdelay $0x4  }
0x90: {  	v62 =	vpsel !p0, $0x27FF, v3;
	_ =	sdelay $0x1  }
0x91: {  	v63 =	vsub.s32 v3, v0  }
0x92: {  	v3 =	vadd.s32 $0x2710, v3;
	vm2 =	vgt.u32 v63, $0x13FF  }
0x93: {  	[tilespmem:s14+$0x70] =	vst v3;
	vm1 =	vmor vm1, vm2  }
0x94: {  	v3 =	vsel vm1, $0x1400, v63;
	[tilespmem:v62+s26+$0x0] =	vst.idx.add.f32.msk $0xffff, v2  }
0x95: {  	[tilespmem:s14+$0x1B0] =	vst v3  }
0x96: {  	_ =	swait.ge [sflag:s25], $0x4000  }
0x97: {  	[sflag:s25] =	ssyncset.done $0x0  }
0x98: {  	[sflag:s25] =	ssyncadd.s32 $0xFFFFC000  }
0x99: {  	_ =	swait.ge [sflag:s29], $0x2000  }
0x9a: {  	s15 =	sshll.u32 s10, $0xE;
	[sflag:s29] =	ssyncset.done $0x0  }
0x9b: {  	s12 =	sor.u32 $0x280, s15;
	s15 =	sshll.u32 s13, $0xA;
	[sflag:s29] =	ssyncadd.s32 $0xFFFFE000  }
0x9c: {  	[tilespmem:s12], [sflag:$0x1] =	stream.indirect.gather [hbm4b:s4+s28], $0x80, s14, s28, $0xb8;
	[tilespmem:$0x1AE80] =	vst v63  }
0x9d: {  	s12 =	sadd.s32 $0x4000, s15  }
0x9e: {  	s10 =	sshll.u32 s10, $0xD;
	s12 =	simm.s32 @!p0 $0x0  }
0x9f: {  	s10 =	sor.u32 $0x8280, s10;
	s12 =	sadd.s32 s5, s12  }
0xa0: {  	[tilespmem:s10], [sflag:$0x2] =	stream.linear.gather [hbm4b:s12+s31], $0x2000, $0x38;
	[tilespmem:$0x1AE80] =	vst v63  }
0xa1: {  	s12 =	sshll.u32 s13, $0x3  }
0xa2: {  	p0 =	slt.u32 s13, $0x1368;
	s12 =	sadd.s32 $0x100, s12  }
0xa3: {  	s12 =	simm.s32 @!p0 $0x0  }
0xa4: {  	s10 =	sshll.u32 s11, $0x7;
	s11 =	sshll.u32 s11, $0x6;
	s14 =	sadd.s32 s6, s12  }
0xa5: {  	[tilespmem:s10], [sflag:$0x3] =	stream.linear.gather [hbm4b:s14+s31], $0x40, $0x38;
	[tilespmem:$0x1AE80] =	vst v63  }
0xa6: {  	s15 =	sor.u32 $0x100, s11;
	s12 =	sadd.s32 s7, s12  }
0xa7: {  	[tilespmem:s15], [sflag:$0x3] =	stream.linear.gather [hbm4b:s12+s31], $0x40, $0x38;
	[tilespmem:$0x1AE80] =	vst v63  }
0xa8: {  	s12 =	simm.s32 $0x0  }
.LBB2_7:
0xa9: {  	s14 =	sshll.u32 s12, $0x3  }
0xaa: {  	s13 =	sor.u32 s10, s14  }
0xab: {  	s13 =	sshll.u32 s13, $0x7  }
0xac: {  	s13 =	sand.u32 $0x3FFFFF80, s13  }
0xad: {  	s14 =	sadd.s32 s11, s14;
	v3 =	vld [tilespmem:s13+$0x280]  }
0xae: {  	s14 =	sshll.u32 s14, $0x7;
	v4 =	vld [tilespmem:s13+$0x2280]  }
0xaf: {  	s14 =	sand.u32 $0x3FFFFF80, s14  }
0xb0: {  	v5 =	vld [tilespmem:s14+$0x8280];
	_ =	sdelay $0x2  }
0xb1: {  	v3 =	vadd.f32 v4, v3;
	_ =	sdelay $0x1  }
0xb2: {  	v3 =	vadd.f32 v5, v3  }
0xb3: {  	s15 =	sshll.u32 s12, $0xA  }
0xb4: {  	s15 =	sand.u32 $0x3FFFFC00, s15;
	v3 =	vmax.f32 v3, $0.0e+00  }
0xb5: {  	[tilespmem:s15+$0xC280] =	vst v3  }
0xb6: {  	v3 =	vld [tilespmem:s13+$0x290]  }
0xb7: {  	v50 =	vld [tilespmem:s13+$0x2290];
	_ =	sdelay $0x1  }
0xb8: {  	v51 =	vld [tilespmem:s14+$0x8290];
	_ =	sdelay $0x2  }
0xb9: {  	v3 =	vadd.f32 v50, v3;
	_ =	sdelay $0x1  }
0xba: {  	v3 =	vadd.f32 v51, v3;
	_ =	sdelay $0x1  }
0xbb: {  	v3 =	vmax.f32 v3, $0.0e+00  }
0xbc: {  	[tilespmem:s15+$0xC290] =	vst v3  }
0xbd: {  	v3 =	vld [tilespmem:s13+$0x2A0]  }
0xbe: {  	v52 =	vld [tilespmem:s13+$0x22A0];
	_ =	sdelay $0x1  }
0xbf: {  	v53 =	vld [tilespmem:s14+$0x82A0];
	_ =	sdelay $0x2  }
0xc0: {  	v3 =	vadd.f32 v52, v3;
	_ =	sdelay $0x1  }
0xc1: {  	v3 =	vadd.f32 v53, v3;
	_ =	sdelay $0x1  }
0xc2: {  	v3 =	vmax.f32 v3, $0.0e+00  }
0xc3: {  	[tilespmem:s15+$0xC2A0] =	vst v3  }
0xc4: {  	v3 =	vld [tilespmem:s13+$0x2B0]  }
0xc5: {  	v54 =	vld [tilespmem:s13+$0x22B0];
	_ =	sdelay $0x1  }
0xc6: {  	v55 =	vld [tilespmem:s14+$0x82B0];
	_ =	sdelay $0x2  }
0xc7: {  	v3 =	vadd.f32 v54, v3;
	_ =	sdelay $0x1  }
0xc8: {  	v3 =	vadd.f32 v55, v3;
	_ =	sdelay $0x1  }
0xc9: {  	v3 =	vmax.f32 v3, $0.0e+00  }
0xca: {  	[tilespmem:s15+$0xC2B0] =	vst v3  }
0xcb: {  	v3 =	vld [tilespmem:s13+$0x2C0]  }
0xcc: {  	v56 =	vld [tilespmem:s13+$0x22C0];
	_ =	sdelay $0x1  }
0xcd: {  	v57 =	vld [tilespmem:s14+$0x82C0];
	_ =	sdelay $0x2  }
0xce: {  	v3 =	vadd.f32 v56, v3;
	_ =	sdelay $0x1  }
0xcf: {  	v3 =	vadd.f32 v57, v3;
	_ =	sdelay $0x1  }
0xd0: {  	v3 =	vmax.f32 v3, $0.0e+00  }
0xd1: {  	[tilespmem:s15+$0xC2C0] =	vst v3  }
0xd2: {  	v3 =	vld [tilespmem:s13+$0x2D0]  }
0xd3: {  	v58 =	vld [tilespmem:s13+$0x22D0];
	_ =	sdelay $0x1  }
0xd4: {  	v59 =	vld [tilespmem:s14+$0x82D0];
	_ =	sdelay $0x2  }
0xd5: {  	v3 =	vadd.f32 v58, v3;
	_ =	sdelay $0x1  }
0xd6: {  	v3 =	vadd.f32 v59, v3;
	_ =	sdelay $0x1  }
0xd7: {  	v3 =	vmax.f32 v3, $0.0e+00  }
0xd8: {  	[tilespmem:s15+$0xC2D0] =	vst v3  }
0xd9: {  	v3 =	vld [tilespmem:s13+$0x2E0]  }
0xda: {  	v60 =	vld [tilespmem:s13+$0x22E0];
	_ =	sdelay $0x1  }
0xdb: {  	v61 =	vld [tilespmem:s14+$0x82E0];
	_ =	sdelay $0x2  }
0xdc: {  	v3 =	vadd.f32 v60, v3;
	_ =	sdelay $0x1  }
0xdd: {  	v3 =	vadd.f32 v61, v3;
	_ =	sdelay $0x1  }
0xde: {  	v3 =	vmax.f32 v3, $0.0e+00  }
0xdf: {  	[tilespmem:s15+$0xC2E0] =	vst v3  }
0xe0: {  	v3 =	vld [tilespmem:s13+$0x2F0]  }
0xe1: {  	v62 =	vld [tilespmem:s13+$0x22F0];
	_ =	sdelay $0x1  }
0xe2: {  	v63 =	vld [tilespmem:s14+$0x82F0];
	_ =	sdelay $0x2  }
0xe3: {  	v3 =	vadd.f32 v62, v3;
	_ =	sdelay $0x1  }
0xe4: {  	v3 =	vadd.f32 v63, v3;
	_ =	sdelay $0x1  }
0xe5: {  	v3 =	vmax.f32 v3, $0.0e+00  }
0xe6: {  	[tilespmem:s15+$0xC2F0] =	vst v3  }
0xe7: {  	v3 =	vld [tilespmem:s13+$0x300]  }
0xe8: {  	v8 =	vld [tilespmem:s13+$0x2300];
	_ =	sdelay $0x1  }
0xe9: {  	v9 =	vld [tilespmem:s14+$0x8300];
	_ =	sdelay $0x2  }
0xea: {  	v3 =	vadd.f32 v8, v3;
	_ =	sdelay $0x1  }
0xeb: {  	v3 =	vadd.f32 v9, v3;
	_ =	sdelay $0x1  }
0xec: {  	v3 =	vmax.f32 v3, $0.0e+00  }
0xed: {  	[tilespmem:s15+$0xC300] =	vst v3  }
0xee: {  	v3 =	vld [tilespmem:s13+$0x310]  }
0xef: {  	v10 =	vld [tilespmem:s13+$0x2310];
	_ =	sdelay $0x1  }
0xf0: {  	v11 =	vld [tilespmem:s14+$0x8310];
	_ =	sdelay $0x2  }
0xf1: {  	v3 =	vadd.f32 v10, v3;
	_ =	sdelay $0x1  }
0xf2: {  	v3 =	vadd.f32 v11, v3;
	_ =	sdelay $0x1  }
0xf3: {  	v3 =	vmax.f32 v3, $0.0e+00  }
0xf4: {  	[tilespmem:s15+$0xC310] =	vst v3  }
0xf5: {  	v3 =	vld [tilespmem:s13+$0x320]  }
0xf6: {  	v12 =	vld [tilespmem:s13+$0x2320];
	_ =	sdelay $0x1  }
0xf7: {  	v13 =	vld [tilespmem:s14+$0x8320];
	_ =	sdelay $0x2  }
0xf8: {  	v3 =	vadd.f32 v12, v3;
	_ =	sdelay $0x1  }
0xf9: {  	v3 =	vadd.f32 v13, v3;
	_ =	sdelay $0x1  }
0xfa: {  	v3 =	vmax.f32 v3, $0.0e+00  }
0xfb: {  	[tilespmem:s15+$0xC320] =	vst v3  }
0xfc: {  	v3 =	vld [tilespmem:s13+$0x330]  }
0xfd: {  	v14 =	vld [tilespmem:s13+$0x2330];
	_ =	sdelay $0x1  }
0xfe: {  	v15 =	vld [tilespmem:s14+$0x8330];
	_ =	sdelay $0x2  }
0xff: {  	v3 =	vadd.f32 v14, v3;
	_ =	sdelay $0x1  }
0x100: {  	v3 =	vadd.f32 v15, v3;
	_ =	sdelay $0x1  }
0x101: {  	v3 =	vmax.f32 v3, $0.0e+00  }
0x102: {  	[tilespmem:s15+$0xC330] =	vst v3  }
0x103: {  	v3 =	vld [tilespmem:s13+$0x340]  }
0x104: {  	v16 =	vld [tilespmem:s13+$0x2340];
	_ =	sdelay $0x1  }
0x105: {  	v17 =	vld [tilespmem:s14+$0x8340];
	_ =	sdelay $0x2  }
0x106: {  	v3 =	vadd.f32 v16, v3;
	_ =	sdelay $0x1  }
0x107: {  	v3 =	vadd.f32 v17, v3;
	_ =	sdelay $0x1  }
0x108: {  	v3 =	vmax.f32 v3, $0.0e+00  }
0x109: {  	[tilespmem:s15+$0xC340] =	vst v3  }
0x10a: {  	v3 =	vld [tilespmem:s13+$0x350]  }
0x10b: {  	v18 =	vld [tilespmem:s13+$0x2350];
	_ =	sdelay $0x1  }
0x10c: {  	v19 =	vld [tilespmem:s14+$0x8350];
	_ =	sdelay $0x2  }
0x10d: {  	v3 =	vadd.f32 v18, v3;
	_ =	sdelay $0x1  }
0x10e: {  	v3 =	vadd.f32 v19, v3;
	_ =	sdelay $0x1  }
0x10f: {  	v3 =	vmax.f32 v3, $0.0e+00  }
0x110: {  	[tilespmem:s15+$0xC350] =	vst v3  }
0x111: {  	v3 =	vld [tilespmem:s13+$0x360]  }
0x112: {  	v20 =	vld [tilespmem:s13+$0x2360];
	_ =	sdelay $0x1  }
0x113: {  	v21 =	vld [tilespmem:s14+$0x8360];
	_ =	sdelay $0x2  }
0x114: {  	v3 =	vadd.f32 v20, v3;
	_ =	sdelay $0x1  }
0x115: {  	v3 =	vadd.f32 v21, v3;
	_ =	sdelay $0x1  }
0x116: {  	v3 =	vmax.f32 v3, $0.0e+00  }
0x117: {  	[tilespmem:s15+$0xC360] =	vst v3  }
0x118: {  	v3 =	vld [tilespmem:s13+$0x370]  }
0x119: {  	v22 =	vld [tilespmem:s13+$0x2370];
	_ =	sdelay $0x1  }
0x11a: {  	v23 =	vld [tilespmem:s14+$0x8370];
	_ =	sdelay $0x2  }
0x11b: {  	v3 =	vadd.f32 v22, v3;
	_ =	sdelay $0x1  }
0x11c: {  	v3 =	vadd.f32 v23, v3;
	_ =	sdelay $0x1  }
0x11d: {  	v3 =	vmax.f32 v3, $0.0e+00  }
0x11e: {  	[tilespmem:s15+$0xC370] =	vst v3  }
0x11f: {  	v3 =	vld [tilespmem:s13+$0x380]  }
0x120: {  	v24 =	vld [tilespmem:s13+$0x2380];
	_ =	sdelay $0x1  }
0x121: {  	v25 =	vld [tilespmem:s14+$0x8380];
	_ =	sdelay $0x2  }
0x122: {  	v3 =	vadd.f32 v24, v3;
	_ =	sdelay $0x1  }
0x123: {  	v3 =	vadd.f32 v25, v3;
	_ =	sdelay $0x1  }
0x124: {  	v3 =	vmax.f32 v3, $0.0e+00  }
0x125: {  	[tilespmem:s15+$0xC380] =	vst v3  }
0x126: {  	v3 =	vld [tilespmem:s13+$0x390]  }
0x127: {  	v26 =	vld [tilespmem:s13+$0x2390];
	_ =	sdelay $0x1  }
0x128: {  	v27 =	vld [tilespmem:s14+$0x8390];
	_ =	sdelay $0x2  }
0x129: {  	v3 =	vadd.f32 v26, v3;
	_ =	sdelay $0x1  }
0x12a: {  	v3 =	vadd.f32 v27, v3;
	_ =	sdelay $0x1  }
0x12b: {  	v3 =	vmax.f32 v3, $0.0e+00  }
0x12c: {  	[tilespmem:s15+$0xC390] =	vst v3  }
0x12d: {  	v3 =	vld [tilespmem:s13+$0x3A0]  }
0x12e: {  	v28 =	vld [tilespmem:s13+$0x23A0];
	_ =	sdelay $0x1  }
0x12f: {  	v29 =	vld [tilespmem:s14+$0x83A0];
	_ =	sdelay $0x2  }
0x130: {  	v3 =	vadd.f32 v28, v3;
	_ =	sdelay $0x1  }
0x131: {  	v3 =	vadd.f32 v29, v3;
	_ =	sdelay $0x1  }
0x132: {  	v3 =	vmax.f32 v3, $0.0e+00  }
0x133: {  	[tilespmem:s15+$0xC3A0] =	vst v3  }
0x134: {  	v3 =	vld [tilespmem:s13+$0x3B0]  }
0x135: {  	v30 =	vld [tilespmem:s13+$0x23B0];
	_ =	sdelay $0x1  }
0x136: {  	v31 =	vld [tilespmem:s14+$0x83B0];
	_ =	sdelay $0x2  }
0x137: {  	v3 =	vadd.f32 v30, v3;
	_ =	sdelay $0x1  }
0x138: {  	v3 =	vadd.f32 v31, v3;
	_ =	sdelay $0x1  }
0x139: {  	v3 =	vmax.f32 v3, $0.0e+00  }
0x13a: {  	[tilespmem:s15+$0xC3B0] =	vst v3  }
0x13b: {  	v3 =	vld [tilespmem:s13+$0x3C0]  }
0x13c: {  	v32 =	vld [tilespmem:s13+$0x23C0];
	_ =	sdelay $0x1  }
0x13d: {  	v33 =	vld [tilespmem:s14+$0x83C0];
	_ =	sdelay $0x2  }
0x13e: {  	v3 =	vadd.f32 v32, v3;
	_ =	sdelay $0x1  }
0x13f: {  	v3 =	vadd.f32 v33, v3;
	_ =	sdelay $0x1  }
0x140: {  	v3 =	vmax.f32 v3, $0.0e+00  }
0x141: {  	[tilespmem:s15+$0xC3C0] =	vst v3  }
0x142: {  	v3 =	vld [tilespmem:s13+$0x3D0]  }
0x143: {  	v34 =	vld [tilespmem:s13+$0x23D0];
	_ =	sdelay $0x1  }
0x144: {  	v35 =	vld [tilespmem:s14+$0x83D0];
	_ =	sdelay $0x2  }
0x145: {  	v3 =	vadd.f32 v34, v3;
	_ =	sdelay $0x1  }
0x146: {  	v3 =	vadd.f32 v35, v3;
	_ =	sdelay $0x1  }
0x147: {  	v3 =	vmax.f32 v3, $0.0e+00  }
0x148: {  	[tilespmem:s15+$0xC3D0] =	vst v3  }
0x149: {  	v3 =	vld [tilespmem:s13+$0x3E0]  }
0x14a: {  	v36 =	vld [tilespmem:s13+$0x23E0];
	_ =	sdelay $0x1  }
0x14b: {  	v37 =	vld [tilespmem:s14+$0x83E0];
	_ =	sdelay $0x2  }
0x14c: {  	v3 =	vadd.f32 v36, v3;
	_ =	sdelay $0x1  }
0x14d: {  	v3 =	vadd.f32 v37, v3;
	_ =	sdelay $0x1  }
0x14e: {  	v3 =	vmax.f32 v3, $0.0e+00  }
0x14f: {  	[tilespmem:s15+$0xC3E0] =	vst v3  }
0x150: {  	v3 =	vld [tilespmem:s13+$0x3F0]  }
0x151: {  	v38 =	vld [tilespmem:s13+$0x23F0];
	_ =	sdelay $0x1  }
0x152: {  	v39 =	vld [tilespmem:s14+$0x83F0];
	_ =	sdelay $0x2  }
0x153: {  	v3 =	vadd.f32 v38, v3;
	_ =	sdelay $0x1  }
0x154: {  	v3 =	vadd.f32 v39, v3;
	_ =	sdelay $0x1  }
0x155: {  	v3 =	vmax.f32 v3, $0.0e+00  }
0x156: {  	[tilespmem:s15+$0xC3F0] =	vst v3  }
0x157: {  	v3 =	vld [tilespmem:s13+$0x400]  }
0x158: {  	v40 =	vld [tilespmem:s13+$0x2400];
	_ =	sdelay $0x1  }
0x159: {  	v41 =	vld [tilespmem:s14+$0x8400];
	_ =	sdelay $0x2  }
0x15a: {  	v3 =	vadd.f32 v40, v3;
	_ =	sdelay $0x1  }
0x15b: {  	v3 =	vadd.f32 v41, v3;
	_ =	sdelay $0x1  }
0x15c: {  	v3 =	vmax.f32 v3, $0.0e+00  }
0x15d: {  	[tilespmem:s15+$0xC400] =	vst v3  }
0x15e: {  	v3 =	vld [tilespmem:s13+$0x410]  }
0x15f: {  	v42 =	vld [tilespmem:s13+$0x2410];
	_ =	sdelay $0x1  }
0x160: {  	v43 =	vld [tilespmem:s14+$0x8410];
	_ =	sdelay $0x2  }
0x161: {  	v3 =	vadd.f32 v42, v3;
	_ =	sdelay $0x1  }
0x162: {  	v3 =	vadd.f32 v43, v3;
	_ =	sdelay $0x1  }
0x163: {  	v3 =	vmax.f32 v3, $0.0e+00  }
0x164: {  	[tilespmem:s15+$0xC410] =	vst v3  }
0x165: {  	v3 =	vld [tilespmem:s13+$0x420]  }
0x166: {  	v44 =	vld [tilespmem:s13+$0x2420];
	_ =	sdelay $0x1  }
0x167: {  	v45 =	vld [tilespmem:s14+$0x8420];
	_ =	sdelay $0x2  }
0x168: {  	v3 =	vadd.f32 v44, v3;
	_ =	sdelay $0x1  }
0x169: {  	v3 =	vadd.f32 v45, v3;
	_ =	sdelay $0x1  }
0x16a: {  	v3 =	vmax.f32 v3, $0.0e+00  }
0x16b: {  	[tilespmem:s15+$0xC420] =	vst v3  }
0x16c: {  	v3 =	vld [tilespmem:s13+$0x430]  }
0x16d: {  	v46 =	vld [tilespmem:s13+$0x2430];
	_ =	sdelay $0x1  }
0x16e: {  	v47 =	vld [tilespmem:s14+$0x8430];
	_ =	sdelay $0x2  }
0x16f: {  	v3 =	vadd.f32 v46, v3;
	_ =	sdelay $0x1  }
0x170: {  	v3 =	vadd.f32 v47, v3;
	_ =	sdelay $0x1  }
0x171: {  	v3 =	vmax.f32 v3, $0.0e+00  }
0x172: {  	[tilespmem:s15+$0xC430] =	vst v3  }
0x173: {  	v3 =	vld [tilespmem:s13+$0x440]  }
0x174: {  	v48 =	vld [tilespmem:s13+$0x2440];
	_ =	sdelay $0x1  }
0x175: {  	v49 =	vld [tilespmem:s14+$0x8440];
	_ =	sdelay $0x2  }
0x176: {  	v3 =	vadd.f32 v48, v3;
	_ =	sdelay $0x1  }
0x177: {  	v3 =	vadd.f32 v49, v3;
	_ =	sdelay $0x1  }
0x178: {  	v3 =	vmax.f32 v3, $0.0e+00  }
0x179: {  	[tilespmem:s15+$0xC440] =	vst v3  }
0x17a: {  	v3 =	vld [tilespmem:s13+$0x450]  }
0x17b: {  	v50 =	vld [tilespmem:s13+$0x2450];
	_ =	sdelay $0x1  }
0x17c: {  	v51 =	vld [tilespmem:s14+$0x8450];
	_ =	sdelay $0x2  }
0x17d: {  	v3 =	vadd.f32 v50, v3;
	_ =	sdelay $0x1  }
0x17e: {  	v3 =	vadd.f32 v51, v3;
	_ =	sdelay $0x1  }
0x17f: {  	v3 =	vmax.f32 v3, $0.0e+00  }
0x180: {  	[tilespmem:s15+$0xC450] =	vst v3  }
0x181: {  	v3 =	vld [tilespmem:s13+$0x460]  }
0x182: {  	v52 =	vld [tilespmem:s13+$0x2460];
	_ =	sdelay $0x1  }
0x183: {  	v53 =	vld [tilespmem:s14+$0x8460];
	_ =	sdelay $0x2  }
0x184: {  	v3 =	vadd.f32 v52, v3;
	_ =	sdelay $0x1  }
0x185: {  	v3 =	vadd.f32 v53, v3;
	_ =	sdelay $0x1  }
0x186: {  	v3 =	vmax.f32 v3, $0.0e+00  }
0x187: {  	[tilespmem:s15+$0xC460] =	vst v3  }
0x188: {  	v3 =	vld [tilespmem:s13+$0x470]  }
0x189: {  	v54 =	vld [tilespmem:s13+$0x2470];
	_ =	sdelay $0x1  }
0x18a: {  	v55 =	vld [tilespmem:s14+$0x8470];
	_ =	sdelay $0x2  }
0x18b: {  	v3 =	vadd.f32 v54, v3;
	_ =	sdelay $0x1  }
0x18c: {  	v3 =	vadd.f32 v55, v3;
	_ =	sdelay $0x1  }
0x18d: {  	v3 =	vmax.f32 v3, $0.0e+00  }
0x18e: {  	[tilespmem:s15+$0xC470] =	vst v3  }
0x18f: {  	v3 =	vld [tilespmem:s13+$0x480]  }
0x190: {  	v56 =	vld [tilespmem:s13+$0x2480];
	_ =	sdelay $0x1  }
0x191: {  	v57 =	vld [tilespmem:s14+$0x8480];
	_ =	sdelay $0x2  }
0x192: {  	v3 =	vadd.f32 v56, v3;
	_ =	sdelay $0x1  }
0x193: {  	v3 =	vadd.f32 v57, v3;
	_ =	sdelay $0x1  }
0x194: {  	v3 =	vmax.f32 v3, $0.0e+00  }
0x195: {  	[tilespmem:s15+$0xC480] =	vst v3  }
0x196: {  	v3 =	vld [tilespmem:s13+$0x490]  }
0x197: {  	v58 =	vld [tilespmem:s13+$0x2490];
	_ =	sdelay $0x1  }
0x198: {  	v59 =	vld [tilespmem:s14+$0x8490];
	_ =	sdelay $0x2  }
0x199: {  	v3 =	vadd.f32 v58, v3;
	_ =	sdelay $0x1  }
0x19a: {  	v3 =	vadd.f32 v59, v3;
	_ =	sdelay $0x1  }
0x19b: {  	v3 =	vmax.f32 v3, $0.0e+00  }
0x19c: {  	[tilespmem:s15+$0xC490] =	vst v3  }
0x19d: {  	v3 =	vld [tilespmem:s13+$0x4A0]  }
0x19e: {  	v60 =	vld [tilespmem:s13+$0x24A0];
	_ =	sdelay $0x1  }
0x19f: {  	v61 =	vld [tilespmem:s14+$0x84A0];
	_ =	sdelay $0x2  }
0x1a0: {  	v3 =	vadd.f32 v60, v3;
	_ =	sdelay $0x1  }
0x1a1: {  	v3 =	vadd.f32 v61, v3;
	_ =	sdelay $0x1  }
0x1a2: {  	v3 =	vmax.f32 v3, $0.0e+00  }
0x1a3: {  	[tilespmem:s15+$0xC4A0] =	vst v3  }
0x1a4: {  	v3 =	vld [tilespmem:s13+$0x4B0]  }
0x1a5: {  	v62 =	vld [tilespmem:s13+$0x24B0];
	_ =	sdelay $0x1  }
0x1a6: {  	v63 =	vld [tilespmem:s14+$0x84B0];
	_ =	sdelay $0x2  }
0x1a7: {  	v3 =	vadd.f32 v62, v3;
	_ =	sdelay $0x1  }
0x1a8: {  	v3 =	vadd.f32 v63, v3;
	_ =	sdelay $0x1  }
0x1a9: {  	v3 =	vmax.f32 v3, $0.0e+00  }
0x1aa: {  	[tilespmem:s15+$0xC4B0] =	vst v3  }
0x1ab: {  	v3 =	vld [tilespmem:s13+$0x4C0]  }
0x1ac: {  	v8 =	vld [tilespmem:s13+$0x24C0];
	_ =	sdelay $0x1  }
0x1ad: {  	v9 =	vld [tilespmem:s14+$0x84C0];
	_ =	sdelay $0x2  }
0x1ae: {  	v3 =	vadd.f32 v8, v3;
	_ =	sdelay $0x1  }
0x1af: {  	v3 =	vadd.f32 v9, v3;
	_ =	sdelay $0x1  }
0x1b0: {  	v3 =	vmax.f32 v3, $0.0e+00  }
0x1b1: {  	[tilespmem:s15+$0xC4C0] =	vst v3  }
0x1b2: {  	v3 =	vld [tilespmem:s13+$0x4D0]  }
0x1b3: {  	v10 =	vld [tilespmem:s13+$0x24D0];
	_ =	sdelay $0x1  }
0x1b4: {  	v11 =	vld [tilespmem:s14+$0x84D0];
	_ =	sdelay $0x2  }
0x1b5: {  	v3 =	vadd.f32 v10, v3;
	_ =	sdelay $0x1  }
0x1b6: {  	v3 =	vadd.f32 v11, v3;
	_ =	sdelay $0x1  }
0x1b7: {  	v3 =	vmax.f32 v3, $0.0e+00  }
0x1b8: {  	[tilespmem:s15+$0xC4D0] =	vst v3  }
0x1b9: {  	v3 =	vld [tilespmem:s13+$0x4E0]  }
0x1ba: {  	v12 =	vld [tilespmem:s13+$0x24E0];
	_ =	sdelay $0x1  }
0x1bb: {  	v13 =	vld [tilespmem:s14+$0x84E0];
	_ =	sdelay $0x2  }
0x1bc: {  	v3 =	vadd.f32 v12, v3;
	_ =	sdelay $0x1  }
0x1bd: {  	v3 =	vadd.f32 v13, v3;
	_ =	sdelay $0x1  }
0x1be: {  	v3 =	vmax.f32 v3, $0.0e+00  }
0x1bf: {  	[tilespmem:s15+$0xC4E0] =	vst v3  }
0x1c0: {  	v3 =	vld [tilespmem:s13+$0x4F0]  }
0x1c1: {  	v14 =	vld [tilespmem:s13+$0x24F0];
	_ =	sdelay $0x1  }
0x1c2: {  	v15 =	vld [tilespmem:s14+$0x84F0];
	_ =	sdelay $0x2  }
0x1c3: {  	v3 =	vadd.f32 v14, v3;
	_ =	sdelay $0x1  }
0x1c4: {  	v3 =	vadd.f32 v15, v3;
	_ =	sdelay $0x1  }
0x1c5: {  	v3 =	vmax.f32 v3, $0.0e+00  }
0x1c6: {  	[tilespmem:s15+$0xC4F0] =	vst v3  }
0x1c7: {  	v3 =	vld [tilespmem:s13+$0x500]  }
0x1c8: {  	v16 =	vld [tilespmem:s13+$0x2500];
	_ =	sdelay $0x1  }
0x1c9: {  	v17 =	vld [tilespmem:s14+$0x8500];
	_ =	sdelay $0x2  }
0x1ca: {  	v3 =	vadd.f32 v16, v3;
	_ =	sdelay $0x1  }
0x1cb: {  	v3 =	vadd.f32 v17, v3;
	_ =	sdelay $0x1  }
0x1cc: {  	v3 =	vmax.f32 v3, $0.0e+00  }
0x1cd: {  	[tilespmem:s15+$0xC500] =	vst v3  }
0x1ce: {  	v3 =	vld [tilespmem:s13+$0x510]  }
0x1cf: {  	v18 =	vld [tilespmem:s13+$0x2510];
	_ =	sdelay $0x1  }
0x1d0: {  	v19 =	vld [tilespmem:s14+$0x8510];
	_ =	sdelay $0x2  }
0x1d1: {  	v3 =	vadd.f32 v18, v3;
	_ =	sdelay $0x1  }
0x1d2: {  	v3 =	vadd.f32 v19, v3;
	_ =	sdelay $0x1  }
0x1d3: {  	v3 =	vmax.f32 v3, $0.0e+00  }
0x1d4: {  	[tilespmem:s15+$0xC510] =	vst v3  }
0x1d5: {  	v3 =	vld [tilespmem:s13+$0x520]  }
0x1d6: {  	v20 =	vld [tilespmem:s13+$0x2520];
	_ =	sdelay $0x1  }
0x1d7: {  	v21 =	vld [tilespmem:s14+$0x8520];
	_ =	sdelay $0x2  }
0x1d8: {  	v3 =	vadd.f32 v20, v3;
	_ =	sdelay $0x1  }
0x1d9: {  	v3 =	vadd.f32 v21, v3;
	_ =	sdelay $0x1  }
0x1da: {  	v3 =	vmax.f32 v3, $0.0e+00  }
0x1db: {  	[tilespmem:s15+$0xC520] =	vst v3  }
0x1dc: {  	v3 =	vld [tilespmem:s13+$0x530]  }
0x1dd: {  	v22 =	vld [tilespmem:s13+$0x2530];
	_ =	sdelay $0x1  }
0x1de: {  	v23 =	vld [tilespmem:s14+$0x8530];
	_ =	sdelay $0x2  }
0x1df: {  	v3 =	vadd.f32 v22, v3;
	_ =	sdelay $0x1  }
0x1e0: {  	v3 =	vadd.f32 v23, v3;
	_ =	sdelay $0x1  }
0x1e1: {  	v3 =	vmax.f32 v3, $0.0e+00  }
0x1e2: {  	[tilespmem:s15+$0xC530] =	vst v3  }
0x1e3: {  	v3 =	vld [tilespmem:s13+$0x540]  }
0x1e4: {  	v24 =	vld [tilespmem:s13+$0x2540];
	_ =	sdelay $0x1  }
0x1e5: {  	v25 =	vld [tilespmem:s14+$0x8540];
	_ =	sdelay $0x2  }
0x1e6: {  	v3 =	vadd.f32 v24, v3;
	_ =	sdelay $0x1  }
0x1e7: {  	v3 =	vadd.f32 v25, v3;
	_ =	sdelay $0x1  }
0x1e8: {  	v3 =	vmax.f32 v3, $0.0e+00  }
0x1e9: {  	[tilespmem:s15+$0xC540] =	vst v3  }
0x1ea: {  	v3 =	vld [tilespmem:s13+$0x550]  }
0x1eb: {  	v26 =	vld [tilespmem:s13+$0x2550];
	_ =	sdelay $0x1  }
0x1ec: {  	v27 =	vld [tilespmem:s14+$0x8550];
	_ =	sdelay $0x2  }
0x1ed: {  	v3 =	vadd.f32 v26, v3;
	_ =	sdelay $0x1  }
0x1ee: {  	v3 =	vadd.f32 v27, v3;
	_ =	sdelay $0x1  }
0x1ef: {  	v3 =	vmax.f32 v3, $0.0e+00  }
0x1f0: {  	[tilespmem:s15+$0xC550] =	vst v3  }
0x1f1: {  	v3 =	vld [tilespmem:s13+$0x560]  }
0x1f2: {  	v28 =	vld [tilespmem:s13+$0x2560];
	_ =	sdelay $0x1  }
0x1f3: {  	v29 =	vld [tilespmem:s14+$0x8560];
	_ =	sdelay $0x2  }
0x1f4: {  	v3 =	vadd.f32 v28, v3;
	_ =	sdelay $0x1  }
0x1f5: {  	v3 =	vadd.f32 v29, v3;
	_ =	sdelay $0x1  }
0x1f6: {  	v3 =	vmax.f32 v3, $0.0e+00  }
0x1f7: {  	[tilespmem:s15+$0xC560] =	vst v3  }
0x1f8: {  	v3 =	vld [tilespmem:s13+$0x570]  }
0x1f9: {  	v30 =	vld [tilespmem:s13+$0x2570];
	_ =	sdelay $0x1  }
0x1fa: {  	v31 =	vld [tilespmem:s14+$0x8570];
	_ =	sdelay $0x2  }
0x1fb: {  	v3 =	vadd.f32 v30, v3;
	_ =	sdelay $0x1  }
0x1fc: {  	v3 =	vadd.f32 v31, v3;
	_ =	sdelay $0x1  }
0x1fd: {  	v3 =	vmax.f32 v3, $0.0e+00  }
0x1fe: {  	[tilespmem:s15+$0xC570] =	vst v3  }
0x1ff: {  	v3 =	vld [tilespmem:s13+$0x580]  }
0x200: {  	v32 =	vld [tilespmem:s13+$0x2580];
	_ =	sdelay $0x1  }
0x201: {  	v33 =	vld [tilespmem:s14+$0x8580];
	_ =	sdelay $0x2  }
0x202: {  	v3 =	vadd.f32 v32, v3;
	_ =	sdelay $0x1  }
0x203: {  	v3 =	vadd.f32 v33, v3;
	_ =	sdelay $0x1  }
0x204: {  	v3 =	vmax.f32 v3, $0.0e+00  }
0x205: {  	[tilespmem:s15+$0xC580] =	vst v3  }
0x206: {  	v3 =	vld [tilespmem:s13+$0x590]  }
0x207: {  	v34 =	vld [tilespmem:s13+$0x2590];
	_ =	sdelay $0x1  }
0x208: {  	v35 =	vld [tilespmem:s14+$0x8590];
	_ =	sdelay $0x2  }
0x209: {  	v3 =	vadd.f32 v34, v3;
	_ =	sdelay $0x1  }
0x20a: {  	v3 =	vadd.f32 v35, v3;
	_ =	sdelay $0x1  }
0x20b: {  	v3 =	vmax.f32 v3, $0.0e+00  }
0x20c: {  	[tilespmem:s15+$0xC590] =	vst v3  }
0x20d: {  	v3 =	vld [tilespmem:s13+$0x5A0]  }
0x20e: {  	v36 =	vld [tilespmem:s13+$0x25A0];
	_ =	sdelay $0x1  }
0x20f: {  	v37 =	vld [tilespmem:s14+$0x85A0];
	_ =	sdelay $0x2  }
0x210: {  	v3 =	vadd.f32 v36, v3;
	_ =	sdelay $0x1  }
0x211: {  	v3 =	vadd.f32 v37, v3;
	_ =	sdelay $0x1  }
0x212: {  	v3 =	vmax.f32 v3, $0.0e+00  }
0x213: {  	[tilespmem:s15+$0xC5A0] =	vst v3  }
0x214: {  	v3 =	vld [tilespmem:s13+$0x5B0]  }
0x215: {  	v38 =	vld [tilespmem:s13+$0x25B0];
	_ =	sdelay $0x1  }
0x216: {  	v39 =	vld [tilespmem:s14+$0x85B0];
	_ =	sdelay $0x2  }
0x217: {  	v3 =	vadd.f32 v38, v3;
	_ =	sdelay $0x1  }
0x218: {  	v3 =	vadd.f32 v39, v3;
	_ =	sdelay $0x1  }
0x219: {  	v3 =	vmax.f32 v3, $0.0e+00  }
0x21a: {  	[tilespmem:s15+$0xC5B0] =	vst v3  }
0x21b: {  	v3 =	vld [tilespmem:s13+$0x5C0]  }
0x21c: {  	v40 =	vld [tilespmem:s13+$0x25C0];
	_ =	sdelay $0x1  }
0x21d: {  	v41 =	vld [tilespmem:s14+$0x85C0];
	_ =	sdelay $0x2  }
0x21e: {  	v3 =	vadd.f32 v40, v3;
	_ =	sdelay $0x1  }
0x21f: {  	v3 =	vadd.f32 v41, v3;
	_ =	sdelay $0x1  }
0x220: {  	v3 =	vmax.f32 v3, $0.0e+00  }
0x221: {  	[tilespmem:s15+$0xC5C0] =	vst v3  }
0x222: {  	v3 =	vld [tilespmem:s13+$0x5D0]  }
0x223: {  	v42 =	vld [tilespmem:s13+$0x25D0];
	_ =	sdelay $0x1  }
0x224: {  	v43 =	vld [tilespmem:s14+$0x85D0];
	_ =	sdelay $0x2  }
0x225: {  	v3 =	vadd.f32 v42, v3;
	_ =	sdelay $0x1  }
0x226: {  	v3 =	vadd.f32 v43, v3;
	_ =	sdelay $0x1  }
0x227: {  	v3 =	vmax.f32 v3, $0.0e+00  }
0x228: {  	[tilespmem:s15+$0xC5D0] =	vst v3  }
0x229: {  	v3 =	vld [tilespmem:s13+$0x5E0]  }
0x22a: {  	v44 =	vld [tilespmem:s13+$0x25E0];
	_ =	sdelay $0x1  }
0x22b: {  	v45 =	vld [tilespmem:s14+$0x85E0];
	_ =	sdelay $0x2  }
0x22c: {  	v3 =	vadd.f32 v44, v3;
	_ =	sdelay $0x1  }
0x22d: {  	v3 =	vadd.f32 v45, v3;
	_ =	sdelay $0x1  }
0x22e: {  	v3 =	vmax.f32 v3, $0.0e+00  }
0x22f: {  	[tilespmem:s15+$0xC5E0] =	vst v3  }
0x230: {  	v3 =	vld [tilespmem:s13+$0x5F0]  }
0x231: {  	v46 =	vld [tilespmem:s13+$0x25F0];
	_ =	sdelay $0x1  }
0x232: {  	v47 =	vld [tilespmem:s14+$0x85F0];
	_ =	sdelay $0x2  }
0x233: {  	v3 =	vadd.f32 v46, v3;
	_ =	sdelay $0x1  }
0x234: {  	v3 =	vadd.f32 v47, v3;
	_ =	sdelay $0x1  }
0x235: {  	v3 =	vmax.f32 v3, $0.0e+00  }
0x236: {  	[tilespmem:s15+$0xC5F0] =	vst v3  }
0x237: {  	v3 =	vld [tilespmem:s13+$0x600]  }
0x238: {  	v48 =	vld [tilespmem:s13+$0x2600];
	_ =	sdelay $0x1  }
0x239: {  	v49 =	vld [tilespmem:s14+$0x8600];
	_ =	sdelay $0x2  }
0x23a: {  	v3 =	vadd.f32 v48, v3;
	_ =	sdelay $0x1  }
0x23b: {  	v3 =	vadd.f32 v49, v3;
	_ =	sdelay $0x1  }
0x23c: {  	v3 =	vmax.f32 v3, $0.0e+00  }
0x23d: {  	[tilespmem:s15+$0xC600] =	vst v3  }
0x23e: {  	v3 =	vld [tilespmem:s13+$0x610]  }
0x23f: {  	v50 =	vld [tilespmem:s13+$0x2610];
	_ =	sdelay $0x1  }
0x240: {  	v51 =	vld [tilespmem:s14+$0x8610];
	_ =	sdelay $0x2  }
0x241: {  	v3 =	vadd.f32 v50, v3;
	_ =	sdelay $0x1  }
0x242: {  	v3 =	vadd.f32 v51, v3;
	_ =	sdelay $0x1  }
0x243: {  	v3 =	vmax.f32 v3, $0.0e+00  }
0x244: {  	[tilespmem:s15+$0xC610] =	vst v3  }
0x245: {  	v3 =	vld [tilespmem:s13+$0x620]  }
0x246: {  	v52 =	vld [tilespmem:s13+$0x2620];
	_ =	sdelay $0x1  }
0x247: {  	v53 =	vld [tilespmem:s14+$0x8620];
	_ =	sdelay $0x2  }
0x248: {  	v3 =	vadd.f32 v52, v3;
	_ =	sdelay $0x1  }
0x249: {  	v3 =	vadd.f32 v53, v3;
	_ =	sdelay $0x1  }
0x24a: {  	v3 =	vmax.f32 v3, $0.0e+00  }
0x24b: {  	[tilespmem:s15+$0xC620] =	vst v3  }
0x24c: {  	v3 =	vld [tilespmem:s13+$0x630]  }
0x24d: {  	v54 =	vld [tilespmem:s13+$0x2630];
	_ =	sdelay $0x1  }
0x24e: {  	v55 =	vld [tilespmem:s14+$0x8630];
	_ =	sdelay $0x2  }
0x24f: {  	v3 =	vadd.f32 v54, v3;
	_ =	sdelay $0x1  }
0x250: {  	v3 =	vadd.f32 v55, v3;
	_ =	sdelay $0x1  }
0x251: {  	v3 =	vmax.f32 v3, $0.0e+00  }
0x252: {  	[tilespmem:s15+$0xC630] =	vst v3  }
0x253: {  	v3 =	vld [tilespmem:s13+$0x640]  }
0x254: {  	v56 =	vld [tilespmem:s13+$0x2640];
	_ =	sdelay $0x1  }
0x255: {  	v57 =	vld [tilespmem:s14+$0x8640];
	_ =	sdelay $0x2  }
0x256: {  	v3 =	vadd.f32 v56, v3;
	_ =	sdelay $0x1  }
0x257: {  	v3 =	vadd.f32 v57, v3;
	_ =	sdelay $0x1  }
0x258: {  	v3 =	vmax.f32 v3, $0.0e+00  }
0x259: {  	[tilespmem:s15+$0xC640] =	vst v3  }
0x25a: {  	v3 =	vld [tilespmem:s13+$0x650]  }
0x25b: {  	v58 =	vld [tilespmem:s13+$0x2650];
	_ =	sdelay $0x1  }
0x25c: {  	v59 =	vld [tilespmem:s14+$0x8650];
	_ =	sdelay $0x2  }
0x25d: {  	v3 =	vadd.f32 v58, v3;
	_ =	sdelay $0x1  }
0x25e: {  	v3 =	vadd.f32 v59, v3;
	_ =	sdelay $0x1  }
0x25f: {  	v3 =	vmax.f32 v3, $0.0e+00  }
0x260: {  	[tilespmem:s15+$0xC650] =	vst v3  }
0x261: {  	v3 =	vld [tilespmem:s13+$0x660]  }
0x262: {  	v60 =	vld [tilespmem:s13+$0x2660];
	_ =	sdelay $0x1  }
0x263: {  	v61 =	vld [tilespmem:s14+$0x8660];
	_ =	sdelay $0x2  }
0x264: {  	v3 =	vadd.f32 v60, v3;
	_ =	sdelay $0x1  }
0x265: {  	v3 =	vadd.f32 v61, v3;
	_ =	sdelay $0x1  }
0x266: {  	v3 =	vmax.f32 v3, $0.0e+00  }
0x267: {  	[tilespmem:s15+$0xC660] =	vst v3  }
0x268: {  	v3 =	vld [tilespmem:s13+$0x670]  }
0x269: {  	v62 =	vld [tilespmem:s13+$0x2670];
	_ =	sdelay $0x1  }
0x26a: {  	v63 =	vld [tilespmem:s14+$0x8670];
	_ =	sdelay $0x2  }
0x26b: {  	p0 =	sne.s32 s12, $0x7;
	v3 =	vadd.f32 v62, v3  }
.Ltmp2:
0x26c: {  	_ = 	snop;
	(pc) =	sbr.rel @p0 .LBB2_7-.Ltmp2, $3  }
0x26d: {  	v3 =	vadd.f32 v63, v3;
	_ =	sdelay $0x1  }
0x26e: {  	v3 =	vmax.f32 v3, $0.0e+00  }
0x26f: {  	s12 =	sadd.s32 $0x1, s12;
	[tilespmem:s15+$0xC670] =	vst v3  }
0x270: {  	s9 =	sadd.s32 $0x1, s9  }
0x271: {  	p0 =	sne.s32 s9, $0x139  }
.Ltmp3:
0x272: {  	s10 =	sadd.s32 $0x180, s10;
	(pc) =	sbr.rel @p0 .LBB2_6-.Ltmp3, $4  }
0x273: {  	[spmem:s2] =	stream.indirect.scatter.add.f32 [tilespmem:s22], [sflag:$0x4], $0x80, s10, s30, $0xb8;
	[tilespmem:$0x1AE80] =	vst v63  }
0x274: {  	_ =	swait.ge [sflag:s23], $0x2000  }
0x275: {  	[sflag:s23] =	ssyncset.done $0x0  }
0x276: {  	[sflag:s23] =	ssyncadd.s32 $0xFFFFE000  }
0x277: {  	_ =	swait.ge [sflag:s25], $0x4000  }
0x278: {  	[sflag:s25] =	ssyncset.done $0x0  }
0x279: {  	[sflag:s25] =	ssyncadd.s32 $0xFFFFC000  }
0x27a: {  	_ =	swait.ge [sflag:s29], $0x2000  }
0x27b: {  	[sflag:s29] =	ssyncset.done $0x0  }
0x27c: {  	[sflag:s29] =	ssyncadd.s32 $0xFFFFE000  }
0x27d: {  	_ =	swait.ge [sflag:s0], $0x40  }
0x27e: {  	[sflag:s0] =	ssyncset.done $0x0  }
0x27f: {  	[sflag:s0] =	ssyncadd.s32 $0xFFFFFFC0  }
0x280: {  	_ =	swait.ge [sflag:s0], $0x40  }
0x281: {  	[sflag:s0] =	ssyncset.done $0x0  }
0x282: {  	s9 =	sshll.u32 s1, $0x6;
	[sflag:s0] =	ssyncadd.s32 $0xFFFFFFC0  }
0x283: {  	s9 =	sor.u32 $0x1C04, s9;
	[bflag:$0x0] =	sbarrier.arrive $0xFFFF  }
0x284: {  	[hbm:s19], [sflag:s9] =	dma.local [spmem:s24], $0x1480  }
0x285: {  	s3 =	sadd.s32 $0x1, s3;
	_ =	swait.ge [sflag:s23], $0x1480  }
0x286: {  	p0 =	sne.s32 s3, s21;
	[sflag:s23] =	ssyncset.done $0x0  }
.Ltmp4:
0x287: {  	s15 =	simm.s32 $0x400;
	[sflag:s23] =	ssyncadd.s32 $0xFFFFEB80;
	(pc) =	sbr.rel @p0 .LBB2_1-.Ltmp4, $4  }
0x288: {  	[hbm4b:s20+s28] =	stream.strided.scatter [tilespmem:s26], [sflag:$0x4], $0x2800, s15, s28, $0x38;
	[tilespmem:$0x1AE80] =	vst v63  }
0x289: {  	_ =	swait.ge [sflag:s23], $0x2800  }
0x28a: {  	[sflag:s23] =	ssyncset.done $0x0  }
0x28b: {  	[sflag:s23] =	ssyncadd.s32 $0xFFFFD800  }
0x28c: {  	_ =	sfence.sel $0x180000  }
0x28d: {  	[bflag:$0x0] =	sbarrier.arrive $0xFFFF  }
0x28e: {  	_ =	strace $0x90000047  }
0x28f: {  	[bflag:$0x2] =	sbarrier.arrive $0xFFFF  }
0x290: {  	p0 =	sne.s32 s1, $0x0;
	s0 =	rddreg [dreg:$0x3]  }
0x291: {  	s0 =	sadd.s32 @!p0 $0x100000, s0  }
0x292: {  	[sflag:s0] =	ssyncadd.tile.s32 @!p0 $0x1;
	_ =	shalt  }
.Lfunc_end2:
_tile_overlayer_lowered:
.L_overlay_start_2:
0x293: {  	(tag) =	ssettag $0x2  }
0x294: {  	s0 =	rddreg [dreg:$0x0];
	s2 =	stileid.u32  }
0x295: {  	s1 =	rddreg [dreg:$0x1];
	p0 =	sne.s32 s2, $0x0  }
0x296: {  	s3 =	rddreg [dreg:$0x2];
	[bflag:$0x3] =	sbarrier.arrive $0xFFFF;
	s2 =	simm.s32 @!p0 $0x1C04  }
0x297: {  	[timem:s3], [sflag:s2] =	dma.local @!p0 [hbm:s0], s1  }
0x298: {  	s0 =	simm.s32 @!p0 $0x4  }
0x299: {  	_ =	swait.ge @!p0 [sflag:s0], s1  }
0x29a: {  	s1 =	ssub.s32 @!p0 $0x0, s1;
	[sflag:s0] =	ssyncset.done @!p0 $0x0  }
0x29b: {  	[sflag:s0] =	ssyncadd.s32 @!p0 s1  }
0x29c: {  	[bflag:$0x3] =	sbarrier.arrive $0xFFFF  }
0x29d: {  	_ =	shalt  }

</sc_bundles>
